<compile_context>
chip_gen: v7x
topology: tpu7x:2x2x1
jax: 0.10.2.dev20260603
libtpu: 0.0.44.dev20260713+nightly
codegen_flags: <defaults>
</compile_context>

<pallas_src>
import functools

import jax
import jax.numpy as jnp
from jax import lax
from jax.experimental import pallas as pl
from jax.experimental.pallas import tpu as pltpu
from jax.experimental.pallas import tpu_sc as plsc

VOCAB = 100000
DIM = 512
MAX_LEN = 50
BATCH = 1024

NC = 2
NS = 16
NW = NC * NS

N = MAX_LEN * BATCH
PER_W = N // NW
C = 80
K = PER_W // C
NBUF = 3
LEAD = 2

_mesh = plsc.VectorSubcoreMesh(core_axis_name="c", subcore_axis_name="s")


@functools.partial(
    pl.kernel,
    out_type=jax.ShapeDtypeStruct((N, DIM), jnp.float32),
    mesh=_mesh,
    scratch_types=[
        pltpu.VMEM((K, C), jnp.int32),
        pltpu.VMEM((NBUF, C, DIM), jnp.float32),
        [pltpu.SemaphoreType.DMA] * NBUF,
        [pltpu.SemaphoreType.DMA] * NBUF,
    ],
)
def _gather_rows(idx_hbm, table_hbm, out_hbm, idx_v, rows_v, gsems, osems):
    wid = lax.axis_index("s") * NC + lax.axis_index("c")
    chunk0 = wid * K

    pltpu.sync_copy(idx_hbm.at[wid], idx_v)

    def start_gather(k):
        s = k % NBUF
        return pltpu.async_copy(
            table_hbm.at[idx_v.at[k]], rows_v.at[s], gsems[s])

    def start_out(k):
        s = k % NBUF
        return pltpu.async_copy(
            rows_v.at[s], out_hbm.at[pl.ds((chunk0 + k) * C, C)], osems[s])

    gh = {}
    oh = {}
    for t in range(K + LEAD):
        if t < K:
            if t >= NBUF:
                oh[t - NBUF].wait()
            gh[t] = start_gather(t)
        j = t - LEAD
        if 0 <= j < K:
            gh[j].wait()
            oh[j] = start_out(j)
    for j in range(K - NBUF, K):
        oh[j].wait()


def kernel(itexts, table):
    idx = itexts.reshape(NW, K, C)
    out = _gather_rows(idx, table)
    etexts = jnp.transpose(out.reshape(MAX_LEN, BATCH, DIM), (1, 0, 2))
    text_mask = jnp.ones((BATCH, MAX_LEN), dtype=jnp.int32)
    return (etexts, text_mask)

# --- scband reference (transcript-rebuilt; emitter-appended) ---
"""Pipeline reference for scband-embedding-model-11081015623852 (READ-ONLY COPY).

The authoritative reference and input builder live on the scoring server;
editing this copy changes nothing except your own understanding.
"""

import jax, jax.numpy as jnp
import numpy as np

VOCAB = 100000
DIM = 512
MAX_LEN = 50
BATCH = 1024


def setup_inputs(seed: int = 0) -> dict:
    key = jax.random.key(seed)
    k1, k2 = jax.random.split(key)
    # padded token-id matrix, layout [max_len, batch] as in forward_encoded_texts
    itexts = jax.random.randint(k1, (MAX_LEN, BATCH), 0, VOCAB, dtype=jnp.int32)
    # learned embedding table (torch.nn.Embedding weight)
    table = jax.random.normal(k2, (VOCAB, DIM), dtype=jnp.float32)
    return {"itexts": itexts, "table": table}


def reference(itexts, table):
    # embedding lookup: etexts = embedding_layer(itexts) -> [max_len, batch, dim]
    etexts = jnp.take(table, itexts, axis=0)
    # all sequences are full length in this fixed-shape harness -> mask of ones
    # (original builds mask[b, :lengths[b]] = 1)
    text_mask = jnp.ones((itexts.shape[1], itexts.shape[0]), dtype=jnp.int32)
    # returns (etexts.transpose(0,1), text_mask) -> ([batch, max_len, dim], [batch, max_len])
    return (jnp.transpose(etexts, (1, 0, 2)), text_mask)

if __name__ == "__main__":
    import jax
    _d = setup_inputs()
    print(jax.jit(kernel)(*tuple(_d.values())))

</pallas_src>

<mosaic_0001>
#map = affine_map<(d0, d1) -> (0, 0, 0)>
#map1 = affine_map<(d0, d1) -> (0, 0)>
module attributes {stable_mosaic.version = 14 : i64} {
  func.func @_gather_rows(%arg0: i32, %arg1: i32, %arg2: memref<32x20x80xi32, #tpu.memory_space<hbm>>, %arg3: memref<100000x512xf32, #tpu.memory_space<hbm>>, %arg4: memref<51200x512xf32, #tpu.memory_space<hbm>>, %arg5: memref<20x80xi32, #tpu.memory_space<vmem>>, %arg6: memref<3x80x512xf32, #tpu.memory_space<vmem>>, %arg7: memref<!tpu.dma_semaphore, #tpu.memory_space<semaphore_mem>>, %arg8: memref<!tpu.dma_semaphore, #tpu.memory_space<semaphore_mem>>, %arg9: memref<!tpu.dma_semaphore, #tpu.memory_space<semaphore_mem>>, %arg10: memref<!tpu.dma_semaphore, #tpu.memory_space<semaphore_mem>>, %arg11: memref<!tpu.dma_semaphore, #tpu.memory_space<semaphore_mem>>, %arg12: memref<!tpu.dma_semaphore, #tpu.memory_space<semaphore_mem>>) attributes {dimension_semantics = [#tpu.dimension_semantics<core_parallel>, #tpu.dimension_semantics<subcore_parallel>], iteration_bounds = array<i64: 2, 16>, scalar_prefetch = 0 : i64, scratch_operands = 8 : i64, tpu.core_type = #tpu.core_type<sc_vector_subcore>, window_params = [{transform_indices = #map}, {transform_indices = #map1}, {transform_indices = #map1}]} {
    %mul3A = arith.constant 2 : i32
    %mul3A_0 = arith.muli %arg1, %mul3A : i32
    %add3A = arith.addi %mul3A_0, %arg0 : i32
    %mul3A_1 = arith.constant 20 : i32
    %mul3A_2 = arith.muli %add3A, %mul3A_1 : i32
    "tpu.region"() ({
      %run_scoped3A = tpu.sem_alloc : memref<!tpu.dma_semaphore, #tpu.memory_space<semaphore_mem>>
      %dma_start3A_1081 = arith.constant 0 : i32
      %dma_start3A_1082 = arith.constant 0 : i32
      %dma_start3A_1083 = tpu.memref_slice %arg2[%add3A, %dma_start3A_1081, %dma_start3A_1082] : memref<32x20x80xi32, #tpu.memory_space<hbm>> -> memref<1x20x80xi32, #tpu.memory_space<hbm>>
      %dma_start3A_1084 = tpu.memref_squeeze %dma_start3A_1083 : memref<1x20x80xi32, #tpu.memory_space<hbm>> -> memref<20x80xi32, #tpu.memory_space<hbm>>
      %dma_start3A_1085 = arith.constant 0 : i32
      %dma_start3A_1086 = arith.constant 0 : i32
      %dma_start3A_1087 = tpu.memref_slice %arg2[%add3A, %dma_start3A_1085, %dma_start3A_1086] : memref<32x20x80xi32, #tpu.memory_space<hbm>> -> memref<1x20x80xi32, #tpu.memory_space<hbm>>
      %dma_start3A_1088 = tpu.memref_squeeze %dma_start3A_1087 : memref<1x20x80xi32, #tpu.memory_space<hbm>> -> memref<20x80xi32, #tpu.memory_space<hbm>>
      tpu.enqueue_dma source(%dma_start3A_1088 : memref<20x80xi32, #tpu.memory_space<hbm>>) target(%arg5 : memref<20x80xi32, #tpu.memory_space<vmem>>) target_semaphore(%run_scoped3A : memref<!tpu.dma_semaphore, #tpu.memory_space<semaphore_mem>>)
      %dma_wait3A_1089 = arith.constant 0 : i32
      %dma_wait3A_1090 = arith.constant 0 : i32
      %dma_wait3A_1091 = tpu.memref_slice %arg2[%add3A, %dma_wait3A_1089, %dma_wait3A_1090] : memref<32x20x80xi32, #tpu.memory_space<hbm>> -> memref<1x20x80xi32, #tpu.memory_space<hbm>>
      %dma_wait3A_1092 = tpu.memref_squeeze %dma_wait3A_1091 : memref<1x20x80xi32, #tpu.memory_space<hbm>> -> memref<20x80xi32, #tpu.memory_space<hbm>>
      %dma_wait3A_1093 = arith.constant 0 : i32
      %dma_wait3A_1094 = arith.constant 0 : i32
      %dma_wait3A_1095 = tpu.memref_slice %arg2[%add3A, %dma_wait3A_1093, %dma_wait3A_1094] : memref<32x20x80xi32, #tpu.memory_space<hbm>> -> memref<1x20x80xi32, #tpu.memory_space<hbm>>
      %dma_wait3A_1096 = tpu.memref_squeeze %dma_wait3A_1095 : memref<1x20x80xi32, #tpu.memory_space<hbm>> -> memref<20x80xi32, #tpu.memory_space<hbm>>
      tpu.wait_dma2 semaphore(%run_scoped3A : memref<!tpu.dma_semaphore, #tpu.memory_space<semaphore_mem>>) src(%dma_wait3A_1096 : memref<20x80xi32, #tpu.memory_space<hbm>>) dst(%arg5 : memref<20x80xi32, #tpu.memory_space<vmem>>)
      tpu.yield
    }) : () -> ()
    %dma_start3A = arith.constant 0 : i32
    %dma_start3A_3 = arith.constant 0 : i32
    %dma_start3A_4 = arith.constant 0 : i32
    %dma_start3A_5 = arith.constant 0 : i32
    %dma_start3A_6 = tpu.memref_slice %arg6[%dma_start3A_3, %dma_start3A_4, %dma_start3A_5] : memref<3x80x512xf32, #tpu.memory_space<vmem>> -> memref<1x80x512xf32, #tpu.memory_space<vmem>>
    %dma_start3A_7 = tpu.memref_squeeze %dma_start3A_6 : memref<1x80x512xf32, #tpu.memory_space<vmem>> -> memref<80x512xf32, #tpu.memory_space<vmem>>
    %dma_start3A_8 = arith.constant 0 : i32
    %dma_start3A_9 = tpu.memref_slice %arg5[%dma_start3A, %dma_start3A_8] : memref<20x80xi32, #tpu.memory_space<vmem>> -> memref<1x80xi32, #tpu.memory_space<vmem>>
    %dma_start3A_10 = tpu.memref_squeeze %dma_start3A_9 : memref<1x80xi32, #tpu.memory_space<vmem>> -> memref<80xi32, #tpu.memory_space<vmem>>
    %dma_start3A_11 = arith.constant 0 : i32
    %dma_start3A_12 = arith.constant 0 : i32
    %dma_start3A_13 = tpu.memref_slice %arg3[%dma_start3A_11, %dma_start3A_12] : memref<100000x512xf32, #tpu.memory_space<hbm>> -> memref<100000x512xf32, #tpu.memory_space<hbm>>
    tpu.enqueue_indirect_dma source(%dma_start3A_13 : memref<100000x512xf32, #tpu.memory_space<hbm>>) target(%dma_start3A_7 : memref<80x512xf32, #tpu.memory_space<vmem>>) offsets(%dma_start3A_10 : memref<80xi32, #tpu.memory_space<vmem>>) semaphore(%arg7 : memref<!tpu.dma_semaphore, #tpu.memory_space<semaphore_mem>>)
    %dma_start3A_14 = arith.constant 1 : i32
    %dma_start3A_15 = arith.constant 1 : i32
    %dma_start3A_16 = arith.constant 0 : i32
    %dma_start3A_17 = arith.constant 0 : i32
    %dma_start3A_18 = tpu.memref_slice %arg6[%dma_start3A_15, %dma_start3A_16, %dma_start3A_17] : memref<3x80x512xf32, #tpu.memory_space<vmem>> -> memref<1x80x512xf32, #tpu.memory_space<vmem>>
    %dma_start3A_19 = tpu.memref_squeeze %dma_start3A_18 : memref<1x80x512xf32, #tpu.memory_space<vmem>> -> memref<80x512xf32, #tpu.memory_space<vmem>>
    %dma_start3A_20 = arith.constant 0 : i32
    %dma_start3A_21 = tpu.memref_slice %arg5[%dma_start3A_14, %dma_start3A_20] : memref<20x80xi32, #tpu.memory_space<vmem>> -> memref<1x80xi32, #tpu.memory_space<vmem>>
    %dma_start3A_22 = tpu.memref_squeeze %dma_start3A_21 : memref<1x80xi32, #tpu.memory_space<vmem>> -> memref<80xi32, #tpu.memory_space<vmem>>
    %dma_start3A_23 = arith.constant 0 : i32
    %dma_start3A_24 = arith.constant 0 : i32
    %dma_start3A_25 = tpu.memref_slice %arg3[%dma_start3A_23, %dma_start3A_24] : memref<100000x512xf32, #tpu.memory_space<hbm>> -> memref<100000x512xf32, #tpu.memory_space<hbm>>
    tpu.enqueue_indirect_dma source(%dma_start3A_25 : memref<100000x512xf32, #tpu.memory_space<hbm>>) target(%dma_start3A_19 : memref<80x512xf32, #tpu.memory_space<vmem>>) offsets(%dma_start3A_22 : memref<80xi32, #tpu.memory_space<vmem>>) semaphore(%arg8 : memref<!tpu.dma_semaphore, #tpu.memory_space<semaphore_mem>>)
    %dma_start3A_26 = arith.constant 2 : i32
    %dma_start3A_27 = arith.constant 2 : i32
    %dma_start3A_28 = arith.constant 0 : i32
    %dma_start3A_29 = arith.constant 0 : i32
    %dma_start3A_30 = tpu.memref_slice %arg6[%dma_start3A_27, %dma_start3A_28, %dma_start3A_29] : memref<3x80x512xf32, #tpu.memory_space<vmem>> -> memref<1x80x512xf32, #tpu.memory_space<vmem>>
    %dma_start3A_31 = tpu.memref_squeeze %dma_start3A_30 : memref<1x80x512xf32, #tpu.memory_space<vmem>> -> memref<80x512xf32, #tpu.memory_space<vmem>>
    %dma_start3A_32 = arith.constant 0 : i32
    %dma_start3A_33 = tpu.memref_slice %arg5[%dma_start3A_26, %dma_start3A_32] : memref<20x80xi32, #tpu.memory_space<vmem>> -> memref<1x80xi32, #tpu.memory_space<vmem>>
    %dma_start3A_34 = tpu.memref_squeeze %dma_start3A_33 : memref<1x80xi32, #tpu.memory_space<vmem>> -> memref<80xi32, #tpu.memory_space<vmem>>
    %dma_start3A_35 = arith.constant 0 : i32
    %dma_start3A_36 = arith.constant 0 : i32
    %dma_start3A_37 = tpu.memref_slice %arg3[%dma_start3A_35, %dma_start3A_36] : memref<100000x512xf32, #tpu.memory_space<hbm>> -> memref<100000x512xf32, #tpu.memory_space<hbm>>
    tpu.enqueue_indirect_dma source(%dma_start3A_37 : memref<100000x512xf32, #tpu.memory_space<hbm>>) target(%dma_start3A_31 : memref<80x512xf32, #tpu.memory_space<vmem>>) offsets(%dma_start3A_34 : memref<80xi32, #tpu.memory_space<vmem>>) semaphore(%arg9 : memref<!tpu.dma_semaphore, #tpu.memory_space<semaphore_mem>>)
    %dma_wait3A = arith.constant 0 : i32
    %dma_wait3A_38 = arith.constant 0 : i32
    %dma_wait3A_39 = arith.constant 0 : i32
    %dma_wait3A_40 = arith.constant 0 : i32
    %dma_wait3A_41 = tpu.memref_slice %arg6[%dma_wait3A_38, %dma_wait3A_39, %dma_wait3A_40] : memref<3x80x512xf32, #tpu.memory_space<vmem>> -> memref<1x80x512xf32, #tpu.memory_space<vmem>>
    %dma_wait3A_42 = tpu.memref_squeeze %dma_wait3A_41 : memref<1x80x512xf32, #tpu.memory_space<vmem>> -> memref<80x512xf32, #tpu.memory_space<vmem>>
    %dma_wait3A_43 = arith.constant 0 : i32
    %dma_wait3A_44 = tpu.memref_slice %arg5[%dma_wait3A, %dma_wait3A_43] : memref<20x80xi32, #tpu.memory_space<vmem>> -> memref<1x80xi32, #tpu.memory_space<vmem>>
    %dma_wait3A_45 = tpu.memref_squeeze %dma_wait3A_44 : memref<1x80xi32, #tpu.memory_space<vmem>> -> memref<80xi32, #tpu.memory_space<vmem>>
    %dma_wait3A_46 = arith.constant 0 : i32
    %dma_wait3A_47 = arith.constant 0 : i32
    %dma_wait3A_48 = tpu.memref_slice %arg3[%dma_wait3A_46, %dma_wait3A_47] : memref<100000x512xf32, #tpu.memory_space<hbm>> -> memref<100000x512xf32, #tpu.memory_space<hbm>>
    tpu.wait_indirect_dma semaphore(%arg7 : memref<!tpu.dma_semaphore, #tpu.memory_space<semaphore_mem>>) src(%dma_wait3A_48 : memref<100000x512xf32, #tpu.memory_space<hbm>>) dst(%dma_wait3A_42 : memref<80x512xf32, #tpu.memory_space<vmem>>)
    %add3A_49 = arith.constant 0 : i32
    %add3A_50 = arith.addi %mul3A_2, %add3A_49 : i32
    %mul3A_51 = arith.constant 80 : i32
    %mul3A_52 = arith.muli %add3A_50, %mul3A_51 : i32
    %dma_start3A_53 = arith.constant 0 : i32
    %dma_start3A_54 = arith.constant 0 : i32
    %dma_start3A_55 = arith.constant 0 : i32
    %dma_start3A_56 = tpu.memref_slice %arg6[%dma_start3A_53, %dma_start3A_54, %dma_start3A_55] : memref<3x80x512xf32, #tpu.memory_space<vmem>> -> memref<1x80x512xf32, #tpu.memory_space<vmem>>
    %dma_start3A_57 = tpu.memref_squeeze %dma_start3A_56 : memref<1x80x512xf32, #tpu.memory_space<vmem>> -> memref<80x512xf32, #tpu.memory_space<vmem>>
    %dma_start3A_58 = arith.constant 0 : i32
    %dma_start3A_59 = tpu.memref_slice %arg4[%mul3A_52, %dma_start3A_58] : memref<51200x512xf32, #tpu.memory_space<hbm>> -> memref<80x512xf32, #tpu.memory_space<hbm>>
    %dma_start3A_60 = arith.constant 0 : i32
    %dma_start3A_61 = tpu.memref_slice %arg4[%mul3A_52, %dma_start3A_60] : memref<51200x512xf32, #tpu.memory_space<hbm>> -> memref<80x512xf32, #tpu.memory_space<hbm>>
    %dma_start3A_62 = arith.constant 0 : i32
    %dma_start3A_63 = arith.constant 0 : i32
    %dma_start3A_64 = tpu.memref_slice %arg6[%dma_start3A_53, %dma_start3A_62, %dma_start3A_63] : memref<3x80x512xf32, #tpu.memory_space<vmem>> -> memref<1x80x512xf32, #tpu.memory_space<vmem>>
    %dma_start3A_65 = tpu.memref_squeeze %dma_start3A_64 : memref<1x80x512xf32, #tpu.memory_space<vmem>> -> memref<80x512xf32, #tpu.memory_space<vmem>>
    tpu.enqueue_dma source(%dma_start3A_65 : memref<80x512xf32, #tpu.memory_space<vmem>>) target(%dma_start3A_61 : memref<80x512xf32, #tpu.memory_space<hbm>>) target_semaphore(%arg10 : memref<!tpu.dma_semaphore, #tpu.memory_space<semaphore_mem>>)
    %dma_wait3A_66 = arith.constant 0 : i32
    %dma_wait3A_67 = arith.constant 0 : i32
    %dma_wait3A_68 = arith.constant 0 : i32
    %dma_wait3A_69 = tpu.memref_slice %arg6[%dma_wait3A_66, %dma_wait3A_67, %dma_wait3A_68] : memref<3x80x512xf32, #tpu.memory_space<vmem>> -> memref<1x80x512xf32, #tpu.memory_space<vmem>>
    %dma_wait3A_70 = tpu.memref_squeeze %dma_wait3A_69 : memref<1x80x512xf32, #tpu.memory_space<vmem>> -> memref<80x512xf32, #tpu.memory_space<vmem>>
    %dma_wait3A_71 = arith.constant 0 : i32
    %dma_wait3A_72 = tpu.memref_slice %arg4[%mul3A_52, %dma_wait3A_71] : memref<51200x512xf32, #tpu.memory_space<hbm>> -> memref<80x512xf32, #tpu.memory_space<hbm>>
    %dma_wait3A_73 = arith.constant 0 : i32
    %dma_wait3A_74 = tpu.memref_slice %arg4[%mul3A_52, %dma_wait3A_73] : memref<51200x512xf32, #tpu.memory_space<hbm>> -> memref<80x512xf32, #tpu.memory_space<hbm>>
    %dma_wait3A_75 = arith.constant 0 : i32
    %dma_wait3A_76 = arith.constant 0 : i32
    %dma_wait3A_77 = tpu.memref_slice %arg6[%dma_wait3A_66, %dma_wait3A_75, %dma_wait3A_76] : memref<3x80x512xf32, #tpu.memory_space<vmem>> -> memref<1x80x512xf32, #tpu.memory_space<vmem>>
    %dma_wait3A_78 = tpu.memref_squeeze %dma_wait3A_77 : memref<1x80x512xf32, #tpu.memory_space<vmem>> -> memref<80x512xf32, #tpu.memory_space<vmem>>
    tpu.wait_dma2 semaphore(%arg10 : memref<!tpu.dma_semaphore, #tpu.memory_space<semaphore_mem>>) src(%dma_wait3A_78 : memref<80x512xf32, #tpu.memory_space<vmem>>) dst(%dma_wait3A_74 : memref<80x512xf32, #tpu.memory_space<hbm>>)
    %dma_start3A_79 = arith.constant 3 : i32
    %dma_start3A_80 = arith.constant 0 : i32
    %dma_start3A_81 = arith.constant 0 : i32
    %dma_start3A_82 = arith.constant 0 : i32
    %dma_start3A_83 = tpu.memref_slice %arg6[%dma_start3A_80, %dma_start3A_81, %dma_start3A_82] : memref<3x80x512xf32, #tpu.memory_space<vmem>> -> memref<1x80x512xf32, #tpu.memory_space<vmem>>
    %dma_start3A_84 = tpu.memref_squeeze %dma_start3A_83 : memref<1x80x512xf32, #tpu.memory_space<vmem>> -> memref<80x512xf32, #tpu.memory_space<vmem>>
    %dma_start3A_85 = arith.constant 0 : i32
    %dma_start3A_86 = tpu.memref_slice %arg5[%dma_start3A_79, %dma_start3A_85] : memref<20x80xi32, #tpu.memory_space<vmem>> -> memref<1x80xi32, #tpu.memory_space<vmem>>
    %dma_start3A_87 = tpu.memref_squeeze %dma_start3A_86 : memref<1x80xi32, #tpu.memory_space<vmem>> -> memref<80xi32, #tpu.memory_space<vmem>>
    %dma_start3A_88 = arith.constant 0 : i32
    %dma_start3A_89 = arith.constant 0 : i32
    %dma_start3A_90 = tpu.memref_slice %arg3[%dma_start3A_88, %dma_start3A_89] : memref<100000x512xf32, #tpu.memory_space<hbm>> -> memref<100000x512xf32, #tpu.memory_space<hbm>>
    tpu.enqueue_indirect_dma source(%dma_start3A_90 : memref<100000x512xf32, #tpu.memory_space<hbm>>) target(%dma_start3A_84 : memref<80x512xf32, #tpu.memory_space<vmem>>) offsets(%dma_start3A_87 : memref<80xi32, #tpu.memory_space<vmem>>) semaphore(%arg7 : memref<!tpu.dma_semaphore, #tpu.memory_space<semaphore_mem>>)
    %dma_wait3A_91 = arith.constant 1 : i32
    %dma_wait3A_92 = arith.constant 1 : i32
    %dma_wait3A_93 = arith.constant 0 : i32
    %dma_wait3A_94 = arith.constant 0 : i32
    %dma_wait3A_95 = tpu.memref_slice %arg6[%dma_wait3A_92, %dma_wait3A_93, %dma_wait3A_94] : memref<3x80x512xf32, #tpu.memory_space<vmem>> -> memref<1x80x512xf32, #tpu.memory_space<vmem>>
    %dma_wait3A_96 = tpu.memref_squeeze %dma_wait3A_95 : memref<1x80x512xf32, #tpu.memory_space<vmem>> -> memref<80x512xf32, #tpu.memory_space<vmem>>
    %dma_wait3A_97 = arith.constant 0 : i32
    %dma_wait3A_98 = tpu.memref_slice %arg5[%dma_wait3A_91, %dma_wait3A_97] : memref<20x80xi32, #tpu.memory_space<vmem>> -> memref<1x80xi32, #tpu.memory_space<vmem>>
    %dma_wait3A_99 = tpu.memref_squeeze %dma_wait3A_98 : memref<1x80xi32, #tpu.memory_space<vmem>> -> memref<80xi32, #tpu.memory_space<vmem>>
    %dma_wait3A_100 = arith.constant 0 : i32
    %dma_wait3A_101 = arith.constant 0 : i32
    %dma_wait3A_102 = tpu.memref_slice %arg3[%dma_wait3A_100, %dma_wait3A_101] : memref<100000x512xf32, #tpu.memory_space<hbm>> -> memref<100000x512xf32, #tpu.memory_space<hbm>>
    tpu.wait_indirect_dma semaphore(%arg8 : memref<!tpu.dma_semaphore, #tpu.memory_space<semaphore_mem>>) src(%dma_wait3A_102 : memref<100000x512xf32, #tpu.memory_space<hbm>>) dst(%dma_wait3A_96 : memref<80x512xf32, #tpu.memory_space<vmem>>)
    %add3A_103 = arith.constant 1 : i32
    %add3A_104 = arith.addi %mul3A_2, %add3A_103 : i32
    %mul3A_105 = arith.constant 80 : i32
    %mul3A_106 = arith.muli %add3A_104, %mul3A_105 : i32
    %dma_start3A_107 = arith.constant 1 : i32
    %dma_start3A_108 = arith.constant 0 : i32
    %dma_start3A_109 = arith.constant 0 : i32
    %dma_start3A_110 = tpu.memref_slice %arg6[%dma_start3A_107, %dma_start3A_108, %dma_start3A_109] : memref<3x80x512xf32, #tpu.memory_space<vmem>> -> memref<1x80x512xf32, #tpu.memory_space<vmem>>
    %dma_start3A_111 = tpu.memref_squeeze %dma_start3A_110 : memref<1x80x512xf32, #tpu.memory_space<vmem>> -> memref<80x512xf32, #tpu.memory_space<vmem>>
    %dma_start3A_112 = arith.constant 0 : i32
    %dma_start3A_113 = tpu.memref_slice %arg4[%mul3A_106, %dma_start3A_112] : memref<51200x512xf32, #tpu.memory_space<hbm>> -> memref<80x512xf32, #tpu.memory_space<hbm>>
    %dma_start3A_114 = arith.constant 0 : i32
    %dma_start3A_115 = tpu.memref_slice %arg4[%mul3A_106, %dma_start3A_114] : memref<51200x512xf32, #tpu.memory_space<hbm>> -> memref<80x512xf32, #tpu.memory_space<hbm>>
    %dma_start3A_116 = arith.constant 0 : i32
    %dma_start3A_117 = arith.constant 0 : i32
    %dma_start3A_118 = tpu.memref_slice %arg6[%dma_start3A_107, %dma_start3A_116, %dma_start3A_117] : memref<3x80x512xf32, #tpu.memory_space<vmem>> -> memref<1x80x512xf32, #tpu.memory_space<vmem>>
    %dma_start3A_119 = tpu.memref_squeeze %dma_start3A_118 : memref<1x80x512xf32, #tpu.memory_space<vmem>> -> memref<80x512xf32, #tpu.memory_space<vmem>>
    tpu.enqueue_dma source(%dma_start3A_119 : memref<80x512xf32, #tpu.memory_space<vmem>>) target(%dma_start3A_115 : memref<80x512xf32, #tpu.memory_space<hbm>>) target_semaphore(%arg11 : memref<!tpu.dma_semaphore, #tpu.memory_space<semaphore_mem>>)
    %dma_wait3A_120 = arith.constant 1 : i32
    %dma_wait3A_121 = arith.constant 0 : i32
    %dma_wait3A_122 = arith.constant 0 : i32
    %dma_wait3A_123 = tpu.memref_slice %arg6[%dma_wait3A_120, %dma_wait3A_121, %dma_wait3A_122] : memref<3x80x512xf32, #tpu.memory_space<vmem>> -> memref<1x80x512xf32, #tpu.memory_space<vmem>>
    %dma_wait3A_124 = tpu.memref_squeeze %dma_wait3A_123 : memref<1x80x512xf32, #tpu.memory_space<vmem>> -> memref<80x512xf32, #tpu.memory_space<vmem>>
    %dma_wait3A_125 = arith.constant 0 : i32
    %dma_wait3A_126 = tpu.memref_slice %arg4[%mul3A_106, %dma_wait3A_125] : memref<51200x512xf32, #tpu.memory_space<hbm>> -> memref<80x512xf32, #tpu.memory_space<hbm>>
    %dma_wait3A_127 = arith.constant 0 : i32
    %dma_wait3A_128 = tpu.memref_slice %arg4[%mul3A_106, %dma_wait3A_127] : memref<51200x512xf32, #tpu.memory_space<hbm>> -> memref<80x512xf32, #tpu.memory_space<hbm>>
    %dma_wait3A_129 = arith.constant 0 : i32
    %dma_wait3A_130 = arith.constant 0 : i32
    %dma_wait3A_131 = tpu.memref_slice %arg6[%dma_wait3A_120, %dma_wait3A_129, %dma_wait3A_130] : memref<3x80x512xf32, #tpu.memory_space<vmem>> -> memref<1x80x512xf32, #tpu.memory_space<vmem>>
    %dma_wait3A_132 = tpu.memref_squeeze %dma_wait3A_131 : memref<1x80x512xf32, #tpu.memory_space<vmem>> -> memref<80x512xf32, #tpu.memory_space<vmem>>
    tpu.wait_dma2 semaphore(%arg11 : memref<!tpu.dma_semaphore, #tpu.memory_space<semaphore_mem>>) src(%dma_wait3A_132 : memref<80x512xf32, #tpu.memory_space<vmem>>) dst(%dma_wait3A_128 : memref<80x512xf32, #tpu.memory_space<hbm>>)
    %dma_start3A_133 = arith.constant 4 : i32
    %dma_start3A_134 = arith.constant 1 : i32
    %dma_start3A_135 = arith.constant 0 : i32
    %dma_start3A_136 = arith.constant 0 : i32
    %dma_start3A_137 = tpu.memref_slice %arg6[%dma_start3A_134, %dma_start3A_135, %dma_start3A_136] : memref<3x80x512xf32, #tpu.memory_space<vmem>> -> memref<1x80x512xf32, #tpu.memory_space<vmem>>
    %dma_start3A_138 = tpu.memref_squeeze %dma_start3A_137 : memref<1x80x512xf32, #tpu.memory_space<vmem>> -> memref<80x512xf32, #tpu.memory_space<vmem>>
    %dma_start3A_139 = arith.constant 0 : i32
    %dma_start3A_140 = tpu.memref_slice %arg5[%dma_start3A_133, %dma_start3A_139] : memref<20x80xi32, #tpu.memory_space<vmem>> -> memref<1x80xi32, #tpu.memory_space<vmem>>
    %dma_start3A_141 = tpu.memref_squeeze %dma_start3A_140 : memref<1x80xi32, #tpu.memory_space<vmem>> -> memref<80xi32, #tpu.memory_space<vmem>>
    %dma_start3A_142 = arith.constant 0 : i32
    %dma_start3A_143 = arith.constant 0 : i32
    %dma_start3A_144 = tpu.memref_slice %arg3[%dma_start3A_142, %dma_start3A_143] : memref<100000x512xf32, #tpu.memory_space<hbm>> -> memref<100000x512xf32, #tpu.memory_space<hbm>>
    tpu.enqueue_indirect_dma source(%dma_start3A_144 : memref<100000x512xf32, #tpu.memory_space<hbm>>) target(%dma_start3A_138 : memref<80x512xf32, #tpu.memory_space<vmem>>) offsets(%dma_start3A_141 : memref<80xi32, #tpu.memory_space<vmem>>) semaphore(%arg8 : memref<!tpu.dma_semaphore, #tpu.memory_space<semaphore_mem>>)
    %dma_wait3A_145 = arith.constant 2 : i32
    %dma_wait3A_146 = arith.constant 2 : i32
    %dma_wait3A_147 = arith.constant 0 : i32
    %dma_wait3A_148 = arith.constant 0 : i32
    %dma_wait3A_149 = tpu.memref_slice %arg6[%dma_wait3A_146, %dma_wait3A_147, %dma_wait3A_148] : memref<3x80x512xf32, #tpu.memory_space<vmem>> -> memref<1x80x512xf32, #tpu.memory_space<vmem>>
    %dma_wait3A_150 = tpu.memref_squeeze %dma_wait3A_149 : memref<1x80x512xf32, #tpu.memory_space<vmem>> -> memref<80x512xf32, #tpu.memory_space<vmem>>
    %dma_wait3A_151 = arith.constant 0 : i32
    %dma_wait3A_152 = tpu.memref_slice %arg5[%dma_wait3A_145, %dma_wait3A_151] : memref<20x80xi32, #tpu.memory_space<vmem>> -> memref<1x80xi32, #tpu.memory_space<vmem>>
    %dma_wait3A_153 = tpu.memref_squeeze %dma_wait3A_152 : memref<1x80xi32, #tpu.memory_space<vmem>> -> memref<80xi32, #tpu.memory_space<vmem>>
    %dma_wait3A_154 = arith.constant 0 : i32
    %dma_wait3A_155 = arith.constant 0 : i32
    %dma_wait3A_156 = tpu.memref_slice %arg3[%dma_wait3A_154, %dma_wait3A_155] : memref<100000x512xf32, #tpu.memory_space<hbm>> -> memref<100000x512xf32, #tpu.memory_space<hbm>>
    tpu.wait_indirect_dma semaphore(%arg9 : memref<!tpu.dma_semaphore, #tpu.memory_space<semaphore_mem>>) src(%dma_wait3A_156 : memref<100000x512xf32, #tpu.memory_space<hbm>>) dst(%dma_wait3A_150 : memref<80x512xf32, #tpu.memory_space<vmem>>)
    %add3A_157 = arith.constant 2 : i32
    %add3A_158 = arith.addi %mul3A_2, %add3A_157 : i32
    %mul3A_159 = arith.constant 80 : i32
    %mul3A_160 = arith.muli %add3A_158, %mul3A_159 : i32
    %dma_start3A_161 = arith.constant 2 : i32
    %dma_start3A_162 = arith.constant 0 : i32
    %dma_start3A_163 = arith.constant 0 : i32
    %dma_start3A_164 = tpu.memref_slice %arg6[%dma_start3A_161, %dma_start3A_162, %dma_start3A_163] : memref<3x80x512xf32, #tpu.memory_space<vmem>> -> memref<1x80x512xf32, #tpu.memory_space<vmem>>
    %dma_start3A_165 = tpu.memref_squeeze %dma_start3A_164 : memref<1x80x512xf32, #tpu.memory_space<vmem>> -> memref<80x512xf32, #tpu.memory_space<vmem>>
    %dma_start3A_166 = arith.constant 0 : i32
    %dma_start3A_167 = tpu.memref_slice %arg4[%mul3A_160, %dma_start3A_166] : memref<51200x512xf32, #tpu.memory_space<hbm>> -> memref<80x512xf32, #tpu.memory_space<hbm>>
    %dma_start3A_168 = arith.constant 0 : i32
    %dma_start3A_169 = tpu.memref_slice %arg4[%mul3A_160, %dma_start3A_168] : memref<51200x512xf32, #tpu.memory_space<hbm>> -> memref<80x512xf32, #tpu.memory_space<hbm>>
    %dma_start3A_170 = arith.constant 0 : i32
    %dma_start3A_171 = arith.constant 0 : i32
    %dma_start3A_172 = tpu.memref_slice %arg6[%dma_start3A_161, %dma_start3A_170, %dma_start3A_171] : memref<3x80x512xf32, #tpu.memory_space<vmem>> -> memref<1x80x512xf32, #tpu.memory_space<vmem>>
    %dma_start3A_173 = tpu.memref_squeeze %dma_start3A_172 : memref<1x80x512xf32, #tpu.memory_space<vmem>> -> memref<80x512xf32, #tpu.memory_space<vmem>>
    tpu.enqueue_dma source(%dma_start3A_173 : memref<80x512xf32, #tpu.memory_space<vmem>>) target(%dma_start3A_169 : memref<80x512xf32, #tpu.memory_space<hbm>>) target_semaphore(%arg12 : memref<!tpu.dma_semaphore, #tpu.memory_space<semaphore_mem>>)
    %dma_wait3A_174 = arith.constant 2 : i32
    %dma_wait3A_175 = arith.constant 0 : i32
    %dma_wait3A_176 = arith.constant 0 : i32
    %dma_wait3A_177 = tpu.memref_slice %arg6[%dma_wait3A_174, %dma_wait3A_175, %dma_wait3A_176] : memref<3x80x512xf32, #tpu.memory_space<vmem>> -> memref<1x80x512xf32, #tpu.memory_space<vmem>>
    %dma_wait3A_178 = tpu.memref_squeeze %dma_wait3A_177 : memref<1x80x512xf32, #tpu.memory_space<vmem>> -> memref<80x512xf32, #tpu.memory_space<vmem>>
    %dma_wait3A_179 = arith.constant 0 : i32
    %dma_wait3A_180 = tpu.memref_slice %arg4[%mul3A_160, %dma_wait3A_179] : memref<51200x512xf32, #tpu.memory_space<hbm>> -> memref<80x512xf32, #tpu.memory_space<hbm>>
    %dma_wait3A_181 = arith.constant 0 : i32
    %dma_wait3A_182 = tpu.memref_slice %arg4[%mul3A_160, %dma_wait3A_181] : memref<51200x512xf32, #tpu.memory_space<hbm>> -> memref<80x512xf32, #tpu.memory_space<hbm>>
    %dma_wait3A_183 = arith.constant 0 : i32
    %dma_wait3A_184 = arith.constant 0 : i32
    %dma_wait3A_185 = tpu.memref_slice %arg6[%dma_wait3A_174, %dma_wait3A_183, %dma_wait3A_184] : memref<3x80x512xf32, #tpu.memory_space<vmem>> -> memref<1x80x512xf32, #tpu.memory_space<vmem>>
    %dma_wait3A_186 = tpu.memref_squeeze %dma_wait3A_185 : memref<1x80x512xf32, #tpu.memory_space<vmem>> -> memref<80x512xf32, #tpu.memory_space<vmem>>
    tpu.wait_dma2 semaphore(%arg12 : memref<!tpu.dma_semaphore, #tpu.memory_space<semaphore_mem>>) src(%dma_wait3A_186 : memref<80x512xf32, #tpu.memory_space<vmem>>) dst(%dma_wait3A_182 : memref<80x512xf32, #tpu.memory_space<hbm>>)
    %dma_start3A_187 = arith.constant 5 : i32
    %dma_start3A_188 = arith.constant 2 : i32
    %dma_start3A_189 = arith.constant 0 : i32
    %dma_start3A_190 = arith.constant 0 : i32
    %dma_start3A_191 = tpu.memref_slice %arg6[%dma_start3A_188, %dma_start3A_189, %dma_start3A_190] : memref<3x80x512xf32, #tpu.memory_space<vmem>> -> memref<1x80x512xf32, #tpu.memory_space<vmem>>
    %dma_start3A_192 = tpu.memref_squeeze %dma_start3A_191 : memref<1x80x512xf32, #tpu.memory_space<vmem>> -> memref<80x512xf32, #tpu.memory_space<vmem>>
    %dma_start3A_193 = arith.constant 0 : i32
    %dma_start3A_194 = tpu.memref_slice %arg5[%dma_start3A_187, %dma_start3A_193] : memref<20x80xi32, #tpu.memory_space<vmem>> -> memref<1x80xi32, #tpu.memory_space<vmem>>
    %dma_start3A_195 = tpu.memref_squeeze %dma_start3A_194 : memref<1x80xi32, #tpu.memory_space<vmem>> -> memref<80xi32, #tpu.memory_space<vmem>>
    %dma_start3A_196 = arith.constant 0 : i32
    %dma_start3A_197 = arith.constant 0 : i32
    %dma_start3A_198 = tpu.memref_slice %arg3[%dma_start3A_196, %dma_start3A_197] : memref<100000x512xf32, #tpu.memory_space<hbm>> -> memref<100000x512xf32, #tpu.memory_space<hbm>>
    tpu.enqueue_indirect_dma source(%dma_start3A_198 : memref<100000x512xf32, #tpu.memory_space<hbm>>) target(%dma_start3A_192 : memref<80x512xf32, #tpu.memory_space<vmem>>) offsets(%dma_start3A_195 : memref<80xi32, #tpu.memory_space<vmem>>) semaphore(%arg9 : memref<!tpu.dma_semaphore, #tpu.memory_space<semaphore_mem>>)
    %dma_wait3A_199 = arith.constant 3 : i32
    %dma_wait3A_200 = arith.constant 0 : i32
    %dma_wait3A_201 = arith.constant 0 : i32
    %dma_wait3A_202 = arith.constant 0 : i32
    %dma_wait3A_203 = tpu.memref_slice %arg6[%dma_wait3A_200, %dma_wait3A_201, %dma_wait3A_202] : memref<3x80x512xf32, #tpu.memory_space<vmem>> -> memref<1x80x512xf32, #tpu.memory_space<vmem>>
    %dma_wait3A_204 = tpu.memref_squeeze %dma_wait3A_203 : memref<1x80x512xf32, #tpu.memory_space<vmem>> -> memref<80x512xf32, #tpu.memory_space<vmem>>
    %dma_wait3A_205 = arith.constant 0 : i32
    %dma_wait3A_206 = tpu.memref_slice %arg5[%dma_wait3A_199, %dma_wait3A_205] : memref<20x80xi32, #tpu.memory_space<vmem>> -> memref<1x80xi32, #tpu.memory_space<vmem>>
    %dma_wait3A_207 = tpu.memref_squeeze %dma_wait3A_206 : memref<1x80xi32, #tpu.memory_space<vmem>> -> memref<80xi32, #tpu.memory_space<vmem>>
    %dma_wait3A_208 = arith.constant 0 : i32
    %dma_wait3A_209 = arith.constant 0 : i32
    %dma_wait3A_210 = tpu.memref_slice %arg3[%dma_wait3A_208, %dma_wait3A_209] : memref<100000x512xf32, #tpu.memory_space<hbm>> -> memref<100000x512xf32, #tpu.memory_space<hbm>>
    tpu.wait_indirect_dma semaphore(%arg7 : memref<!tpu.dma_semaphore, #tpu.memory_space<semaphore_mem>>) src(%dma_wait3A_210 : memref<100000x512xf32, #tpu.memory_space<hbm>>) dst(%dma_wait3A_204 : memref<80x512xf32, #tpu.memory_space<vmem>>)
    %add3A_211 = arith.constant 3 : i32
    %add3A_212 = arith.addi %mul3A_2, %add3A_211 : i32
    %mul3A_213 = arith.constant 80 : i32
    %mul3A_214 = arith.muli %add3A_212, %mul3A_213 : i32
    %dma_start3A_215 = arith.constant 0 : i32
    %dma_start3A_216 = arith.constant 0 : i32
    %dma_start3A_217 = arith.constant 0 : i32
    %dma_start3A_218 = tpu.memref_slice %arg6[%dma_start3A_215, %dma_start3A_216, %dma_start3A_217] : memref<3x80x512xf32, #tpu.memory_space<vmem>> -> memref<1x80x512xf32, #tpu.memory_space<vmem>>
    %dma_start3A_219 = tpu.memref_squeeze %dma_start3A_218 : memref<1x80x512xf32, #tpu.memory_space<vmem>> -> memref<80x512xf32, #tpu.memory_space<vmem>>
    %dma_start3A_220 = arith.constant 0 : i32
    %dma_start3A_221 = tpu.memref_slice %arg4[%mul3A_214, %dma_start3A_220] : memref<51200x512xf32, #tpu.memory_space<hbm>> -> memref<80x512xf32, #tpu.memory_space<hbm>>
    %dma_start3A_222 = arith.constant 0 : i32
    %dma_start3A_223 = tpu.memref_slice %arg4[%mul3A_214, %dma_start3A_222] : memref<51200x512xf32, #tpu.memory_space<hbm>> -> memref<80x512xf32, #tpu.memory_space<hbm>>
    %dma_start3A_224 = arith.constant 0 : i32
    %dma_start3A_225 = arith.constant 0 : i32
    %dma_start3A_226 = tpu.memref_slice %arg6[%dma_start3A_215, %dma_start3A_224, %dma_start3A_225] : memref<3x80x512xf32, #tpu.memory_space<vmem>> -> memref<1x80x512xf32, #tpu.memory_space<vmem>>
    %dma_start3A_227 = tpu.memref_squeeze %dma_start3A_226 : memref<1x80x512xf32, #tpu.memory_space<vmem>> -> memref<80x512xf32, #tpu.memory_space<vmem>>
    tpu.enqueue_dma source(%dma_start3A_227 : memref<80x512xf32, #tpu.memory_space<vmem>>) target(%dma_start3A_223 : memref<80x512xf32, #tpu.memory_space<hbm>>) target_semaphore(%arg10 : memref<!tpu.dma_semaphore, #tpu.memory_space<semaphore_mem>>)
    %dma_wait3A_228 = arith.constant 0 : i32
    %dma_wait3A_229 = arith.constant 0 : i32
    %dma_wait3A_230 = arith.constant 0 : i32
    %dma_wait3A_231 = tpu.memref_slice %arg6[%dma_wait3A_228, %dma_wait3A_229, %dma_wait3A_230] : memref<3x80x512xf32, #tpu.memory_space<vmem>> -> memref<1x80x512xf32, #tpu.memory_space<vmem>>
    %dma_wait3A_232 = tpu.memref_squeeze %dma_wait3A_231 : memref<1x80x512xf32, #tpu.memory_space<vmem>> -> memref<80x512xf32, #tpu.memory_space<vmem>>
    %dma_wait3A_233 = arith.constant 0 : i32
    %dma_wait3A_234 = tpu.memref_slice %arg4[%mul3A_214, %dma_wait3A_233] : memref<51200x512xf32, #tpu.memory_space<hbm>> -> memref<80x512xf32, #tpu.memory_space<hbm>>
    %dma_wait3A_235 = arith.constant 0 : i32
    %dma_wait3A_236 = tpu.memref_slice %arg4[%mul3A_214, %dma_wait3A_235] : memref<51200x512xf32, #tpu.memory_space<hbm>> -> memref<80x512xf32, #tpu.memory_space<hbm>>
    %dma_wait3A_237 = arith.constant 0 : i32
    %dma_wait3A_238 = arith.constant 0 : i32
    %dma_wait3A_239 = tpu.memref_slice %arg6[%dma_wait3A_228, %dma_wait3A_237, %dma_wait3A_238] : memref<3x80x512xf32, #tpu.memory_space<vmem>> -> memref<1x80x512xf32, #tpu.memory_space<vmem>>
    %dma_wait3A_240 = tpu.memref_squeeze %dma_wait3A_239 : memref<1x80x512xf32, #tpu.memory_space<vmem>> -> memref<80x512xf32, #tpu.memory_space<vmem>>
    tpu.wait_dma2 semaphore(%arg10 : memref<!tpu.dma_semaphore, #tpu.memory_space<semaphore_mem>>) src(%dma_wait3A_240 : memref<80x512xf32, #tpu.memory_space<vmem>>) dst(%dma_wait3A_236 : memref<80x512xf32, #tpu.memory_space<hbm>>)
    %dma_start3A_241 = arith.constant 6 : i32
    %dma_start3A_242 = arith.constant 0 : i32
    %dma_start3A_243 = arith.constant 0 : i32
    %dma_start3A_244 = arith.constant 0 : i32
    %dma_start3A_245 = tpu.memref_slice %arg6[%dma_start3A_242, %dma_start3A_243, %dma_start3A_244] : memref<3x80x512xf32, #tpu.memory_space<vmem>> -> memref<1x80x512xf32, #tpu.memory_space<vmem>>
    %dma_start3A_246 = tpu.memref_squeeze %dma_start3A_245 : memref<1x80x512xf32, #tpu.memory_space<vmem>> -> memref<80x512xf32, #tpu.memory_space<vmem>>
    %dma_start3A_247 = arith.constant 0 : i32
    %dma_start3A_248 = tpu.memref_slice %arg5[%dma_start3A_241, %dma_start3A_247] : memref<20x80xi32, #tpu.memory_space<vmem>> -> memref<1x80xi32, #tpu.memory_space<vmem>>
    %dma_start3A_249 = tpu.memref_squeeze %dma_start3A_248 : memref<1x80xi32, #tpu.memory_space<vmem>> -> memref<80xi32, #tpu.memory_space<vmem>>
    %dma_start3A_250 = arith.constant 0 : i32
    %dma_start3A_251 = arith.constant 0 : i32
    %dma_start3A_252 = tpu.memref_slice %arg3[%dma_start3A_250, %dma_start3A_251] : memref<100000x512xf32, #tpu.memory_space<hbm>> -> memref<100000x512xf32, #tpu.memory_space<hbm>>
    tpu.enqueue_indirect_dma source(%dma_start3A_252 : memref<100000x512xf32, #tpu.memory_space<hbm>>) target(%dma_start3A_246 : memref<80x512xf32, #tpu.memory_space<vmem>>) offsets(%dma_start3A_249 : memref<80xi32, #tpu.memory_space<vmem>>) semaphore(%arg7 : memref<!tpu.dma_semaphore, #tpu.memory_space<semaphore_mem>>)
    %dma_wait3A_253 = arith.constant 4 : i32
    %dma_wait3A_254 = arith.constant 1 : i32
    %dma_wait3A_255 = arith.constant 0 : i32
    %dma_wait3A_256 = arith.constant 0 : i32
    %dma_wait3A_257 = tpu.memref_slice %arg6[%dma_wait3A_254, %dma_wait3A_255, %dma_wait3A_256] : memref<3x80x512xf32, #tpu.memory_space<vmem>> -> memref<1x80x512xf32, #tpu.memory_space<vmem>>
    %dma_wait3A_258 = tpu.memref_squeeze %dma_wait3A_257 : memref<1x80x512xf32, #tpu.memory_space<vmem>> -> memref<80x512xf32, #tpu.memory_space<vmem>>
    %dma_wait3A_259 = arith.constant 0 : i32
    %dma_wait3A_260 = tpu.memref_slice %arg5[%dma_wait3A_253, %dma_wait3A_259] : memref<20x80xi32, #tpu.memory_space<vmem>> -> memref<1x80xi32, #tpu.memory_space<vmem>>
    %dma_wait3A_261 = tpu.memref_squeeze %dma_wait3A_260 : memref<1x80xi32, #tpu.memory_space<vmem>> -> memref<80xi32, #tpu.memory_space<vmem>>
    %dma_wait3A_262 = arith.constant 0 : i32
    %dma_wait3A_263 = arith.constant 0 : i32
    %dma_wait3A_264 = tpu.memref_slice %arg3[%dma_wait3A_262, %dma_wait3A_263] : memref<100000x512xf32, #tpu.memory_space<hbm>> -> memref<100000x512xf32, #tpu.memory_space<hbm>>
    tpu.wait_indirect_dma semaphore(%arg8 : memref<!tpu.dma_semaphore, #tpu.memory_space<semaphore_mem>>) src(%dma_wait3A_264 : memref<100000x512xf32, #tpu.memory_space<hbm>>) dst(%dma_wait3A_258 : memref<80x512xf32, #tpu.memory_space<vmem>>)
    %add3A_265 = arith.constant 4 : i32
    %add3A_266 = arith.addi %mul3A_2, %add3A_265 : i32
    %mul3A_267 = arith.constant 80 : i32
    %mul3A_268 = arith.muli %add3A_266, %mul3A_267 : i32
    %dma_start3A_269 = arith.constant 1 : i32
    %dma_start3A_270 = arith.constant 0 : i32
    %dma_start3A_271 = arith.constant 0 : i32
    %dma_start3A_272 = tpu.memref_slice %arg6[%dma_start3A_269, %dma_start3A_270, %dma_start3A_271] : memref<3x80x512xf32, #tpu.memory_space<vmem>> -> memref<1x80x512xf32, #tpu.memory_space<vmem>>
    %dma_start3A_273 = tpu.memref_squeeze %dma_start3A_272 : memref<1x80x512xf32, #tpu.memory_space<vmem>> -> memref<80x512xf32, #tpu.memory_space<vmem>>
    %dma_start3A_274 = arith.constant 0 : i32
    %dma_start3A_275 = tpu.memref_slice %arg4[%mul3A_268, %dma_start3A_274] : memref<51200x512xf32, #tpu.memory_space<hbm>> -> memref<80x512xf32, #tpu.memory_space<hbm>>
    %dma_start3A_276 = arith.constant 0 : i32
    %dma_start3A_277 = tpu.memref_slice %arg4[%mul3A_268, %dma_start3A_276] : memref<51200x512xf32, #tpu.memory_space<hbm>> -> memref<80x512xf32, #tpu.memory_space<hbm>>
    %dma_start3A_278 = arith.constant 0 : i32
    %dma_start3A_279 = arith.constant 0 : i32
    %dma_start3A_280 = tpu.memref_slice %arg6[%dma_start3A_269, %dma_start3A_278, %dma_start3A_279] : memref<3x80x512xf32, #tpu.memory_space<vmem>> -> memref<1x80x512xf32, #tpu.memory_space<vmem>>
    %dma_start3A_281 = tpu.memref_squeeze %dma_start3A_280 : memref<1x80x512xf32, #tpu.memory_space<vmem>> -> memref<80x512xf32, #tpu.memory_space<vmem>>
    tpu.enqueue_dma source(%dma_start3A_281 : memref<80x512xf32, #tpu.memory_space<vmem>>) target(%dma_start3A_277 : memref<80x512xf32, #tpu.memory_space<hbm>>) target_semaphore(%arg11 : memref<!tpu.dma_semaphore, #tpu.memory_space<semaphore_mem>>)
    %dma_wait3A_282 = arith.constant 1 : i32
    %dma_wait3A_283 = arith.constant 0 : i32
    %dma_wait3A_284 = arith.constant 0 : i32
    %dma_wait3A_285 = tpu.memref_slice %arg6[%dma_wait3A_282, %dma_wait3A_283, %dma_wait3A_284] : memref<3x80x512xf32, #tpu.memory_space<vmem>> -> memref<1x80x512xf32, #tpu.memory_space<vmem>>
    %dma_wait3A_286 = tpu.memref_squeeze %dma_wait3A_285 : memref<1x80x512xf32, #tpu.memory_space<vmem>> -> memref<80x512xf32, #tpu.memory_space<vmem>>
    %dma_wait3A_287 = arith.constant 0 : i32
    %dma_wait3A_288 = tpu.memref_slice %arg4[%mul3A_268, %dma_wait3A_287] : memref<51200x512xf32, #tpu.memory_space<hbm>> -> memref<80x512xf32, #tpu.memory_space<hbm>>
    %dma_wait3A_289 = arith.constant 0 : i32
    %dma_wait3A_290 = tpu.memref_slice %arg4[%mul3A_268, %dma_wait3A_289] : memref<51200x512xf32, #tpu.memory_space<hbm>> -> memref<80x512xf32, #tpu.memory_space<hbm>>
    %dma_wait3A_291 = arith.constant 0 : i32
    %dma_wait3A_292 = arith.constant 0 : i32
    %dma_wait3A_293 = tpu.memref_slice %arg6[%dma_wait3A_282, %dma_wait3A_291, %dma_wait3A_292] : memref<3x80x512xf32, #tpu.memory_space<vmem>> -> memref<1x80x512xf32, #tpu.memory_space<vmem>>
    %dma_wait3A_294 = tpu.memref_squeeze %dma_wait3A_293 : memref<1x80x512xf32, #tpu.memory_space<vmem>> -> memref<80x512xf32, #tpu.memory_space<vmem>>
    tpu.wait_dma2 semaphore(%arg11 : memref<!tpu.dma_semaphore, #tpu.memory_space<semaphore_mem>>) src(%dma_wait3A_294 : memref<80x512xf32, #tpu.memory_space<vmem>>) dst(%dma_wait3A_290 : memref<80x512xf32, #tpu.memory_space<hbm>>)
    %dma_start3A_295 = arith.constant 7 : i32
    %dma_start3A_296 = arith.constant 1 : i32
    %dma_start3A_297 = arith.constant 0 : i32
    %dma_start3A_298 = arith.constant 0 : i32
    %dma_start3A_299 = tpu.memref_slice %arg6[%dma_start3A_296, %dma_start3A_297, %dma_start3A_298] : memref<3x80x512xf32, #tpu.memory_space<vmem>> -> memref<1x80x512xf32, #tpu.memory_space<vmem>>
    %dma_start3A_300 = tpu.memref_squeeze %dma_start3A_299 : memref<1x80x512xf32, #tpu.memory_space<vmem>> -> memref<80x512xf32, #tpu.memory_space<vmem>>
    %dma_start3A_301 = arith.constant 0 : i32
    %dma_start3A_302 = tpu.memref_slice %arg5[%dma_start3A_295, %dma_start3A_301] : memref<20x80xi32, #tpu.memory_space<vmem>> -> memref<1x80xi32, #tpu.memory_space<vmem>>
    %dma_start3A_303 = tpu.memref_squeeze %dma_start3A_302 : memref<1x80xi32, #tpu.memory_space<vmem>> -> memref<80xi32, #tpu.memory_space<vmem>>
    %dma_start3A_304 = arith.constant 0 : i32
    %dma_start3A_305 = arith.constant 0 : i32
    %dma_start3A_306 = tpu.memref_slice %arg3[%dma_start3A_304, %dma_start3A_305] : memref<100000x512xf32, #tpu.memory_space<hbm>> -> memref<100000x512xf32, #tpu.memory_space<hbm>>
    tpu.enqueue_indirect_dma source(%dma_start3A_306 : memref<100000x512xf32, #tpu.memory_space<hbm>>) target(%dma_start3A_300 : memref<80x512xf32, #tpu.memory_space<vmem>>) offsets(%dma_start3A_303 : memref<80xi32, #tpu.memory_space<vmem>>) semaphore(%arg8 : memref<!tpu.dma_semaphore, #tpu.memory_space<semaphore_mem>>)
    %dma_wait3A_307 = arith.constant 5 : i32
    %dma_wait3A_308 = arith.constant 2 : i32
    %dma_wait3A_309 = arith.constant 0 : i32
    %dma_wait3A_310 = arith.constant 0 : i32
    %dma_wait3A_311 = tpu.memref_slice %arg6[%dma_wait3A_308, %dma_wait3A_309, %dma_wait3A_310] : memref<3x80x512xf32, #tpu.memory_space<vmem>> -> memref<1x80x512xf32, #tpu.memory_space<vmem>>
    %dma_wait3A_312 = tpu.memref_squeeze %dma_wait3A_311 : memref<1x80x512xf32, #tpu.memory_space<vmem>> -> memref<80x512xf32, #tpu.memory_space<vmem>>
    %dma_wait3A_313 = arith.constant 0 : i32
    %dma_wait3A_314 = tpu.memref_slice %arg5[%dma_wait3A_307, %dma_wait3A_313] : memref<20x80xi32, #tpu.memory_space<vmem>> -> memref<1x80xi32, #tpu.memory_space<vmem>>
    %dma_wait3A_315 = tpu.memref_squeeze %dma_wait3A_314 : memref<1x80xi32, #tpu.memory_space<vmem>> -> memref<80xi32, #tpu.memory_space<vmem>>
    %dma_wait3A_316 = arith.constant 0 : i32
    %dma_wait3A_317 = arith.constant 0 : i32
    %dma_wait3A_318 = tpu.memref_slice %arg3[%dma_wait3A_316, %dma_wait3A_317] : memref<100000x512xf32, #tpu.memory_space<hbm>> -> memref<100000x512xf32, #tpu.memory_space<hbm>>
    tpu.wait_indirect_dma semaphore(%arg9 : memref<!tpu.dma_semaphore, #tpu.memory_space<semaphore_mem>>) src(%dma_wait3A_318 : memref<100000x512xf32, #tpu.memory_space<hbm>>) dst(%dma_wait3A_312 : memref<80x512xf32, #tpu.memory_space<vmem>>)
    %add3A_319 = arith.constant 5 : i32
    %add3A_320 = arith.addi %mul3A_2, %add3A_319 : i32
    %mul3A_321 = arith.constant 80 : i32
    %mul3A_322 = arith.muli %add3A_320, %mul3A_321 : i32
    %dma_start3A_323 = arith.constant 2 : i32
    %dma_start3A_324 = arith.constant 0 : i32
    %dma_start3A_325 = arith.constant 0 : i32
    %dma_start3A_326 = tpu.memref_slice %arg6[%dma_start3A_323, %dma_start3A_324, %dma_start3A_325] : memref<3x80x512xf32, #tpu.memory_space<vmem>> -> memref<1x80x512xf32, #tpu.memory_space<vmem>>
    %dma_start3A_327 = tpu.memref_squeeze %dma_start3A_326 : memref<1x80x512xf32, #tpu.memory_space<vmem>> -> memref<80x512xf32, #tpu.memory_space<vmem>>
    %dma_start3A_328 = arith.constant 0 : i32
    %dma_start3A_329 = tpu.memref_slice %arg4[%mul3A_322, %dma_start3A_328] : memref<51200x512xf32, #tpu.memory_space<hbm>> -> memref<80x512xf32, #tpu.memory_space<hbm>>
    %dma_start3A_330 = arith.constant 0 : i32
    %dma_start3A_331 = tpu.memref_slice %arg4[%mul3A_322, %dma_start3A_330] : memref<51200x512xf32, #tpu.memory_space<hbm>> -> memref<80x512xf32, #tpu.memory_space<hbm>>
    %dma_start3A_332 = arith.constant 0 : i32
    %dma_start3A_333 = arith.constant 0 : i32
    %dma_start3A_334 = tpu.memref_slice %arg6[%dma_start3A_323, %dma_start3A_332, %dma_start3A_333] : memref<3x80x512xf32, #tpu.memory_space<vmem>> -> memref<1x80x512xf32, #tpu.memory_space<vmem>>
    %dma_start3A_335 = tpu.memref_squeeze %dma_start3A_334 : memref<1x80x512xf32, #tpu.memory_space<vmem>> -> memref<80x512xf32, #tpu.memory_space<vmem>>
    tpu.enqueue_dma source(%dma_start3A_335 : memref<80x512xf32, #tpu.memory_space<vmem>>) target(%dma_start3A_331 : memref<80x512xf32, #tpu.memory_space<hbm>>) target_semaphore(%arg12 : memref<!tpu.dma_semaphore, #tpu.memory_space<semaphore_mem>>)
    %dma_wait3A_336 = arith.constant 2 : i32
    %dma_wait3A_337 = arith.constant 0 : i32
    %dma_wait3A_338 = arith.constant 0 : i32
    %dma_wait3A_339 = tpu.memref_slice %arg6[%dma_wait3A_336, %dma_wait3A_337, %dma_wait3A_338] : memref<3x80x512xf32, #tpu.memory_space<vmem>> -> memref<1x80x512xf32, #tpu.memory_space<vmem>>
    %dma_wait3A_340 = tpu.memref_squeeze %dma_wait3A_339 : memref<1x80x512xf32, #tpu.memory_space<vmem>> -> memref<80x512xf32, #tpu.memory_space<vmem>>
    %dma_wait3A_341 = arith.constant 0 : i32
    %dma_wait3A_342 = tpu.memref_slice %arg4[%mul3A_322, %dma_wait3A_341] : memref<51200x512xf32, #tpu.memory_space<hbm>> -> memref<80x512xf32, #tpu.memory_space<hbm>>
    %dma_wait3A_343 = arith.constant 0 : i32
    %dma_wait3A_344 = tpu.memref_slice %arg4[%mul3A_322, %dma_wait3A_343] : memref<51200x512xf32, #tpu.memory_space<hbm>> -> memref<80x512xf32, #tpu.memory_space<hbm>>
    %dma_wait3A_345 = arith.constant 0 : i32
    %dma_wait3A_346 = arith.constant 0 : i32
    %dma_wait3A_347 = tpu.memref_slice %arg6[%dma_wait3A_336, %dma_wait3A_345, %dma_wait3A_346] : memref<3x80x512xf32, #tpu.memory_space<vmem>> -> memref<1x80x512xf32, #tpu.memory_space<vmem>>
    %dma_wait3A_348 = tpu.memref_squeeze %dma_wait3A_347 : memref<1x80x512xf32, #tpu.memory_space<vmem>> -> memref<80x512xf32, #tpu.memory_space<vmem>>
    tpu.wait_dma2 semaphore(%arg12 : memref<!tpu.dma_semaphore, #tpu.memory_space<semaphore_mem>>) src(%dma_wait3A_348 : memref<80x512xf32, #tpu.memory_space<vmem>>) dst(%dma_wait3A_344 : memref<80x512xf32, #tpu.memory_space<hbm>>)
    %dma_start3A_349 = arith.constant 8 : i32
    %dma_start3A_350 = arith.constant 2 : i32
    %dma_start3A_351 = arith.constant 0 : i32
    %dma_start3A_352 = arith.constant 0 : i32
    %dma_start3A_353 = tpu.memref_slice %arg6[%dma_start3A_350, %dma_start3A_351, %dma_start3A_352] : memref<3x80x512xf32, #tpu.memory_space<vmem>> -> memref<1x80x512xf32, #tpu.memory_space<vmem>>
    %dma_start3A_354 = tpu.memref_squeeze %dma_start3A_353 : memref<1x80x512xf32, #tpu.memory_space<vmem>> -> memref<80x512xf32, #tpu.memory_space<vmem>>
    %dma_start3A_355 = arith.constant 0 : i32
    %dma_start3A_356 = tpu.memref_slice %arg5[%dma_start3A_349, %dma_start3A_355] : memref<20x80xi32, #tpu.memory_space<vmem>> -> memref<1x80xi32, #tpu.memory_space<vmem>>
    %dma_start3A_357 = tpu.memref_squeeze %dma_start3A_356 : memref<1x80xi32, #tpu.memory_space<vmem>> -> memref<80xi32, #tpu.memory_space<vmem>>
    %dma_start3A_358 = arith.constant 0 : i32
    %dma_start3A_359 = arith.constant 0 : i32
    %dma_start3A_360 = tpu.memref_slice %arg3[%dma_start3A_358, %dma_start3A_359] : memref<100000x512xf32, #tpu.memory_space<hbm>> -> memref<100000x512xf32, #tpu.memory_space<hbm>>
    tpu.enqueue_indirect_dma source(%dma_start3A_360 : memref<100000x512xf32, #tpu.memory_space<hbm>>) target(%dma_start3A_354 : memref<80x512xf32, #tpu.memory_space<vmem>>) offsets(%dma_start3A_357 : memref<80xi32, #tpu.memory_space<vmem>>) semaphore(%arg9 : memref<!tpu.dma_semaphore, #tpu.memory_space<semaphore_mem>>)
    %dma_wait3A_361 = arith.constant 6 : i32
    %dma_wait3A_362 = arith.constant 0 : i32
    %dma_wait3A_363 = arith.constant 0 : i32
    %dma_wait3A_364 = arith.constant 0 : i32
    %dma_wait3A_365 = tpu.memref_slice %arg6[%dma_wait3A_362, %dma_wait3A_363, %dma_wait3A_364] : memref<3x80x512xf32, #tpu.memory_space<vmem>> -> memref<1x80x512xf32, #tpu.memory_space<vmem>>
    %dma_wait3A_366 = tpu.memref_squeeze %dma_wait3A_365 : memref<1x80x512xf32, #tpu.memory_space<vmem>> -> memref<80x512xf32, #tpu.memory_space<vmem>>
    %dma_wait3A_367 = arith.constant 0 : i32
    %dma_wait3A_368 = tpu.memref_slice %arg5[%dma_wait3A_361, %dma_wait3A_367] : memref<20x80xi32, #tpu.memory_space<vmem>> -> memref<1x80xi32, #tpu.memory_space<vmem>>
    %dma_wait3A_369 = tpu.memref_squeeze %dma_wait3A_368 : memref<1x80xi32, #tpu.memory_space<vmem>> -> memref<80xi32, #tpu.memory_space<vmem>>
    %dma_wait3A_370 = arith.constant 0 : i32
    %dma_wait3A_371 = arith.constant 0 : i32
    %dma_wait3A_372 = tpu.memref_slice %arg3[%dma_wait3A_370, %dma_wait3A_371] : memref<100000x512xf32, #tpu.memory_space<hbm>> -> memref<100000x512xf32, #tpu.memory_space<hbm>>
    tpu.wait_indirect_dma semaphore(%arg7 : memref<!tpu.dma_semaphore, #tpu.memory_space<semaphore_mem>>) src(%dma_wait3A_372 : memref<100000x512xf32, #tpu.memory_space<hbm>>) dst(%dma_wait3A_366 : memref<80x512xf32, #tpu.memory_space<vmem>>)
    %add3A_373 = arith.constant 6 : i32
    %add3A_374 = arith.addi %mul3A_2, %add3A_373 : i32
    %mul3A_375 = arith.constant 80 : i32
    %mul3A_376 = arith.muli %add3A_374, %mul3A_375 : i32
    %dma_start3A_377 = arith.constant 0 : i32
    %dma_start3A_378 = arith.constant 0 : i32
    %dma_start3A_379 = arith.constant 0 : i32
    %dma_start3A_380 = tpu.memref_slice %arg6[%dma_start3A_377, %dma_start3A_378, %dma_start3A_379] : memref<3x80x512xf32, #tpu.memory_space<vmem>> -> memref<1x80x512xf32, #tpu.memory_space<vmem>>
    %dma_start3A_381 = tpu.memref_squeeze %dma_start3A_380 : memref<1x80x512xf32, #tpu.memory_space<vmem>> -> memref<80x512xf32, #tpu.memory_space<vmem>>
    %dma_start3A_382 = arith.constant 0 : i32
    %dma_start3A_383 = tpu.memref_slice %arg4[%mul3A_376, %dma_start3A_382] : memref<51200x512xf32, #tpu.memory_space<hbm>> -> memref<80x512xf32, #tpu.memory_space<hbm>>
    %dma_start3A_384 = arith.constant 0 : i32
    %dma_start3A_385 = tpu.memref_slice %arg4[%mul3A_376, %dma_start3A_384] : memref<51200x512xf32, #tpu.memory_space<hbm>> -> memref<80x512xf32, #tpu.memory_space<hbm>>
    %dma_start3A_386 = arith.constant 0 : i32
    %dma_start3A_387 = arith.constant 0 : i32
    %dma_start3A_388 = tpu.memref_slice %arg6[%dma_start3A_377, %dma_start3A_386, %dma_start3A_387] : memref<3x80x512xf32, #tpu.memory_space<vmem>> -> memref<1x80x512xf32, #tpu.memory_space<vmem>>
    %dma_start3A_389 = tpu.memref_squeeze %dma_start3A_388 : memref<1x80x512xf32, #tpu.memory_space<vmem>> -> memref<80x512xf32, #tpu.memory_space<vmem>>
    tpu.enqueue_dma source(%dma_start3A_389 : memref<80x512xf32, #tpu.memory_space<vmem>>) target(%dma_start3A_385 : memref<80x512xf32, #tpu.memory_space<hbm>>) target_semaphore(%arg10 : memref<!tpu.dma_semaphore, #tpu.memory_space<semaphore_mem>>)
    %dma_wait3A_390 = arith.constant 0 : i32
    %dma_wait3A_391 = arith.constant 0 : i32
    %dma_wait3A_392 = arith.constant 0 : i32
    %dma_wait3A_393 = tpu.memref_slice %arg6[%dma_wait3A_390, %dma_wait3A_391, %dma_wait3A_392] : memref<3x80x512xf32, #tpu.memory_space<vmem>> -> memref<1x80x512xf32, #tpu.memory_space<vmem>>
    %dma_wait3A_394 = tpu.memref_squeeze %dma_wait3A_393 : memref<1x80x512xf32, #tpu.memory_space<vmem>> -> memref<80x512xf32, #tpu.memory_space<vmem>>
    %dma_wait3A_395 = arith.constant 0 : i32
    %dma_wait3A_396 = tpu.memref_slice %arg4[%mul3A_376, %dma_wait3A_395] : memref<51200x512xf32, #tpu.memory_space<hbm>> -> memref<80x512xf32, #tpu.memory_space<hbm>>
    %dma_wait3A_397 = arith.constant 0 : i32
    %dma_wait3A_398 = tpu.memref_slice %arg4[%mul3A_376, %dma_wait3A_397] : memref<51200x512xf32, #tpu.memory_space<hbm>> -> memref<80x512xf32, #tpu.memory_space<hbm>>
    %dma_wait3A_399 = arith.constant 0 : i32
    %dma_wait3A_400 = arith.constant 0 : i32
    %dma_wait3A_401 = tpu.memref_slice %arg6[%dma_wait3A_390, %dma_wait3A_399, %dma_wait3A_400] : memref<3x80x512xf32, #tpu.memory_space<vmem>> -> memref<1x80x512xf32, #tpu.memory_space<vmem>>
    %dma_wait3A_402 = tpu.memref_squeeze %dma_wait3A_401 : memref<1x80x512xf32, #tpu.memory_space<vmem>> -> memref<80x512xf32, #tpu.memory_space<vmem>>
    tpu.wait_dma2 semaphore(%arg10 : memref<!tpu.dma_semaphore, #tpu.memory_space<semaphore_mem>>) src(%dma_wait3A_402 : memref<80x512xf32, #tpu.memory_space<vmem>>) dst(%dma_wait3A_398 : memref<80x512xf32, #tpu.memory_space<hbm>>)
    %dma_start3A_403 = arith.constant 9 : i32
    %dma_start3A_404 = arith.constant 0 : i32
    %dma_start3A_405 = arith.constant 0 : i32
    %dma_start3A_406 = arith.constant 0 : i32
    %dma_start3A_407 = tpu.memref_slice %arg6[%dma_start3A_404, %dma_start3A_405, %dma_start3A_406] : memref<3x80x512xf32, #tpu.memory_space<vmem>> -> memref<1x80x512xf32, #tpu.memory_space<vmem>>
    %dma_start3A_408 = tpu.memref_squeeze %dma_start3A_407 : memref<1x80x512xf32, #tpu.memory_space<vmem>> -> memref<80x512xf32, #tpu.memory_space<vmem>>
    %dma_start3A_409 = arith.constant 0 : i32
    %dma_start3A_410 = tpu.memref_slice %arg5[%dma_start3A_403, %dma_start3A_409] : memref<20x80xi32, #tpu.memory_space<vmem>> -> memref<1x80xi32, #tpu.memory_space<vmem>>
    %dma_start3A_411 = tpu.memref_squeeze %dma_start3A_410 : memref<1x80xi32, #tpu.memory_space<vmem>> -> memref<80xi32, #tpu.memory_space<vmem>>
    %dma_start3A_412 = arith.constant 0 : i32
    %dma_start3A_413 = arith.constant 0 : i32
    %dma_start3A_414 = tpu.memref_slice %arg3[%dma_start3A_412, %dma_start3A_413] : memref<100000x512xf32, #tpu.memory_space<hbm>> -> memref<100000x512xf32, #tpu.memory_space<hbm>>
    tpu.enqueue_indirect_dma source(%dma_start3A_414 : memref<100000x512xf32, #tpu.memory_space<hbm>>) target(%dma_start3A_408 : memref<80x512xf32, #tpu.memory_space<vmem>>) offsets(%dma_start3A_411 : memref<80xi32, #tpu.memory_space<vmem>>) semaphore(%arg7 : memref<!tpu.dma_semaphore, #tpu.memory_space<semaphore_mem>>)
    %dma_wait3A_415 = arith.constant 7 : i32
    %dma_wait3A_416 = arith.constant 1 : i32
    %dma_wait3A_417 = arith.constant 0 : i32
    %dma_wait3A_418 = arith.constant 0 : i32
    %dma_wait3A_419 = tpu.memref_slice %arg6[%dma_wait3A_416, %dma_wait3A_417, %dma_wait3A_418] : memref<3x80x512xf32, #tpu.memory_space<vmem>> -> memref<1x80x512xf32, #tpu.memory_space<vmem>>
    %dma_wait3A_420 = tpu.memref_squeeze %dma_wait3A_419 : memref<1x80x512xf32, #tpu.memory_space<vmem>> -> memref<80x512xf32, #tpu.memory_space<vmem>>
    %dma_wait3A_421 = arith.constant 0 : i32
    %dma_wait3A_422 = tpu.memref_slice %arg5[%dma_wait3A_415, %dma_wait3A_421] : memref<20x80xi32, #tpu.memory_space<vmem>> -> memref<1x80xi32, #tpu.memory_space<vmem>>
    %dma_wait3A_423 = tpu.memref_squeeze %dma_wait3A_422 : memref<1x80xi32, #tpu.memory_space<vmem>> -> memref<80xi32, #tpu.memory_space<vmem>>
    %dma_wait3A_424 = arith.constant 0 : i32
    %dma_wait3A_425 = arith.constant 0 : i32
    %dma_wait3A_426 = tpu.memref_slice %arg3[%dma_wait3A_424, %dma_wait3A_425] : memref<100000x512xf32, #tpu.memory_space<hbm>> -> memref<100000x512xf32, #tpu.memory_space<hbm>>
    tpu.wait_indirect_dma semaphore(%arg8 : memref<!tpu.dma_semaphore, #tpu.memory_space<semaphore_mem>>) src(%dma_wait3A_426 : memref<100000x512xf32, #tpu.memory_space<hbm>>) dst(%dma_wait3A_420 : memref<80x512xf32, #tpu.memory_space<vmem>>)
    %add3A_427 = arith.constant 7 : i32
    %add3A_428 = arith.addi %mul3A_2, %add3A_427 : i32
    %mul3A_429 = arith.constant 80 : i32
    %mul3A_430 = arith.muli %add3A_428, %mul3A_429 : i32
    %dma_start3A_431 = arith.constant 1 : i32
    %dma_start3A_432 = arith.constant 0 : i32
    %dma_start3A_433 = arith.constant 0 : i32
    %dma_start3A_434 = tpu.memref_slice %arg6[%dma_start3A_431, %dma_start3A_432, %dma_start3A_433] : memref<3x80x512xf32, #tpu.memory_space<vmem>> -> memref<1x80x512xf32, #tpu.memory_space<vmem>>
    %dma_start3A_435 = tpu.memref_squeeze %dma_start3A_434 : memref<1x80x512xf32, #tpu.memory_space<vmem>> -> memref<80x512xf32, #tpu.memory_space<vmem>>
    %dma_start3A_436 = arith.constant 0 : i32
    %dma_start3A_437 = tpu.memref_slice %arg4[%mul3A_430, %dma_start3A_436] : memref<51200x512xf32, #tpu.memory_space<hbm>> -> memref<80x512xf32, #tpu.memory_space<hbm>>
    %dma_start3A_438 = arith.constant 0 : i32
    %dma_start3A_439 = tpu.memref_slice %arg4[%mul3A_430, %dma_start3A_438] : memref<51200x512xf32, #tpu.memory_space<hbm>> -> memref<80x512xf32, #tpu.memory_space<hbm>>
    %dma_start3A_440 = arith.constant 0 : i32
    %dma_start3A_441 = arith.constant 0 : i32
    %dma_start3A_442 = tpu.memref_slice %arg6[%dma_start3A_431, %dma_start3A_440, %dma_start3A_441] : memref<3x80x512xf32, #tpu.memory_space<vmem>> -> memref<1x80x512xf32, #tpu.memory_space<vmem>>
    %dma_start3A_443 = tpu.memref_squeeze %dma_start3A_442 : memref<1x80x512xf32, #tpu.memory_space<vmem>> -> memref<80x512xf32, #tpu.memory_space<vmem>>
    tpu.enqueue_dma source(%dma_start3A_443 : memref<80x512xf32, #tpu.memory_space<vmem>>) target(%dma_start3A_439 : memref<80x512xf32, #tpu.memory_space<hbm>>) target_semaphore(%arg11 : memref<!tpu.dma_semaphore, #tpu.memory_space<semaphore_mem>>)
    %dma_wait3A_444 = arith.constant 1 : i32
    %dma_wait3A_445 = arith.constant 0 : i32
    %dma_wait3A_446 = arith.constant 0 : i32
    %dma_wait3A_447 = tpu.memref_slice %arg6[%dma_wait3A_444, %dma_wait3A_445, %dma_wait3A_446] : memref<3x80x512xf32, #tpu.memory_space<vmem>> -> memref<1x80x512xf32, #tpu.memory_space<vmem>>
    %dma_wait3A_448 = tpu.memref_squeeze %dma_wait3A_447 : memref<1x80x512xf32, #tpu.memory_space<vmem>> -> memref<80x512xf32, #tpu.memory_space<vmem>>
    %dma_wait3A_449 = arith.constant 0 : i32
    %dma_wait3A_450 = tpu.memref_slice %arg4[%mul3A_430, %dma_wait3A_449] : memref<51200x512xf32, #tpu.memory_space<hbm>> -> memref<80x512xf32, #tpu.memory_space<hbm>>
    %dma_wait3A_451 = arith.constant 0 : i32
    %dma_wait3A_452 = tpu.memref_slice %arg4[%mul3A_430, %dma_wait3A_451] : memref<51200x512xf32, #tpu.memory_space<hbm>> -> memref<80x512xf32, #tpu.memory_space<hbm>>
    %dma_wait3A_453 = arith.constant 0 : i32
    %dma_wait3A_454 = arith.constant 0 : i32
    %dma_wait3A_455 = tpu.memref_slice %arg6[%dma_wait3A_444, %dma_wait3A_453, %dma_wait3A_454] : memref<3x80x512xf32, #tpu.memory_space<vmem>> -> memref<1x80x512xf32, #tpu.memory_space<vmem>>
    %dma_wait3A_456 = tpu.memref_squeeze %dma_wait3A_455 : memref<1x80x512xf32, #tpu.memory_space<vmem>> -> memref<80x512xf32, #tpu.memory_space<vmem>>
    tpu.wait_dma2 semaphore(%arg11 : memref<!tpu.dma_semaphore, #tpu.memory_space<semaphore_mem>>) src(%dma_wait3A_456 : memref<80x512xf32, #tpu.memory_space<vmem>>) dst(%dma_wait3A_452 : memref<80x512xf32, #tpu.memory_space<hbm>>)
    %dma_start3A_457 = arith.constant 10 : i32
    %dma_start3A_458 = arith.constant 1 : i32
    %dma_start3A_459 = arith.constant 0 : i32
    %dma_start3A_460 = arith.constant 0 : i32
    %dma_start3A_461 = tpu.memref_slice %arg6[%dma_start3A_458, %dma_start3A_459, %dma_start3A_460] : memref<3x80x512xf32, #tpu.memory_space<vmem>> -> memref<1x80x512xf32, #tpu.memory_space<vmem>>
    %dma_start3A_462 = tpu.memref_squeeze %dma_start3A_461 : memref<1x80x512xf32, #tpu.memory_space<vmem>> -> memref<80x512xf32, #tpu.memory_space<vmem>>
    %dma_start3A_463 = arith.constant 0 : i32
    %dma_start3A_464 = tpu.memref_slice %arg5[%dma_start3A_457, %dma_start3A_463] : memref<20x80xi32, #tpu.memory_space<vmem>> -> memref<1x80xi32, #tpu.memory_space<vmem>>
    %dma_start3A_465 = tpu.memref_squeeze %dma_start3A_464 : memref<1x80xi32, #tpu.memory_space<vmem>> -> memref<80xi32, #tpu.memory_space<vmem>>
    %dma_start3A_466 = arith.constant 0 : i32
    %dma_start3A_467 = arith.constant 0 : i32
    %dma_start3A_468 = tpu.memref_slice %arg3[%dma_start3A_466, %dma_start3A_467] : memref<100000x512xf32, #tpu.memory_space<hbm>> -> memref<100000x512xf32, #tpu.memory_space<hbm>>
    tpu.enqueue_indirect_dma source(%dma_start3A_468 : memref<100000x512xf32, #tpu.memory_space<hbm>>) target(%dma_start3A_462 : memref<80x512xf32, #tpu.memory_space<vmem>>) offsets(%dma_start3A_465 : memref<80xi32, #tpu.memory_space<vmem>>) semaphore(%arg8 : memref<!tpu.dma_semaphore, #tpu.memory_space<semaphore_mem>>)
    %dma_wait3A_469 = arith.constant 8 : i32
    %dma_wait3A_470 = arith.constant 2 : i32
    %dma_wait3A_471 = arith.constant 0 : i32
    %dma_wait3A_472 = arith.constant 0 : i32
    %dma_wait3A_473 = tpu.memref_slice %arg6[%dma_wait3A_470, %dma_wait3A_471, %dma_wait3A_472] : memref<3x80x512xf32, #tpu.memory_space<vmem>> -> memref<1x80x512xf32, #tpu.memory_space<vmem>>
    %dma_wait3A_474 = tpu.memref_squeeze %dma_wait3A_473 : memref<1x80x512xf32, #tpu.memory_space<vmem>> -> memref<80x512xf32, #tpu.memory_space<vmem>>
    %dma_wait3A_475 = arith.constant 0 : i32
    %dma_wait3A_476 = tpu.memref_slice %arg5[%dma_wait3A_469, %dma_wait3A_475] : memref<20x80xi32, #tpu.memory_space<vmem>> -> memref<1x80xi32, #tpu.memory_space<vmem>>
    %dma_wait3A_477 = tpu.memref_squeeze %dma_wait3A_476 : memref<1x80xi32, #tpu.memory_space<vmem>> -> memref<80xi32, #tpu.memory_space<vmem>>
    %dma_wait3A_478 = arith.constant 0 : i32
    %dma_wait3A_479 = arith.constant 0 : i32
    %dma_wait3A_480 = tpu.memref_slice %arg3[%dma_wait3A_478, %dma_wait3A_479] : memref<100000x512xf32, #tpu.memory_space<hbm>> -> memref<100000x512xf32, #tpu.memory_space<hbm>>
    tpu.wait_indirect_dma semaphore(%arg9 : memref<!tpu.dma_semaphore, #tpu.memory_space<semaphore_mem>>) src(%dma_wait3A_480 : memref<100000x512xf32, #tpu.memory_space<hbm>>) dst(%dma_wait3A_474 : memref<80x512xf32, #tpu.memory_space<vmem>>)
    %add3A_481 = arith.constant 8 : i32
    %add3A_482 = arith.addi %mul3A_2, %add3A_481 : i32
    %mul3A_483 = arith.constant 80 : i32
    %mul3A_484 = arith.muli %add3A_482, %mul3A_483 : i32
    %dma_start3A_485 = arith.constant 2 : i32
    %dma_start3A_486 = arith.constant 0 : i32
    %dma_start3A_487 = arith.constant 0 : i32
    %dma_start3A_488 = tpu.memref_slice %arg6[%dma_start3A_485, %dma_start3A_486, %dma_start3A_487] : memref<3x80x512xf32, #tpu.memory_space<vmem>> -> memref<1x80x512xf32, #tpu.memory_space<vmem>>
    %dma_start3A_489 = tpu.memref_squeeze %dma_start3A_488 : memref<1x80x512xf32, #tpu.memory_space<vmem>> -> memref<80x512xf32, #tpu.memory_space<vmem>>
    %dma_start3A_490 = arith.constant 0 : i32
    %dma_start3A_491 = tpu.memref_slice %arg4[%mul3A_484, %dma_start3A_490] : memref<51200x512xf32, #tpu.memory_space<hbm>> -> memref<80x512xf32, #tpu.memory_space<hbm>>
    %dma_start3A_492 = arith.constant 0 : i32
    %dma_start3A_493 = tpu.memref_slice %arg4[%mul3A_484, %dma_start3A_492] : memref<51200x512xf32, #tpu.memory_space<hbm>> -> memref<80x512xf32, #tpu.memory_space<hbm>>
    %dma_start3A_494 = arith.constant 0 : i32
    %dma_start3A_495 = arith.constant 0 : i32
    %dma_start3A_496 = tpu.memref_slice %arg6[%dma_start3A_485, %dma_start3A_494, %dma_start3A_495] : memref<3x80x512xf32, #tpu.memory_space<vmem>> -> memref<1x80x512xf32, #tpu.memory_space<vmem>>
    %dma_start3A_497 = tpu.memref_squeeze %dma_start3A_496 : memref<1x80x512xf32, #tpu.memory_space<vmem>> -> memref<80x512xf32, #tpu.memory_space<vmem>>
    tpu.enqueue_dma source(%dma_start3A_497 : memref<80x512xf32, #tpu.memory_space<vmem>>) target(%dma_start3A_493 : memref<80x512xf32, #tpu.memory_space<hbm>>) target_semaphore(%arg12 : memref<!tpu.dma_semaphore, #tpu.memory_space<semaphore_mem>>)
    %dma_wait3A_498 = arith.constant 2 : i32
    %dma_wait3A_499 = arith.constant 0 : i32
    %dma_wait3A_500 = arith.constant 0 : i32
    %dma_wait3A_501 = tpu.memref_slice %arg6[%dma_wait3A_498, %dma_wait3A_499, %dma_wait3A_500] : memref<3x80x512xf32, #tpu.memory_space<vmem>> -> memref<1x80x512xf32, #tpu.memory_space<vmem>>
    %dma_wait3A_502 = tpu.memref_squeeze %dma_wait3A_501 : memref<1x80x512xf32, #tpu.memory_space<vmem>> -> memref<80x512xf32, #tpu.memory_space<vmem>>
    %dma_wait3A_503 = arith.constant 0 : i32
    %dma_wait3A_504 = tpu.memref_slice %arg4[%mul3A_484, %dma_wait3A_503] : memref<51200x512xf32, #tpu.memory_space<hbm>> -> memref<80x512xf32, #tpu.memory_space<hbm>>
    %dma_wait3A_505 = arith.constant 0 : i32
    %dma_wait3A_506 = tpu.memref_slice %arg4[%mul3A_484, %dma_wait3A_505] : memref<51200x512xf32, #tpu.memory_space<hbm>> -> memref<80x512xf32, #tpu.memory_space<hbm>>
    %dma_wait3A_507 = arith.constant 0 : i32
    %dma_wait3A_508 = arith.constant 0 : i32
    %dma_wait3A_509 = tpu.memref_slice %arg6[%dma_wait3A_498, %dma_wait3A_507, %dma_wait3A_508] : memref<3x80x512xf32, #tpu.memory_space<vmem>> -> memref<1x80x512xf32, #tpu.memory_space<vmem>>
    %dma_wait3A_510 = tpu.memref_squeeze %dma_wait3A_509 : memref<1x80x512xf32, #tpu.memory_space<vmem>> -> memref<80x512xf32, #tpu.memory_space<vmem>>
    tpu.wait_dma2 semaphore(%arg12 : memref<!tpu.dma_semaphore, #tpu.memory_space<semaphore_mem>>) src(%dma_wait3A_510 : memref<80x512xf32, #tpu.memory_space<vmem>>) dst(%dma_wait3A_506 : memref<80x512xf32, #tpu.memory_space<hbm>>)
    %dma_start3A_511 = arith.constant 11 : i32
    %dma_start3A_512 = arith.constant 2 : i32
    %dma_start3A_513 = arith.constant 0 : i32
    %dma_start3A_514 = arith.constant 0 : i32
    %dma_start3A_515 = tpu.memref_slice %arg6[%dma_start3A_512, %dma_start3A_513, %dma_start3A_514] : memref<3x80x512xf32, #tpu.memory_space<vmem>> -> memref<1x80x512xf32, #tpu.memory_space<vmem>>
    %dma_start3A_516 = tpu.memref_squeeze %dma_start3A_515 : memref<1x80x512xf32, #tpu.memory_space<vmem>> -> memref<80x512xf32, #tpu.memory_space<vmem>>
    %dma_start3A_517 = arith.constant 0 : i32
    %dma_start3A_518 = tpu.memref_slice %arg5[%dma_start3A_511, %dma_start3A_517] : memref<20x80xi32, #tpu.memory_space<vmem>> -> memref<1x80xi32, #tpu.memory_space<vmem>>
    %dma_start3A_519 = tpu.memref_squeeze %dma_start3A_518 : memref<1x80xi32, #tpu.memory_space<vmem>> -> memref<80xi32, #tpu.memory_space<vmem>>
    %dma_start3A_520 = arith.constant 0 : i32
    %dma_start3A_521 = arith.constant 0 : i32
    %dma_start3A_522 = tpu.memref_slice %arg3[%dma_start3A_520, %dma_start3A_521] : memref<100000x512xf32, #tpu.memory_space<hbm>> -> memref<100000x512xf32, #tpu.memory_space<hbm>>
    tpu.enqueue_indirect_dma source(%dma_start3A_522 : memref<100000x512xf32, #tpu.memory_space<hbm>>) target(%dma_start3A_516 : memref<80x512xf32, #tpu.memory_space<vmem>>) offsets(%dma_start3A_519 : memref<80xi32, #tpu.memory_space<vmem>>) semaphore(%arg9 : memref<!tpu.dma_semaphore, #tpu.memory_space<semaphore_mem>>)
    %dma_wait3A_523 = arith.constant 9 : i32
    %dma_wait3A_524 = arith.constant 0 : i32
    %dma_wait3A_525 = arith.constant 0 : i32
    %dma_wait3A_526 = arith.constant 0 : i32
    %dma_wait3A_527 = tpu.memref_slice %arg6[%dma_wait3A_524, %dma_wait3A_525, %dma_wait3A_526] : memref<3x80x512xf32, #tpu.memory_space<vmem>> -> memref<1x80x512xf32, #tpu.memory_space<vmem>>
    %dma_wait3A_528 = tpu.memref_squeeze %dma_wait3A_527 : memref<1x80x512xf32, #tpu.memory_space<vmem>> -> memref<80x512xf32, #tpu.memory_space<vmem>>
    %dma_wait3A_529 = arith.constant 0 : i32
    %dma_wait3A_530 = tpu.memref_slice %arg5[%dma_wait3A_523, %dma_wait3A_529] : memref<20x80xi32, #tpu.memory_space<vmem>> -> memref<1x80xi32, #tpu.memory_space<vmem>>
    %dma_wait3A_531 = tpu.memref_squeeze %dma_wait3A_530 : memref<1x80xi32, #tpu.memory_space<vmem>> -> memref<80xi32, #tpu.memory_space<vmem>>
    %dma_wait3A_532 = arith.constant 0 : i32
    %dma_wait3A_533 = arith.constant 0 : i32
    %dma_wait3A_534 = tpu.memref_slice %arg3[%dma_wait3A_532, %dma_wait3A_533] : memref<100000x512xf32, #tpu.memory_space<hbm>> -> memref<100000x512xf32, #tpu.memory_space<hbm>>
    tpu.wait_indirect_dma semaphore(%arg7 : memref<!tpu.dma_semaphore, #tpu.memory_space<semaphore_mem>>) src(%dma_wait3A_534 : memref<100000x512xf32, #tpu.memory_space<hbm>>) dst(%dma_wait3A_528 : memref<80x512xf32, #tpu.memory_space<vmem>>)
    %add3A_535 = arith.constant 9 : i32
    %add3A_536 = arith.addi %mul3A_2, %add3A_535 : i32
    %mul3A_537 = arith.constant 80 : i32
    %mul3A_538 = arith.muli %add3A_536, %mul3A_537 : i32
    %dma_start3A_539 = arith.constant 0 : i32
    %dma_start3A_540 = arith.constant 0 : i32
    %dma_start3A_541 = arith.constant 0 : i32
    %dma_start3A_542 = tpu.memref_slice %arg6[%dma_start3A_539, %dma_start3A_540, %dma_start3A_541] : memref<3x80x512xf32, #tpu.memory_space<vmem>> -> memref<1x80x512xf32, #tpu.memory_space<vmem>>
    %dma_start3A_543 = tpu.memref_squeeze %dma_start3A_542 : memref<1x80x512xf32, #tpu.memory_space<vmem>> -> memref<80x512xf32, #tpu.memory_space<vmem>>
    %dma_start3A_544 = arith.constant 0 : i32
    %dma_start3A_545 = tpu.memref_slice %arg4[%mul3A_538, %dma_start3A_544] : memref<51200x512xf32, #tpu.memory_space<hbm>> -> memref<80x512xf32, #tpu.memory_space<hbm>>
    %dma_start3A_546 = arith.constant 0 : i32
    %dma_start3A_547 = tpu.memref_slice %arg4[%mul3A_538, %dma_start3A_546] : memref<51200x512xf32, #tpu.memory_space<hbm>> -> memref<80x512xf32, #tpu.memory_space<hbm>>
    %dma_start3A_548 = arith.constant 0 : i32
    %dma_start3A_549 = arith.constant 0 : i32
    %dma_start3A_550 = tpu.memref_slice %arg6[%dma_start3A_539, %dma_start3A_548, %dma_start3A_549] : memref<3x80x512xf32, #tpu.memory_space<vmem>> -> memref<1x80x512xf32, #tpu.memory_space<vmem>>
    %dma_start3A_551 = tpu.memref_squeeze %dma_start3A_550 : memref<1x80x512xf32, #tpu.memory_space<vmem>> -> memref<80x512xf32, #tpu.memory_space<vmem>>
    tpu.enqueue_dma source(%dma_start3A_551 : memref<80x512xf32, #tpu.memory_space<vmem>>) target(%dma_start3A_547 : memref<80x512xf32, #tpu.memory_space<hbm>>) target_semaphore(%arg10 : memref<!tpu.dma_semaphore, #tpu.memory_space<semaphore_mem>>)
    %dma_wait3A_552 = arith.constant 0 : i32
    %dma_wait3A_553 = arith.constant 0 : i32
    %dma_wait3A_554 = arith.constant 0 : i32
    %dma_wait3A_555 = tpu.memref_slice %arg6[%dma_wait3A_552, %dma_wait3A_553, %dma_wait3A_554] : memref<3x80x512xf32, #tpu.memory_space<vmem>> -> memref<1x80x512xf32, #tpu.memory_space<vmem>>
    %dma_wait3A_556 = tpu.memref_squeeze %dma_wait3A_555 : memref<1x80x512xf32, #tpu.memory_space<vmem>> -> memref<80x512xf32, #tpu.memory_space<vmem>>
    %dma_wait3A_557 = arith.constant 0 : i32
    %dma_wait3A_558 = tpu.memref_slice %arg4[%mul3A_538, %dma_wait3A_557] : memref<51200x512xf32, #tpu.memory_space<hbm>> -> memref<80x512xf32, #tpu.memory_space<hbm>>
    %dma_wait3A_559 = arith.constant 0 : i32
    %dma_wait3A_560 = tpu.memref_slice %arg4[%mul3A_538, %dma_wait3A_559] : memref<51200x512xf32, #tpu.memory_space<hbm>> -> memref<80x512xf32, #tpu.memory_space<hbm>>
    %dma_wait3A_561 = arith.constant 0 : i32
    %dma_wait3A_562 = arith.constant 0 : i32
    %dma_wait3A_563 = tpu.memref_slice %arg6[%dma_wait3A_552, %dma_wait3A_561, %dma_wait3A_562] : memref<3x80x512xf32, #tpu.memory_space<vmem>> -> memref<1x80x512xf32, #tpu.memory_space<vmem>>
    %dma_wait3A_564 = tpu.memref_squeeze %dma_wait3A_563 : memref<1x80x512xf32, #tpu.memory_space<vmem>> -> memref<80x512xf32, #tpu.memory_space<vmem>>
    tpu.wait_dma2 semaphore(%arg10 : memref<!tpu.dma_semaphore, #tpu.memory_space<semaphore_mem>>) src(%dma_wait3A_564 : memref<80x512xf32, #tpu.memory_space<vmem>>) dst(%dma_wait3A_560 : memref<80x512xf32, #tpu.memory_space<hbm>>)
    %dma_start3A_565 = arith.constant 12 : i32
    %dma_start3A_566 = arith.constant 0 : i32
    %dma_start3A_567 = arith.constant 0 : i32
    %dma_start3A_568 = arith.constant 0 : i32
    %dma_start3A_569 = tpu.memref_slice %arg6[%dma_start3A_566, %dma_start3A_567, %dma_start3A_568] : memref<3x80x512xf32, #tpu.memory_space<vmem>> -> memref<1x80x512xf32, #tpu.memory_space<vmem>>
    %dma_start3A_570 = tpu.memref_squeeze %dma_start3A_569 : memref<1x80x512xf32, #tpu.memory_space<vmem>> -> memref<80x512xf32, #tpu.memory_space<vmem>>
    %dma_start3A_571 = arith.constant 0 : i32
    %dma_start3A_572 = tpu.memref_slice %arg5[%dma_start3A_565, %dma_start3A_571] : memref<20x80xi32, #tpu.memory_space<vmem>> -> memref<1x80xi32, #tpu.memory_space<vmem>>
    %dma_start3A_573 = tpu.memref_squeeze %dma_start3A_572 : memref<1x80xi32, #tpu.memory_space<vmem>> -> memref<80xi32, #tpu.memory_space<vmem>>
    %dma_start3A_574 = arith.constant 0 : i32
    %dma_start3A_575 = arith.constant 0 : i32
    %dma_start3A_576 = tpu.memref_slice %arg3[%dma_start3A_574, %dma_start3A_575] : memref<100000x512xf32, #tpu.memory_space<hbm>> -> memref<100000x512xf32, #tpu.memory_space<hbm>>
    tpu.enqueue_indirect_dma source(%dma_start3A_576 : memref<100000x512xf32, #tpu.memory_space<hbm>>) target(%dma_start3A_570 : memref<80x512xf32, #tpu.memory_space<vmem>>) offsets(%dma_start3A_573 : memref<80xi32, #tpu.memory_space<vmem>>) semaphore(%arg7 : memref<!tpu.dma_semaphore, #tpu.memory_space<semaphore_mem>>)
    %dma_wait3A_577 = arith.constant 10 : i32
    %dma_wait3A_578 = arith.constant 1 : i32
    %dma_wait3A_579 = arith.constant 0 : i32
    %dma_wait3A_580 = arith.constant 0 : i32
    %dma_wait3A_581 = tpu.memref_slice %arg6[%dma_wait3A_578, %dma_wait3A_579, %dma_wait3A_580] : memref<3x80x512xf32, #tpu.memory_space<vmem>> -> memref<1x80x512xf32, #tpu.memory_space<vmem>>
    %dma_wait3A_582 = tpu.memref_squeeze %dma_wait3A_581 : memref<1x80x512xf32, #tpu.memory_space<vmem>> -> memref<80x512xf32, #tpu.memory_space<vmem>>
    %dma_wait3A_583 = arith.constant 0 : i32
    %dma_wait3A_584 = tpu.memref_slice %arg5[%dma_wait3A_577, %dma_wait3A_583] : memref<20x80xi32, #tpu.memory_space<vmem>> -> memref<1x80xi32, #tpu.memory_space<vmem>>
    %dma_wait3A_585 = tpu.memref_squeeze %dma_wait3A_584 : memref<1x80xi32, #tpu.memory_space<vmem>> -> memref<80xi32, #tpu.memory_space<vmem>>
    %dma_wait3A_586 = arith.constant 0 : i32
    %dma_wait3A_587 = arith.constant 0 : i32
    %dma_wait3A_588 = tpu.memref_slice %arg3[%dma_wait3A_586, %dma_wait3A_587] : memref<100000x512xf32, #tpu.memory_space<hbm>> -> memref<100000x512xf32, #tpu.memory_space<hbm>>
    tpu.wait_indirect_dma semaphore(%arg8 : memref<!tpu.dma_semaphore, #tpu.memory_space<semaphore_mem>>) src(%dma_wait3A_588 : memref<100000x512xf32, #tpu.memory_space<hbm>>) dst(%dma_wait3A_582 : memref<80x512xf32, #tpu.memory_space<vmem>>)
    %add3A_589 = arith.constant 10 : i32
    %add3A_590 = arith.addi %mul3A_2, %add3A_589 : i32
    %mul3A_591 = arith.constant 80 : i32
    %mul3A_592 = arith.muli %add3A_590, %mul3A_591 : i32
    %dma_start3A_593 = arith.constant 1 : i32
    %dma_start3A_594 = arith.constant 0 : i32
    %dma_start3A_595 = arith.constant 0 : i32
    %dma_start3A_596 = tpu.memref_slice %arg6[%dma_start3A_593, %dma_start3A_594, %dma_start3A_595] : memref<3x80x512xf32, #tpu.memory_space<vmem>> -> memref<1x80x512xf32, #tpu.memory_space<vmem>>
    %dma_start3A_597 = tpu.memref_squeeze %dma_start3A_596 : memref<1x80x512xf32, #tpu.memory_space<vmem>> -> memref<80x512xf32, #tpu.memory_space<vmem>>
    %dma_start3A_598 = arith.constant 0 : i32
    %dma_start3A_599 = tpu.memref_slice %arg4[%mul3A_592, %dma_start3A_598] : memref<51200x512xf32, #tpu.memory_space<hbm>> -> memref<80x512xf32, #tpu.memory_space<hbm>>
    %dma_start3A_600 = arith.constant 0 : i32
    %dma_start3A_601 = tpu.memref_slice %arg4[%mul3A_592, %dma_start3A_600] : memref<51200x512xf32, #tpu.memory_space<hbm>> -> memref<80x512xf32, #tpu.memory_space<hbm>>
    %dma_start3A_602 = arith.constant 0 : i32
    %dma_start3A_603 = arith.constant 0 : i32
    %dma_start3A_604 = tpu.memref_slice %arg6[%dma_start3A_593, %dma_start3A_602, %dma_start3A_603] : memref<3x80x512xf32, #tpu.memory_space<vmem>> -> memref<1x80x512xf32, #tpu.memory_space<vmem>>
    %dma_start3A_605 = tpu.memref_squeeze %dma_start3A_604 : memref<1x80x512xf32, #tpu.memory_space<vmem>> -> memref<80x512xf32, #tpu.memory_space<vmem>>
    tpu.enqueue_dma source(%dma_start3A_605 : memref<80x512xf32, #tpu.memory_space<vmem>>) target(%dma_start3A_601 : memref<80x512xf32, #tpu.memory_space<hbm>>) target_semaphore(%arg11 : memref<!tpu.dma_semaphore, #tpu.memory_space<semaphore_mem>>)
    %dma_wait3A_606 = arith.constant 1 : i32
    %dma_wait3A_607 = arith.constant 0 : i32
    %dma_wait3A_608 = arith.constant 0 : i32
    %dma_wait3A_609 = tpu.memref_slice %arg6[%dma_wait3A_606, %dma_wait3A_607, %dma_wait3A_608] : memref<3x80x512xf32, #tpu.memory_space<vmem>> -> memref<1x80x512xf32, #tpu.memory_space<vmem>>
    %dma_wait3A_610 = tpu.memref_squeeze %dma_wait3A_609 : memref<1x80x512xf32, #tpu.memory_space<vmem>> -> memref<80x512xf32, #tpu.memory_space<vmem>>
    %dma_wait3A_611 = arith.constant 0 : i32
    %dma_wait3A_612 = tpu.memref_slice %arg4[%mul3A_592, %dma_wait3A_611] : memref<51200x512xf32, #tpu.memory_space<hbm>> -> memref<80x512xf32, #tpu.memory_space<hbm>>
    %dma_wait3A_613 = arith.constant 0 : i32
    %dma_wait3A_614 = tpu.memref_slice %arg4[%mul3A_592, %dma_wait3A_613] : memref<51200x512xf32, #tpu.memory_space<hbm>> -> memref<80x512xf32, #tpu.memory_space<hbm>>
    %dma_wait3A_615 = arith.constant 0 : i32
    %dma_wait3A_616 = arith.constant 0 : i32
    %dma_wait3A_617 = tpu.memref_slice %arg6[%dma_wait3A_606, %dma_wait3A_615, %dma_wait3A_616] : memref<3x80x512xf32, #tpu.memory_space<vmem>> -> memref<1x80x512xf32, #tpu.memory_space<vmem>>
    %dma_wait3A_618 = tpu.memref_squeeze %dma_wait3A_617 : memref<1x80x512xf32, #tpu.memory_space<vmem>> -> memref<80x512xf32, #tpu.memory_space<vmem>>
    tpu.wait_dma2 semaphore(%arg11 : memref<!tpu.dma_semaphore, #tpu.memory_space<semaphore_mem>>) src(%dma_wait3A_618 : memref<80x512xf32, #tpu.memory_space<vmem>>) dst(%dma_wait3A_614 : memref<80x512xf32, #tpu.memory_space<hbm>>)
    %dma_start3A_619 = arith.constant 13 : i32
    %dma_start3A_620 = arith.constant 1 : i32
    %dma_start3A_621 = arith.constant 0 : i32
    %dma_start3A_622 = arith.constant 0 : i32
    %dma_start3A_623 = tpu.memref_slice %arg6[%dma_start3A_620, %dma_start3A_621, %dma_start3A_622] : memref<3x80x512xf32, #tpu.memory_space<vmem>> -> memref<1x80x512xf32, #tpu.memory_space<vmem>>
    %dma_start3A_624 = tpu.memref_squeeze %dma_start3A_623 : memref<1x80x512xf32, #tpu.memory_space<vmem>> -> memref<80x512xf32, #tpu.memory_space<vmem>>
    %dma_start3A_625 = arith.constant 0 : i32
    %dma_start3A_626 = tpu.memref_slice %arg5[%dma_start3A_619, %dma_start3A_625] : memref<20x80xi32, #tpu.memory_space<vmem>> -> memref<1x80xi32, #tpu.memory_space<vmem>>
    %dma_start3A_627 = tpu.memref_squeeze %dma_start3A_626 : memref<1x80xi32, #tpu.memory_space<vmem>> -> memref<80xi32, #tpu.memory_space<vmem>>
    %dma_start3A_628 = arith.constant 0 : i32
    %dma_start3A_629 = arith.constant 0 : i32
    %dma_start3A_630 = tpu.memref_slice %arg3[%dma_start3A_628, %dma_start3A_629] : memref<100000x512xf32, #tpu.memory_space<hbm>> -> memref<100000x512xf32, #tpu.memory_space<hbm>>
    tpu.enqueue_indirect_dma source(%dma_start3A_630 : memref<100000x512xf32, #tpu.memory_space<hbm>>) target(%dma_start3A_624 : memref<80x512xf32, #tpu.memory_space<vmem>>) offsets(%dma_start3A_627 : memref<80xi32, #tpu.memory_space<vmem>>) semaphore(%arg8 : memref<!tpu.dma_semaphore, #tpu.memory_space<semaphore_mem>>)
    %dma_wait3A_631 = arith.constant 11 : i32
    %dma_wait3A_632 = arith.constant 2 : i32
    %dma_wait3A_633 = arith.constant 0 : i32
    %dma_wait3A_634 = arith.constant 0 : i32
    %dma_wait3A_635 = tpu.memref_slice %arg6[%dma_wait3A_632, %dma_wait3A_633, %dma_wait3A_634] : memref<3x80x512xf32, #tpu.memory_space<vmem>> -> memref<1x80x512xf32, #tpu.memory_space<vmem>>
    %dma_wait3A_636 = tpu.memref_squeeze %dma_wait3A_635 : memref<1x80x512xf32, #tpu.memory_space<vmem>> -> memref<80x512xf32, #tpu.memory_space<vmem>>
    %dma_wait3A_637 = arith.constant 0 : i32
    %dma_wait3A_638 = tpu.memref_slice %arg5[%dma_wait3A_631, %dma_wait3A_637] : memref<20x80xi32, #tpu.memory_space<vmem>> -> memref<1x80xi32, #tpu.memory_space<vmem>>
    %dma_wait3A_639 = tpu.memref_squeeze %dma_wait3A_638 : memref<1x80xi32, #tpu.memory_space<vmem>> -> memref<80xi32, #tpu.memory_space<vmem>>
    %dma_wait3A_640 = arith.constant 0 : i32
    %dma_wait3A_641 = arith.constant 0 : i32
    %dma_wait3A_642 = tpu.memref_slice %arg3[%dma_wait3A_640, %dma_wait3A_641] : memref<100000x512xf32, #tpu.memory_space<hbm>> -> memref<100000x512xf32, #tpu.memory_space<hbm>>
    tpu.wait_indirect_dma semaphore(%arg9 : memref<!tpu.dma_semaphore, #tpu.memory_space<semaphore_mem>>) src(%dma_wait3A_642 : memref<100000x512xf32, #tpu.memory_space<hbm>>) dst(%dma_wait3A_636 : memref<80x512xf32, #tpu.memory_space<vmem>>)
    %add3A_643 = arith.constant 11 : i32
    %add3A_644 = arith.addi %mul3A_2, %add3A_643 : i32
    %mul3A_645 = arith.constant 80 : i32
    %mul3A_646 = arith.muli %add3A_644, %mul3A_645 : i32
    %dma_start3A_647 = arith.constant 2 : i32
    %dma_start3A_648 = arith.constant 0 : i32
    %dma_start3A_649 = arith.constant 0 : i32
    %dma_start3A_650 = tpu.memref_slice %arg6[%dma_start3A_647, %dma_start3A_648, %dma_start3A_649] : memref<3x80x512xf32, #tpu.memory_space<vmem>> -> memref<1x80x512xf32, #tpu.memory_space<vmem>>
    %dma_start3A_651 = tpu.memref_squeeze %dma_start3A_650 : memref<1x80x512xf32, #tpu.memory_space<vmem>> -> memref<80x512xf32, #tpu.memory_space<vmem>>
    %dma_start3A_652 = arith.constant 0 : i32
    %dma_start3A_653 = tpu.memref_slice %arg4[%mul3A_646, %dma_start3A_652] : memref<51200x512xf32, #tpu.memory_space<hbm>> -> memref<80x512xf32, #tpu.memory_space<hbm>>
    %dma_start3A_654 = arith.constant 0 : i32
    %dma_start3A_655 = tpu.memref_slice %arg4[%mul3A_646, %dma_start3A_654] : memref<51200x512xf32, #tpu.memory_space<hbm>> -> memref<80x512xf32, #tpu.memory_space<hbm>>
    %dma_start3A_656 = arith.constant 0 : i32
    %dma_start3A_657 = arith.constant 0 : i32
    %dma_start3A_658 = tpu.memref_slice %arg6[%dma_start3A_647, %dma_start3A_656, %dma_start3A_657] : memref<3x80x512xf32, #tpu.memory_space<vmem>> -> memref<1x80x512xf32, #tpu.memory_space<vmem>>
    %dma_start3A_659 = tpu.memref_squeeze %dma_start3A_658 : memref<1x80x512xf32, #tpu.memory_space<vmem>> -> memref<80x512xf32, #tpu.memory_space<vmem>>
    tpu.enqueue_dma source(%dma_start3A_659 : memref<80x512xf32, #tpu.memory_space<vmem>>) target(%dma_start3A_655 : memref<80x512xf32, #tpu.memory_space<hbm>>) target_semaphore(%arg12 : memref<!tpu.dma_semaphore, #tpu.memory_space<semaphore_mem>>)
    %dma_wait3A_660 = arith.constant 2 : i32
    %dma_wait3A_661 = arith.constant 0 : i32
    %dma_wait3A_662 = arith.constant 0 : i32
    %dma_wait3A_663 = tpu.memref_slice %arg6[%dma_wait3A_660, %dma_wait3A_661, %dma_wait3A_662] : memref<3x80x512xf32, #tpu.memory_space<vmem>> -> memref<1x80x512xf32, #tpu.memory_space<vmem>>
    %dma_wait3A_664 = tpu.memref_squeeze %dma_wait3A_663 : memref<1x80x512xf32, #tpu.memory_space<vmem>> -> memref<80x512xf32, #tpu.memory_space<vmem>>
    %dma_wait3A_665 = arith.constant 0 : i32
    %dma_wait3A_666 = tpu.memref_slice %arg4[%mul3A_646, %dma_wait3A_665] : memref<51200x512xf32, #tpu.memory_space<hbm>> -> memref<80x512xf32, #tpu.memory_space<hbm>>
    %dma_wait3A_667 = arith.constant 0 : i32
    %dma_wait3A_668 = tpu.memref_slice %arg4[%mul3A_646, %dma_wait3A_667] : memref<51200x512xf32, #tpu.memory_space<hbm>> -> memref<80x512xf32, #tpu.memory_space<hbm>>
    %dma_wait3A_669 = arith.constant 0 : i32
    %dma_wait3A_670 = arith.constant 0 : i32
    %dma_wait3A_671 = tpu.memref_slice %arg6[%dma_wait3A_660, %dma_wait3A_669, %dma_wait3A_670] : memref<3x80x512xf32, #tpu.memory_space<vmem>> -> memref<1x80x512xf32, #tpu.memory_space<vmem>>
    %dma_wait3A_672 = tpu.memref_squeeze %dma_wait3A_671 : memref<1x80x512xf32, #tpu.memory_space<vmem>> -> memref<80x512xf32, #tpu.memory_space<vmem>>
    tpu.wait_dma2 semaphore(%arg12 : memref<!tpu.dma_semaphore, #tpu.memory_space<semaphore_mem>>) src(%dma_wait3A_672 : memref<80x512xf32, #tpu.memory_space<vmem>>) dst(%dma_wait3A_668 : memref<80x512xf32, #tpu.memory_space<hbm>>)
    %dma_start3A_673 = arith.constant 14 : i32
    %dma_start3A_674 = arith.constant 2 : i32
    %dma_start3A_675 = arith.constant 0 : i32
    %dma_start3A_676 = arith.constant 0 : i32
    %dma_start3A_677 = tpu.memref_slice %arg6[%dma_start3A_674, %dma_start3A_675, %dma_start3A_676] : memref<3x80x512xf32, #tpu.memory_space<vmem>> -> memref<1x80x512xf32, #tpu.memory_space<vmem>>
    %dma_start3A_678 = tpu.memref_squeeze %dma_start3A_677 : memref<1x80x512xf32, #tpu.memory_space<vmem>> -> memref<80x512xf32, #tpu.memory_space<vmem>>
    %dma_start3A_679 = arith.constant 0 : i32
    %dma_start3A_680 = tpu.memref_slice %arg5[%dma_start3A_673, %dma_start3A_679] : memref<20x80xi32, #tpu.memory_space<vmem>> -> memref<1x80xi32, #tpu.memory_space<vmem>>
    %dma_start3A_681 = tpu.memref_squeeze %dma_start3A_680 : memref<1x80xi32, #tpu.memory_space<vmem>> -> memref<80xi32, #tpu.memory_space<vmem>>
    %dma_start3A_682 = arith.constant 0 : i32
    %dma_start3A_683 = arith.constant 0 : i32
    %dma_start3A_684 = tpu.memref_slice %arg3[%dma_start3A_682, %dma_start3A_683] : memref<100000x512xf32, #tpu.memory_space<hbm>> -> memref<100000x512xf32, #tpu.memory_space<hbm>>
    tpu.enqueue_indirect_dma source(%dma_start3A_684 : memref<100000x512xf32, #tpu.memory_space<hbm>>) target(%dma_start3A_678 : memref<80x512xf32, #tpu.memory_space<vmem>>) offsets(%dma_start3A_681 : memref<80xi32, #tpu.memory_space<vmem>>) semaphore(%arg9 : memref<!tpu.dma_semaphore, #tpu.memory_space<semaphore_mem>>)
    %dma_wait3A_685 = arith.constant 12 : i32
    %dma_wait3A_686 = arith.constant 0 : i32
    %dma_wait3A_687 = arith.constant 0 : i32
    %dma_wait3A_688 = arith.constant 0 : i32
    %dma_wait3A_689 = tpu.memref_slice %arg6[%dma_wait3A_686, %dma_wait3A_687, %dma_wait3A_688] : memref<3x80x512xf32, #tpu.memory_space<vmem>> -> memref<1x80x512xf32, #tpu.memory_space<vmem>>
    %dma_wait3A_690 = tpu.memref_squeeze %dma_wait3A_689 : memref<1x80x512xf32, #tpu.memory_space<vmem>> -> memref<80x512xf32, #tpu.memory_space<vmem>>
    %dma_wait3A_691 = arith.constant 0 : i32
    %dma_wait3A_692 = tpu.memref_slice %arg5[%dma_wait3A_685, %dma_wait3A_691] : memref<20x80xi32, #tpu.memory_space<vmem>> -> memref<1x80xi32, #tpu.memory_space<vmem>>
    %dma_wait3A_693 = tpu.memref_squeeze %dma_wait3A_692 : memref<1x80xi32, #tpu.memory_space<vmem>> -> memref<80xi32, #tpu.memory_space<vmem>>
    %dma_wait3A_694 = arith.constant 0 : i32
    %dma_wait3A_695 = arith.constant 0 : i32
    %dma_wait3A_696 = tpu.memref_slice %arg3[%dma_wait3A_694, %dma_wait3A_695] : memref<100000x512xf32, #tpu.memory_space<hbm>> -> memref<100000x512xf32, #tpu.memory_space<hbm>>
    tpu.wait_indirect_dma semaphore(%arg7 : memref<!tpu.dma_semaphore, #tpu.memory_space<semaphore_mem>>) src(%dma_wait3A_696 : memref<100000x512xf32, #tpu.memory_space<hbm>>) dst(%dma_wait3A_690 : memref<80x512xf32, #tpu.memory_space<vmem>>)
    %add3A_697 = arith.constant 12 : i32
    %add3A_698 = arith.addi %mul3A_2, %add3A_697 : i32
    %mul3A_699 = arith.constant 80 : i32
    %mul3A_700 = arith.muli %add3A_698, %mul3A_699 : i32
    %dma_start3A_701 = arith.constant 0 : i32
    %dma_start3A_702 = arith.constant 0 : i32
    %dma_start3A_703 = arith.constant 0 : i32
    %dma_start3A_704 = tpu.memref_slice %arg6[%dma_start3A_701, %dma_start3A_702, %dma_start3A_703] : memref<3x80x512xf32, #tpu.memory_space<vmem>> -> memref<1x80x512xf32, #tpu.memory_space<vmem>>
    %dma_start3A_705 = tpu.memref_squeeze %dma_start3A_704 : memref<1x80x512xf32, #tpu.memory_space<vmem>> -> memref<80x512xf32, #tpu.memory_space<vmem>>
    %dma_start3A_706 = arith.constant 0 : i32
    %dma_start3A_707 = tpu.memref_slice %arg4[%mul3A_700, %dma_start3A_706] : memref<51200x512xf32, #tpu.memory_space<hbm>> -> memref<80x512xf32, #tpu.memory_space<hbm>>
    %dma_start3A_708 = arith.constant 0 : i32
    %dma_start3A_709 = tpu.memref_slice %arg4[%mul3A_700, %dma_start3A_708] : memref<51200x512xf32, #tpu.memory_space<hbm>> -> memref<80x512xf32, #tpu.memory_space<hbm>>
    %dma_start3A_710 = arith.constant 0 : i32
    %dma_start3A_711 = arith.constant 0 : i32
    %dma_start3A_712 = tpu.memref_slice %arg6[%dma_start3A_701, %dma_start3A_710, %dma_start3A_711] : memref<3x80x512xf32, #tpu.memory_space<vmem>> -> memref<1x80x512xf32, #tpu.memory_space<vmem>>
    %dma_start3A_713 = tpu.memref_squeeze %dma_start3A_712 : memref<1x80x512xf32, #tpu.memory_space<vmem>> -> memref<80x512xf32, #tpu.memory_space<vmem>>
    tpu.enqueue_dma source(%dma_start3A_713 : memref<80x512xf32, #tpu.memory_space<vmem>>) target(%dma_start3A_709 : memref<80x512xf32, #tpu.memory_space<hbm>>) target_semaphore(%arg10 : memref<!tpu.dma_semaphore, #tpu.memory_space<semaphore_mem>>)
    %dma_wait3A_714 = arith.constant 0 : i32
    %dma_wait3A_715 = arith.constant 0 : i32
    %dma_wait3A_716 = arith.constant 0 : i32
    %dma_wait3A_717 = tpu.memref_slice %arg6[%dma_wait3A_714, %dma_wait3A_715, %dma_wait3A_716] : memref<3x80x512xf32, #tpu.memory_space<vmem>> -> memref<1x80x512xf32, #tpu.memory_space<vmem>>
    %dma_wait3A_718 = tpu.memref_squeeze %dma_wait3A_717 : memref<1x80x512xf32, #tpu.memory_space<vmem>> -> memref<80x512xf32, #tpu.memory_space<vmem>>
    %dma_wait3A_719 = arith.constant 0 : i32
    %dma_wait3A_720 = tpu.memref_slice %arg4[%mul3A_700, %dma_wait3A_719] : memref<51200x512xf32, #tpu.memory_space<hbm>> -> memref<80x512xf32, #tpu.memory_space<hbm>>
    %dma_wait3A_721 = arith.constant 0 : i32
    %dma_wait3A_722 = tpu.memref_slice %arg4[%mul3A_700, %dma_wait3A_721] : memref<51200x512xf32, #tpu.memory_space<hbm>> -> memref<80x512xf32, #tpu.memory_space<hbm>>
    %dma_wait3A_723 = arith.constant 0 : i32
    %dma_wait3A_724 = arith.constant 0 : i32
    %dma_wait3A_725 = tpu.memref_slice %arg6[%dma_wait3A_714, %dma_wait3A_723, %dma_wait3A_724] : memref<3x80x512xf32, #tpu.memory_space<vmem>> -> memref<1x80x512xf32, #tpu.memory_space<vmem>>
    %dma_wait3A_726 = tpu.memref_squeeze %dma_wait3A_725 : memref<1x80x512xf32, #tpu.memory_space<vmem>> -> memref<80x512xf32, #tpu.memory_space<vmem>>
    tpu.wait_dma2 semaphore(%arg10 : memref<!tpu.dma_semaphore, #tpu.memory_space<semaphore_mem>>) src(%dma_wait3A_726 : memref<80x512xf32, #tpu.memory_space<vmem>>) dst(%dma_wait3A_722 : memref<80x512xf32, #tpu.memory_space<hbm>>)
    %dma_start3A_727 = arith.constant 15 : i32
    %dma_start3A_728 = arith.constant 0 : i32
    %dma_start3A_729 = arith.constant 0 : i32
    %dma_start3A_730 = arith.constant 0 : i32
    %dma_start3A_731 = tpu.memref_slice %arg6[%dma_start3A_728, %dma_start3A_729, %dma_start3A_730] : memref<3x80x512xf32, #tpu.memory_space<vmem>> -> memref<1x80x512xf32, #tpu.memory_space<vmem>>
    %dma_start3A_732 = tpu.memref_squeeze %dma_start3A_731 : memref<1x80x512xf32, #tpu.memory_space<vmem>> -> memref<80x512xf32, #tpu.memory_space<vmem>>
    %dma_start3A_733 = arith.constant 0 : i32
    %dma_start3A_734 = tpu.memref_slice %arg5[%dma_start3A_727, %dma_start3A_733] : memref<20x80xi32, #tpu.memory_space<vmem>> -> memref<1x80xi32, #tpu.memory_space<vmem>>
    %dma_start3A_735 = tpu.memref_squeeze %dma_start3A_734 : memref<1x80xi32, #tpu.memory_space<vmem>> -> memref<80xi32, #tpu.memory_space<vmem>>
    %dma_start3A_736 = arith.constant 0 : i32
    %dma_start3A_737 = arith.constant 0 : i32
    %dma_start3A_738 = tpu.memref_slice %arg3[%dma_start3A_736, %dma_start3A_737] : memref<100000x512xf32, #tpu.memory_space<hbm>> -> memref<100000x512xf32, #tpu.memory_space<hbm>>
    tpu.enqueue_indirect_dma source(%dma_start3A_738 : memref<100000x512xf32, #tpu.memory_space<hbm>>) target(%dma_start3A_732 : memref<80x512xf32, #tpu.memory_space<vmem>>) offsets(%dma_start3A_735 : memref<80xi32, #tpu.memory_space<vmem>>) semaphore(%arg7 : memref<!tpu.dma_semaphore, #tpu.memory_space<semaphore_mem>>)
    %dma_wait3A_739 = arith.constant 13 : i32
    %dma_wait3A_740 = arith.constant 1 : i32
    %dma_wait3A_741 = arith.constant 0 : i32
    %dma_wait3A_742 = arith.constant 0 : i32
    %dma_wait3A_743 = tpu.memref_slice %arg6[%dma_wait3A_740, %dma_wait3A_741, %dma_wait3A_742] : memref<3x80x512xf32, #tpu.memory_space<vmem>> -> memref<1x80x512xf32, #tpu.memory_space<vmem>>
    %dma_wait3A_744 = tpu.memref_squeeze %dma_wait3A_743 : memref<1x80x512xf32, #tpu.memory_space<vmem>> -> memref<80x512xf32, #tpu.memory_space<vmem>>
    %dma_wait3A_745 = arith.constant 0 : i32
    %dma_wait3A_746 = tpu.memref_slice %arg5[%dma_wait3A_739, %dma_wait3A_745] : memref<20x80xi32, #tpu.memory_space<vmem>> -> memref<1x80xi32, #tpu.memory_space<vmem>>
    %dma_wait3A_747 = tpu.memref_squeeze %dma_wait3A_746 : memref<1x80xi32, #tpu.memory_space<vmem>> -> memref<80xi32, #tpu.memory_space<vmem>>
    %dma_wait3A_748 = arith.constant 0 : i32
    %dma_wait3A_749 = arith.constant 0 : i32
    %dma_wait3A_750 = tpu.memref_slice %arg3[%dma_wait3A_748, %dma_wait3A_749] : memref<100000x512xf32, #tpu.memory_space<hbm>> -> memref<100000x512xf32, #tpu.memory_space<hbm>>
    tpu.wait_indirect_dma semaphore(%arg8 : memref<!tpu.dma_semaphore, #tpu.memory_space<semaphore_mem>>) src(%dma_wait3A_750 : memref<100000x512xf32, #tpu.memory_space<hbm>>) dst(%dma_wait3A_744 : memref<80x512xf32, #tpu.memory_space<vmem>>)
    %add3A_751 = arith.constant 13 : i32
    %add3A_752 = arith.addi %mul3A_2, %add3A_751 : i32
    %mul3A_753 = arith.constant 80 : i32
    %mul3A_754 = arith.muli %add3A_752, %mul3A_753 : i32
    %dma_start3A_755 = arith.constant 1 : i32
    %dma_start3A_756 = arith.constant 0 : i32
    %dma_start3A_757 = arith.constant 0 : i32
    %dma_start3A_758 = tpu.memref_slice %arg6[%dma_start3A_755, %dma_start3A_756, %dma_start3A_757] : memref<3x80x512xf32, #tpu.memory_space<vmem>> -> memref<1x80x512xf32, #tpu.memory_space<vmem>>
    %dma_start3A_759 = tpu.memref_squeeze %dma_start3A_758 : memref<1x80x512xf32, #tpu.memory_space<vmem>> -> memref<80x512xf32, #tpu.memory_space<vmem>>
    %dma_start3A_760 = arith.constant 0 : i32
    %dma_start3A_761 = tpu.memref_slice %arg4[%mul3A_754, %dma_start3A_760] : memref<51200x512xf32, #tpu.memory_space<hbm>> -> memref<80x512xf32, #tpu.memory_space<hbm>>
    %dma_start3A_762 = arith.constant 0 : i32
    %dma_start3A_763 = tpu.memref_slice %arg4[%mul3A_754, %dma_start3A_762] : memref<51200x512xf32, #tpu.memory_space<hbm>> -> memref<80x512xf32, #tpu.memory_space<hbm>>
    %dma_start3A_764 = arith.constant 0 : i32
    %dma_start3A_765 = arith.constant 0 : i32
    %dma_start3A_766 = tpu.memref_slice %arg6[%dma_start3A_755, %dma_start3A_764, %dma_start3A_765] : memref<3x80x512xf32, #tpu.memory_space<vmem>> -> memref<1x80x512xf32, #tpu.memory_space<vmem>>
    %dma_start3A_767 = tpu.memref_squeeze %dma_start3A_766 : memref<1x80x512xf32, #tpu.memory_space<vmem>> -> memref<80x512xf32, #tpu.memory_space<vmem>>
    tpu.enqueue_dma source(%dma_start3A_767 : memref<80x512xf32, #tpu.memory_space<vmem>>) target(%dma_start3A_763 : memref<80x512xf32, #tpu.memory_space<hbm>>) target_semaphore(%arg11 : memref<!tpu.dma_semaphore, #tpu.memory_space<semaphore_mem>>)
    %dma_wait3A_768 = arith.constant 1 : i32
    %dma_wait3A_769 = arith.constant 0 : i32
    %dma_wait3A_770 = arith.constant 0 : i32
    %dma_wait3A_771 = tpu.memref_slice %arg6[%dma_wait3A_768, %dma_wait3A_769, %dma_wait3A_770] : memref<3x80x512xf32, #tpu.memory_space<vmem>> -> memref<1x80x512xf32, #tpu.memory_space<vmem>>
    %dma_wait3A_772 = tpu.memref_squeeze %dma_wait3A_771 : memref<1x80x512xf32, #tpu.memory_space<vmem>> -> memref<80x512xf32, #tpu.memory_space<vmem>>
    %dma_wait3A_773 = arith.constant 0 : i32
    %dma_wait3A_774 = tpu.memref_slice %arg4[%mul3A_754, %dma_wait3A_773] : memref<51200x512xf32, #tpu.memory_space<hbm>> -> memref<80x512xf32, #tpu.memory_space<hbm>>
    %dma_wait3A_775 = arith.constant 0 : i32
    %dma_wait3A_776 = tpu.memref_slice %arg4[%mul3A_754, %dma_wait3A_775] : memref<51200x512xf32, #tpu.memory_space<hbm>> -> memref<80x512xf32, #tpu.memory_space<hbm>>
    %dma_wait3A_777 = arith.constant 0 : i32
    %dma_wait3A_778 = arith.constant 0 : i32
    %dma_wait3A_779 = tpu.memref_slice %arg6[%dma_wait3A_768, %dma_wait3A_777, %dma_wait3A_778] : memref<3x80x512xf32, #tpu.memory_space<vmem>> -> memref<1x80x512xf32, #tpu.memory_space<vmem>>
    %dma_wait3A_780 = tpu.memref_squeeze %dma_wait3A_779 : memref<1x80x512xf32, #tpu.memory_space<vmem>> -> memref<80x512xf32, #tpu.memory_space<vmem>>
    tpu.wait_dma2 semaphore(%arg11 : memref<!tpu.dma_semaphore, #tpu.memory_space<semaphore_mem>>) src(%dma_wait3A_780 : memref<80x512xf32, #tpu.memory_space<vmem>>) dst(%dma_wait3A_776 : memref<80x512xf32, #tpu.memory_space<hbm>>)
    %dma_start3A_781 = arith.constant 16 : i32
    %dma_start3A_782 = arith.constant 1 : i32
    %dma_start3A_783 = arith.constant 0 : i32
    %dma_start3A_784 = arith.constant 0 : i32
    %dma_start3A_785 = tpu.memref_slice %arg6[%dma_start3A_782, %dma_start3A_783, %dma_start3A_784] : memref<3x80x512xf32, #tpu.memory_space<vmem>> -> memref<1x80x512xf32, #tpu.memory_space<vmem>>
    %dma_start3A_786 = tpu.memref_squeeze %dma_start3A_785 : memref<1x80x512xf32, #tpu.memory_space<vmem>> -> memref<80x512xf32, #tpu.memory_space<vmem>>
    %dma_start3A_787 = arith.constant 0 : i32
    %dma_start3A_788 = tpu.memref_slice %arg5[%dma_start3A_781, %dma_start3A_787] : memref<20x80xi32, #tpu.memory_space<vmem>> -> memref<1x80xi32, #tpu.memory_space<vmem>>
    %dma_start3A_789 = tpu.memref_squeeze %dma_start3A_788 : memref<1x80xi32, #tpu.memory_space<vmem>> -> memref<80xi32, #tpu.memory_space<vmem>>
    %dma_start3A_790 = arith.constant 0 : i32
    %dma_start3A_791 = arith.constant 0 : i32
    %dma_start3A_792 = tpu.memref_slice %arg3[%dma_start3A_790, %dma_start3A_791] : memref<100000x512xf32, #tpu.memory_space<hbm>> -> memref<100000x512xf32, #tpu.memory_space<hbm>>
    tpu.enqueue_indirect_dma source(%dma_start3A_792 : memref<100000x512xf32, #tpu.memory_space<hbm>>) target(%dma_start3A_786 : memref<80x512xf32, #tpu.memory_space<vmem>>) offsets(%dma_start3A_789 : memref<80xi32, #tpu.memory_space<vmem>>) semaphore(%arg8 : memref<!tpu.dma_semaphore, #tpu.memory_space<semaphore_mem>>)
    %dma_wait3A_793 = arith.constant 14 : i32
    %dma_wait3A_794 = arith.constant 2 : i32
    %dma_wait3A_795 = arith.constant 0 : i32
    %dma_wait3A_796 = arith.constant 0 : i32
    %dma_wait3A_797 = tpu.memref_slice %arg6[%dma_wait3A_794, %dma_wait3A_795, %dma_wait3A_796] : memref<3x80x512xf32, #tpu.memory_space<vmem>> -> memref<1x80x512xf32, #tpu.memory_space<vmem>>
    %dma_wait3A_798 = tpu.memref_squeeze %dma_wait3A_797 : memref<1x80x512xf32, #tpu.memory_space<vmem>> -> memref<80x512xf32, #tpu.memory_space<vmem>>
    %dma_wait3A_799 = arith.constant 0 : i32
    %dma_wait3A_800 = tpu.memref_slice %arg5[%dma_wait3A_793, %dma_wait3A_799] : memref<20x80xi32, #tpu.memory_space<vmem>> -> memref<1x80xi32, #tpu.memory_space<vmem>>
    %dma_wait3A_801 = tpu.memref_squeeze %dma_wait3A_800 : memref<1x80xi32, #tpu.memory_space<vmem>> -> memref<80xi32, #tpu.memory_space<vmem>>
    %dma_wait3A_802 = arith.constant 0 : i32
    %dma_wait3A_803 = arith.constant 0 : i32
    %dma_wait3A_804 = tpu.memref_slice %arg3[%dma_wait3A_802, %dma_wait3A_803] : memref<100000x512xf32, #tpu.memory_space<hbm>> -> memref<100000x512xf32, #tpu.memory_space<hbm>>
    tpu.wait_indirect_dma semaphore(%arg9 : memref<!tpu.dma_semaphore, #tpu.memory_space<semaphore_mem>>) src(%dma_wait3A_804 : memref<100000x512xf32, #tpu.memory_space<hbm>>) dst(%dma_wait3A_798 : memref<80x512xf32, #tpu.memory_space<vmem>>)
    %add3A_805 = arith.constant 14 : i32
    %add3A_806 = arith.addi %mul3A_2, %add3A_805 : i32
    %mul3A_807 = arith.constant 80 : i32
    %mul3A_808 = arith.muli %add3A_806, %mul3A_807 : i32
    %dma_start3A_809 = arith.constant 2 : i32
    %dma_start3A_810 = arith.constant 0 : i32
    %dma_start3A_811 = arith.constant 0 : i32
    %dma_start3A_812 = tpu.memref_slice %arg6[%dma_start3A_809, %dma_start3A_810, %dma_start3A_811] : memref<3x80x512xf32, #tpu.memory_space<vmem>> -> memref<1x80x512xf32, #tpu.memory_space<vmem>>
    %dma_start3A_813 = tpu.memref_squeeze %dma_start3A_812 : memref<1x80x512xf32, #tpu.memory_space<vmem>> -> memref<80x512xf32, #tpu.memory_space<vmem>>
    %dma_start3A_814 = arith.constant 0 : i32
    %dma_start3A_815 = tpu.memref_slice %arg4[%mul3A_808, %dma_start3A_814] : memref<51200x512xf32, #tpu.memory_space<hbm>> -> memref<80x512xf32, #tpu.memory_space<hbm>>
    %dma_start3A_816 = arith.constant 0 : i32
    %dma_start3A_817 = tpu.memref_slice %arg4[%mul3A_808, %dma_start3A_816] : memref<51200x512xf32, #tpu.memory_space<hbm>> -> memref<80x512xf32, #tpu.memory_space<hbm>>
    %dma_start3A_818 = arith.constant 0 : i32
    %dma_start3A_819 = arith.constant 0 : i32
    %dma_start3A_820 = tpu.memref_slice %arg6[%dma_start3A_809, %dma_start3A_818, %dma_start3A_819] : memref<3x80x512xf32, #tpu.memory_space<vmem>> -> memref<1x80x512xf32, #tpu.memory_space<vmem>>
    %dma_start3A_821 = tpu.memref_squeeze %dma_start3A_820 : memref<1x80x512xf32, #tpu.memory_space<vmem>> -> memref<80x512xf32, #tpu.memory_space<vmem>>
    tpu.enqueue_dma source(%dma_start3A_821 : memref<80x512xf32, #tpu.memory_space<vmem>>) target(%dma_start3A_817 : memref<80x512xf32, #tpu.memory_space<hbm>>) target_semaphore(%arg12 : memref<!tpu.dma_semaphore, #tpu.memory_space<semaphore_mem>>)
    %dma_wait3A_822 = arith.constant 2 : i32
    %dma_wait3A_823 = arith.constant 0 : i32
    %dma_wait3A_824 = arith.constant 0 : i32
    %dma_wait3A_825 = tpu.memref_slice %arg6[%dma_wait3A_822, %dma_wait3A_823, %dma_wait3A_824] : memref<3x80x512xf32, #tpu.memory_space<vmem>> -> memref<1x80x512xf32, #tpu.memory_space<vmem>>
    %dma_wait3A_826 = tpu.memref_squeeze %dma_wait3A_825 : memref<1x80x512xf32, #tpu.memory_space<vmem>> -> memref<80x512xf32, #tpu.memory_space<vmem>>
    %dma_wait3A_827 = arith.constant 0 : i32
    %dma_wait3A_828 = tpu.memref_slice %arg4[%mul3A_808, %dma_wait3A_827] : memref<51200x512xf32, #tpu.memory_space<hbm>> -> memref<80x512xf32, #tpu.memory_space<hbm>>
    %dma_wait3A_829 = arith.constant 0 : i32
    %dma_wait3A_830 = tpu.memref_slice %arg4[%mul3A_808, %dma_wait3A_829] : memref<51200x512xf32, #tpu.memory_space<hbm>> -> memref<80x512xf32, #tpu.memory_space<hbm>>
    %dma_wait3A_831 = arith.constant 0 : i32
    %dma_wait3A_832 = arith.constant 0 : i32
    %dma_wait3A_833 = tpu.memref_slice %arg6[%dma_wait3A_822, %dma_wait3A_831, %dma_wait3A_832] : memref<3x80x512xf32, #tpu.memory_space<vmem>> -> memref<1x80x512xf32, #tpu.memory_space<vmem>>
    %dma_wait3A_834 = tpu.memref_squeeze %dma_wait3A_833 : memref<1x80x512xf32, #tpu.memory_space<vmem>> -> memref<80x512xf32, #tpu.memory_space<vmem>>
    tpu.wait_dma2 semaphore(%arg12 : memref<!tpu.dma_semaphore, #tpu.memory_space<semaphore_mem>>) src(%dma_wait3A_834 : memref<80x512xf32, #tpu.memory_space<vmem>>) dst(%dma_wait3A_830 : memref<80x512xf32, #tpu.memory_space<hbm>>)
    %dma_start3A_835 = arith.constant 17 : i32
    %dma_start3A_836 = arith.constant 2 : i32
    %dma_start3A_837 = arith.constant 0 : i32
    %dma_start3A_838 = arith.constant 0 : i32
    %dma_start3A_839 = tpu.memref_slice %arg6[%dma_start3A_836, %dma_start3A_837, %dma_start3A_838] : memref<3x80x512xf32, #tpu.memory_space<vmem>> -> memref<1x80x512xf32, #tpu.memory_space<vmem>>
    %dma_start3A_840 = tpu.memref_squeeze %dma_start3A_839 : memref<1x80x512xf32, #tpu.memory_space<vmem>> -> memref<80x512xf32, #tpu.memory_space<vmem>>
    %dma_start3A_841 = arith.constant 0 : i32
    %dma_start3A_842 = tpu.memref_slice %arg5[%dma_start3A_835, %dma_start3A_841] : memref<20x80xi32, #tpu.memory_space<vmem>> -> memref<1x80xi32, #tpu.memory_space<vmem>>
    %dma_start3A_843 = tpu.memref_squeeze %dma_start3A_842 : memref<1x80xi32, #tpu.memory_space<vmem>> -> memref<80xi32, #tpu.memory_space<vmem>>
    %dma_start3A_844 = arith.constant 0 : i32
    %dma_start3A_845 = arith.constant 0 : i32
    %dma_start3A_846 = tpu.memref_slice %arg3[%dma_start3A_844, %dma_start3A_845] : memref<100000x512xf32, #tpu.memory_space<hbm>> -> memref<100000x512xf32, #tpu.memory_space<hbm>>
    tpu.enqueue_indirect_dma source(%dma_start3A_846 : memref<100000x512xf32, #tpu.memory_space<hbm>>) target(%dma_start3A_840 : memref<80x512xf32, #tpu.memory_space<vmem>>) offsets(%dma_start3A_843 : memref<80xi32, #tpu.memory_space<vmem>>) semaphore(%arg9 : memref<!tpu.dma_semaphore, #tpu.memory_space<semaphore_mem>>)
    %dma_wait3A_847 = arith.constant 15 : i32
    %dma_wait3A_848 = arith.constant 0 : i32
    %dma_wait3A_849 = arith.constant 0 : i32
    %dma_wait3A_850 = arith.constant 0 : i32
    %dma_wait3A_851 = tpu.memref_slice %arg6[%dma_wait3A_848, %dma_wait3A_849, %dma_wait3A_850] : memref<3x80x512xf32, #tpu.memory_space<vmem>> -> memref<1x80x512xf32, #tpu.memory_space<vmem>>
    %dma_wait3A_852 = tpu.memref_squeeze %dma_wait3A_851 : memref<1x80x512xf32, #tpu.memory_space<vmem>> -> memref<80x512xf32, #tpu.memory_space<vmem>>
    %dma_wait3A_853 = arith.constant 0 : i32
    %dma_wait3A_854 = tpu.memref_slice %arg5[%dma_wait3A_847, %dma_wait3A_853] : memref<20x80xi32, #tpu.memory_space<vmem>> -> memref<1x80xi32, #tpu.memory_space<vmem>>
    %dma_wait3A_855 = tpu.memref_squeeze %dma_wait3A_854 : memref<1x80xi32, #tpu.memory_space<vmem>> -> memref<80xi32, #tpu.memory_space<vmem>>
    %dma_wait3A_856 = arith.constant 0 : i32
    %dma_wait3A_857 = arith.constant 0 : i32
    %dma_wait3A_858 = tpu.memref_slice %arg3[%dma_wait3A_856, %dma_wait3A_857] : memref<100000x512xf32, #tpu.memory_space<hbm>> -> memref<100000x512xf32, #tpu.memory_space<hbm>>
    tpu.wait_indirect_dma semaphore(%arg7 : memref<!tpu.dma_semaphore, #tpu.memory_space<semaphore_mem>>) src(%dma_wait3A_858 : memref<100000x512xf32, #tpu.memory_space<hbm>>) dst(%dma_wait3A_852 : memref<80x512xf32, #tpu.memory_space<vmem>>)
    %add3A_859 = arith.constant 15 : i32
    %add3A_860 = arith.addi %mul3A_2, %add3A_859 : i32
    %mul3A_861 = arith.constant 80 : i32
    %mul3A_862 = arith.muli %add3A_860, %mul3A_861 : i32
    %dma_start3A_863 = arith.constant 0 : i32
    %dma_start3A_864 = arith.constant 0 : i32
    %dma_start3A_865 = arith.constant 0 : i32
    %dma_start3A_866 = tpu.memref_slice %arg6[%dma_start3A_863, %dma_start3A_864, %dma_start3A_865] : memref<3x80x512xf32, #tpu.memory_space<vmem>> -> memref<1x80x512xf32, #tpu.memory_space<vmem>>
    %dma_start3A_867 = tpu.memref_squeeze %dma_start3A_866 : memref<1x80x512xf32, #tpu.memory_space<vmem>> -> memref<80x512xf32, #tpu.memory_space<vmem>>
    %dma_start3A_868 = arith.constant 0 : i32
    %dma_start3A_869 = tpu.memref_slice %arg4[%mul3A_862, %dma_start3A_868] : memref<51200x512xf32, #tpu.memory_space<hbm>> -> memref<80x512xf32, #tpu.memory_space<hbm>>
    %dma_start3A_870 = arith.constant 0 : i32
    %dma_start3A_871 = tpu.memref_slice %arg4[%mul3A_862, %dma_start3A_870] : memref<51200x512xf32, #tpu.memory_space<hbm>> -> memref<80x512xf32, #tpu.memory_space<hbm>>
    %dma_start3A_872 = arith.constant 0 : i32
    %dma_start3A_873 = arith.constant 0 : i32
    %dma_start3A_874 = tpu.memref_slice %arg6[%dma_start3A_863, %dma_start3A_872, %dma_start3A_873] : memref<3x80x512xf32, #tpu.memory_space<vmem>> -> memref<1x80x512xf32, #tpu.memory_space<vmem>>
    %dma_start3A_875 = tpu.memref_squeeze %dma_start3A_874 : memref<1x80x512xf32, #tpu.memory_space<vmem>> -> memref<80x512xf32, #tpu.memory_space<vmem>>
    tpu.enqueue_dma source(%dma_start3A_875 : memref<80x512xf32, #tpu.memory_space<vmem>>) target(%dma_start3A_871 : memref<80x512xf32, #tpu.memory_space<hbm>>) target_semaphore(%arg10 : memref<!tpu.dma_semaphore, #tpu.memory_space<semaphore_mem>>)
    %dma_wait3A_876 = arith.constant 0 : i32
    %dma_wait3A_877 = arith.constant 0 : i32
    %dma_wait3A_878 = arith.constant 0 : i32
    %dma_wait3A_879 = tpu.memref_slice %arg6[%dma_wait3A_876, %dma_wait3A_877, %dma_wait3A_878] : memref<3x80x512xf32, #tpu.memory_space<vmem>> -> memref<1x80x512xf32, #tpu.memory_space<vmem>>
    %dma_wait3A_880 = tpu.memref_squeeze %dma_wait3A_879 : memref<1x80x512xf32, #tpu.memory_space<vmem>> -> memref<80x512xf32, #tpu.memory_space<vmem>>
    %dma_wait3A_881 = arith.constant 0 : i32
    %dma_wait3A_882 = tpu.memref_slice %arg4[%mul3A_862, %dma_wait3A_881] : memref<51200x512xf32, #tpu.memory_space<hbm>> -> memref<80x512xf32, #tpu.memory_space<hbm>>
    %dma_wait3A_883 = arith.constant 0 : i32
    %dma_wait3A_884 = tpu.memref_slice %arg4[%mul3A_862, %dma_wait3A_883] : memref<51200x512xf32, #tpu.memory_space<hbm>> -> memref<80x512xf32, #tpu.memory_space<hbm>>
    %dma_wait3A_885 = arith.constant 0 : i32
    %dma_wait3A_886 = arith.constant 0 : i32
    %dma_wait3A_887 = tpu.memref_slice %arg6[%dma_wait3A_876, %dma_wait3A_885, %dma_wait3A_886] : memref<3x80x512xf32, #tpu.memory_space<vmem>> -> memref<1x80x512xf32, #tpu.memory_space<vmem>>
    %dma_wait3A_888 = tpu.memref_squeeze %dma_wait3A_887 : memref<1x80x512xf32, #tpu.memory_space<vmem>> -> memref<80x512xf32, #tpu.memory_space<vmem>>
    tpu.wait_dma2 semaphore(%arg10 : memref<!tpu.dma_semaphore, #tpu.memory_space<semaphore_mem>>) src(%dma_wait3A_888 : memref<80x512xf32, #tpu.memory_space<vmem>>) dst(%dma_wait3A_884 : memref<80x512xf32, #tpu.memory_space<hbm>>)
    %dma_start3A_889 = arith.constant 18 : i32
    %dma_start3A_890 = arith.constant 0 : i32
    %dma_start3A_891 = arith.constant 0 : i32
    %dma_start3A_892 = arith.constant 0 : i32
    %dma_start3A_893 = tpu.memref_slice %arg6[%dma_start3A_890, %dma_start3A_891, %dma_start3A_892] : memref<3x80x512xf32, #tpu.memory_space<vmem>> -> memref<1x80x512xf32, #tpu.memory_space<vmem>>
    %dma_start3A_894 = tpu.memref_squeeze %dma_start3A_893 : memref<1x80x512xf32, #tpu.memory_space<vmem>> -> memref<80x512xf32, #tpu.memory_space<vmem>>
    %dma_start3A_895 = arith.constant 0 : i32
    %dma_start3A_896 = tpu.memref_slice %arg5[%dma_start3A_889, %dma_start3A_895] : memref<20x80xi32, #tpu.memory_space<vmem>> -> memref<1x80xi32, #tpu.memory_space<vmem>>
    %dma_start3A_897 = tpu.memref_squeeze %dma_start3A_896 : memref<1x80xi32, #tpu.memory_space<vmem>> -> memref<80xi32, #tpu.memory_space<vmem>>
    %dma_start3A_898 = arith.constant 0 : i32
    %dma_start3A_899 = arith.constant 0 : i32
    %dma_start3A_900 = tpu.memref_slice %arg3[%dma_start3A_898, %dma_start3A_899] : memref<100000x512xf32, #tpu.memory_space<hbm>> -> memref<100000x512xf32, #tpu.memory_space<hbm>>
    tpu.enqueue_indirect_dma source(%dma_start3A_900 : memref<100000x512xf32, #tpu.memory_space<hbm>>) target(%dma_start3A_894 : memref<80x512xf32, #tpu.memory_space<vmem>>) offsets(%dma_start3A_897 : memref<80xi32, #tpu.memory_space<vmem>>) semaphore(%arg7 : memref<!tpu.dma_semaphore, #tpu.memory_space<semaphore_mem>>)
    %dma_wait3A_901 = arith.constant 16 : i32
    %dma_wait3A_902 = arith.constant 1 : i32
    %dma_wait3A_903 = arith.constant 0 : i32
    %dma_wait3A_904 = arith.constant 0 : i32
    %dma_wait3A_905 = tpu.memref_slice %arg6[%dma_wait3A_902, %dma_wait3A_903, %dma_wait3A_904] : memref<3x80x512xf32, #tpu.memory_space<vmem>> -> memref<1x80x512xf32, #tpu.memory_space<vmem>>
    %dma_wait3A_906 = tpu.memref_squeeze %dma_wait3A_905 : memref<1x80x512xf32, #tpu.memory_space<vmem>> -> memref<80x512xf32, #tpu.memory_space<vmem>>
    %dma_wait3A_907 = arith.constant 0 : i32
    %dma_wait3A_908 = tpu.memref_slice %arg5[%dma_wait3A_901, %dma_wait3A_907] : memref<20x80xi32, #tpu.memory_space<vmem>> -> memref<1x80xi32, #tpu.memory_space<vmem>>
    %dma_wait3A_909 = tpu.memref_squeeze %dma_wait3A_908 : memref<1x80xi32, #tpu.memory_space<vmem>> -> memref<80xi32, #tpu.memory_space<vmem>>
    %dma_wait3A_910 = arith.constant 0 : i32
    %dma_wait3A_911 = arith.constant 0 : i32
    %dma_wait3A_912 = tpu.memref_slice %arg3[%dma_wait3A_910, %dma_wait3A_911] : memref<100000x512xf32, #tpu.memory_space<hbm>> -> memref<100000x512xf32, #tpu.memory_space<hbm>>
    tpu.wait_indirect_dma semaphore(%arg8 : memref<!tpu.dma_semaphore, #tpu.memory_space<semaphore_mem>>) src(%dma_wait3A_912 : memref<100000x512xf32, #tpu.memory_space<hbm>>) dst(%dma_wait3A_906 : memref<80x512xf32, #tpu.memory_space<vmem>>)
    %add3A_913 = arith.constant 16 : i32
    %add3A_914 = arith.addi %mul3A_2, %add3A_913 : i32
    %mul3A_915 = arith.constant 80 : i32
    %mul3A_916 = arith.muli %add3A_914, %mul3A_915 : i32
    %dma_start3A_917 = arith.constant 1 : i32
    %dma_start3A_918 = arith.constant 0 : i32
    %dma_start3A_919 = arith.constant 0 : i32
    %dma_start3A_920 = tpu.memref_slice %arg6[%dma_start3A_917, %dma_start3A_918, %dma_start3A_919] : memref<3x80x512xf32, #tpu.memory_space<vmem>> -> memref<1x80x512xf32, #tpu.memory_space<vmem>>
    %dma_start3A_921 = tpu.memref_squeeze %dma_start3A_920 : memref<1x80x512xf32, #tpu.memory_space<vmem>> -> memref<80x512xf32, #tpu.memory_space<vmem>>
    %dma_start3A_922 = arith.constant 0 : i32
    %dma_start3A_923 = tpu.memref_slice %arg4[%mul3A_916, %dma_start3A_922] : memref<51200x512xf32, #tpu.memory_space<hbm>> -> memref<80x512xf32, #tpu.memory_space<hbm>>
    %dma_start3A_924 = arith.constant 0 : i32
    %dma_start3A_925 = tpu.memref_slice %arg4[%mul3A_916, %dma_start3A_924] : memref<51200x512xf32, #tpu.memory_space<hbm>> -> memref<80x512xf32, #tpu.memory_space<hbm>>
    %dma_start3A_926 = arith.constant 0 : i32
    %dma_start3A_927 = arith.constant 0 : i32
    %dma_start3A_928 = tpu.memref_slice %arg6[%dma_start3A_917, %dma_start3A_926, %dma_start3A_927] : memref<3x80x512xf32, #tpu.memory_space<vmem>> -> memref<1x80x512xf32, #tpu.memory_space<vmem>>
    %dma_start3A_929 = tpu.memref_squeeze %dma_start3A_928 : memref<1x80x512xf32, #tpu.memory_space<vmem>> -> memref<80x512xf32, #tpu.memory_space<vmem>>
    tpu.enqueue_dma source(%dma_start3A_929 : memref<80x512xf32, #tpu.memory_space<vmem>>) target(%dma_start3A_925 : memref<80x512xf32, #tpu.memory_space<hbm>>) target_semaphore(%arg11 : memref<!tpu.dma_semaphore, #tpu.memory_space<semaphore_mem>>)
    %dma_wait3A_930 = arith.constant 1 : i32
    %dma_wait3A_931 = arith.constant 0 : i32
    %dma_wait3A_932 = arith.constant 0 : i32
    %dma_wait3A_933 = tpu.memref_slice %arg6[%dma_wait3A_930, %dma_wait3A_931, %dma_wait3A_932] : memref<3x80x512xf32, #tpu.memory_space<vmem>> -> memref<1x80x512xf32, #tpu.memory_space<vmem>>
    %dma_wait3A_934 = tpu.memref_squeeze %dma_wait3A_933 : memref<1x80x512xf32, #tpu.memory_space<vmem>> -> memref<80x512xf32, #tpu.memory_space<vmem>>
    %dma_wait3A_935 = arith.constant 0 : i32
    %dma_wait3A_936 = tpu.memref_slice %arg4[%mul3A_916, %dma_wait3A_935] : memref<51200x512xf32, #tpu.memory_space<hbm>> -> memref<80x512xf32, #tpu.memory_space<hbm>>
    %dma_wait3A_937 = arith.constant 0 : i32
    %dma_wait3A_938 = tpu.memref_slice %arg4[%mul3A_916, %dma_wait3A_937] : memref<51200x512xf32, #tpu.memory_space<hbm>> -> memref<80x512xf32, #tpu.memory_space<hbm>>
    %dma_wait3A_939 = arith.constant 0 : i32
    %dma_wait3A_940 = arith.constant 0 : i32
    %dma_wait3A_941 = tpu.memref_slice %arg6[%dma_wait3A_930, %dma_wait3A_939, %dma_wait3A_940] : memref<3x80x512xf32, #tpu.memory_space<vmem>> -> memref<1x80x512xf32, #tpu.memory_space<vmem>>
    %dma_wait3A_942 = tpu.memref_squeeze %dma_wait3A_941 : memref<1x80x512xf32, #tpu.memory_space<vmem>> -> memref<80x512xf32, #tpu.memory_space<vmem>>
    tpu.wait_dma2 semaphore(%arg11 : memref<!tpu.dma_semaphore, #tpu.memory_space<semaphore_mem>>) src(%dma_wait3A_942 : memref<80x512xf32, #tpu.memory_space<vmem>>) dst(%dma_wait3A_938 : memref<80x512xf32, #tpu.memory_space<hbm>>)
    %dma_start3A_943 = arith.constant 19 : i32
    %dma_start3A_944 = arith.constant 1 : i32
    %dma_start3A_945 = arith.constant 0 : i32
    %dma_start3A_946 = arith.constant 0 : i32
    %dma_start3A_947 = tpu.memref_slice %arg6[%dma_start3A_944, %dma_start3A_945, %dma_start3A_946] : memref<3x80x512xf32, #tpu.memory_space<vmem>> -> memref<1x80x512xf32, #tpu.memory_space<vmem>>
    %dma_start3A_948 = tpu.memref_squeeze %dma_start3A_947 : memref<1x80x512xf32, #tpu.memory_space<vmem>> -> memref<80x512xf32, #tpu.memory_space<vmem>>
    %dma_start3A_949 = arith.constant 0 : i32
    %dma_start3A_950 = tpu.memref_slice %arg5[%dma_start3A_943, %dma_start3A_949] : memref<20x80xi32, #tpu.memory_space<vmem>> -> memref<1x80xi32, #tpu.memory_space<vmem>>
    %dma_start3A_951 = tpu.memref_squeeze %dma_start3A_950 : memref<1x80xi32, #tpu.memory_space<vmem>> -> memref<80xi32, #tpu.memory_space<vmem>>
    %dma_start3A_952 = arith.constant 0 : i32
    %dma_start3A_953 = arith.constant 0 : i32
    %dma_start3A_954 = tpu.memref_slice %arg3[%dma_start3A_952, %dma_start3A_953] : memref<100000x512xf32, #tpu.memory_space<hbm>> -> memref<100000x512xf32, #tpu.memory_space<hbm>>
    tpu.enqueue_indirect_dma source(%dma_start3A_954 : memref<100000x512xf32, #tpu.memory_space<hbm>>) target(%dma_start3A_948 : memref<80x512xf32, #tpu.memory_space<vmem>>) offsets(%dma_start3A_951 : memref<80xi32, #tpu.memory_space<vmem>>) semaphore(%arg8 : memref<!tpu.dma_semaphore, #tpu.memory_space<semaphore_mem>>)
    %dma_wait3A_955 = arith.constant 17 : i32
    %dma_wait3A_956 = arith.constant 2 : i32
    %dma_wait3A_957 = arith.constant 0 : i32
    %dma_wait3A_958 = arith.constant 0 : i32
    %dma_wait3A_959 = tpu.memref_slice %arg6[%dma_wait3A_956, %dma_wait3A_957, %dma_wait3A_958] : memref<3x80x512xf32, #tpu.memory_space<vmem>> -> memref<1x80x512xf32, #tpu.memory_space<vmem>>
    %dma_wait3A_960 = tpu.memref_squeeze %dma_wait3A_959 : memref<1x80x512xf32, #tpu.memory_space<vmem>> -> memref<80x512xf32, #tpu.memory_space<vmem>>
    %dma_wait3A_961 = arith.constant 0 : i32
    %dma_wait3A_962 = tpu.memref_slice %arg5[%dma_wait3A_955, %dma_wait3A_961] : memref<20x80xi32, #tpu.memory_space<vmem>> -> memref<1x80xi32, #tpu.memory_space<vmem>>
    %dma_wait3A_963 = tpu.memref_squeeze %dma_wait3A_962 : memref<1x80xi32, #tpu.memory_space<vmem>> -> memref<80xi32, #tpu.memory_space<vmem>>
    %dma_wait3A_964 = arith.constant 0 : i32
    %dma_wait3A_965 = arith.constant 0 : i32
    %dma_wait3A_966 = tpu.memref_slice %arg3[%dma_wait3A_964, %dma_wait3A_965] : memref<100000x512xf32, #tpu.memory_space<hbm>> -> memref<100000x512xf32, #tpu.memory_space<hbm>>
    tpu.wait_indirect_dma semaphore(%arg9 : memref<!tpu.dma_semaphore, #tpu.memory_space<semaphore_mem>>) src(%dma_wait3A_966 : memref<100000x512xf32, #tpu.memory_space<hbm>>) dst(%dma_wait3A_960 : memref<80x512xf32, #tpu.memory_space<vmem>>)
    %add3A_967 = arith.constant 17 : i32
    %add3A_968 = arith.addi %mul3A_2, %add3A_967 : i32
    %mul3A_969 = arith.constant 80 : i32
    %mul3A_970 = arith.muli %add3A_968, %mul3A_969 : i32
    %dma_start3A_971 = arith.constant 2 : i32
    %dma_start3A_972 = arith.constant 0 : i32
    %dma_start3A_973 = arith.constant 0 : i32
    %dma_start3A_974 = tpu.memref_slice %arg6[%dma_start3A_971, %dma_start3A_972, %dma_start3A_973] : memref<3x80x512xf32, #tpu.memory_space<vmem>> -> memref<1x80x512xf32, #tpu.memory_space<vmem>>
    %dma_start3A_975 = tpu.memref_squeeze %dma_start3A_974 : memref<1x80x512xf32, #tpu.memory_space<vmem>> -> memref<80x512xf32, #tpu.memory_space<vmem>>
    %dma_start3A_976 = arith.constant 0 : i32
    %dma_start3A_977 = tpu.memref_slice %arg4[%mul3A_970, %dma_start3A_976] : memref<51200x512xf32, #tpu.memory_space<hbm>> -> memref<80x512xf32, #tpu.memory_space<hbm>>
    %dma_start3A_978 = arith.constant 0 : i32
    %dma_start3A_979 = tpu.memref_slice %arg4[%mul3A_970, %dma_start3A_978] : memref<51200x512xf32, #tpu.memory_space<hbm>> -> memref<80x512xf32, #tpu.memory_space<hbm>>
    %dma_start3A_980 = arith.constant 0 : i32
    %dma_start3A_981 = arith.constant 0 : i32
    %dma_start3A_982 = tpu.memref_slice %arg6[%dma_start3A_971, %dma_start3A_980, %dma_start3A_981] : memref<3x80x512xf32, #tpu.memory_space<vmem>> -> memref<1x80x512xf32, #tpu.memory_space<vmem>>
    %dma_start3A_983 = tpu.memref_squeeze %dma_start3A_982 : memref<1x80x512xf32, #tpu.memory_space<vmem>> -> memref<80x512xf32, #tpu.memory_space<vmem>>
    tpu.enqueue_dma source(%dma_start3A_983 : memref<80x512xf32, #tpu.memory_space<vmem>>) target(%dma_start3A_979 : memref<80x512xf32, #tpu.memory_space<hbm>>) target_semaphore(%arg12 : memref<!tpu.dma_semaphore, #tpu.memory_space<semaphore_mem>>)
    %dma_wait3A_984 = arith.constant 18 : i32
    %dma_wait3A_985 = arith.constant 0 : i32
    %dma_wait3A_986 = arith.constant 0 : i32
    %dma_wait3A_987 = arith.constant 0 : i32
    %dma_wait3A_988 = tpu.memref_slice %arg6[%dma_wait3A_985, %dma_wait3A_986, %dma_wait3A_987] : memref<3x80x512xf32, #tpu.memory_space<vmem>> -> memref<1x80x512xf32, #tpu.memory_space<vmem>>
    %dma_wait3A_989 = tpu.memref_squeeze %dma_wait3A_988 : memref<1x80x512xf32, #tpu.memory_space<vmem>> -> memref<80x512xf32, #tpu.memory_space<vmem>>
    %dma_wait3A_990 = arith.constant 0 : i32
    %dma_wait3A_991 = tpu.memref_slice %arg5[%dma_wait3A_984, %dma_wait3A_990] : memref<20x80xi32, #tpu.memory_space<vmem>> -> memref<1x80xi32, #tpu.memory_space<vmem>>
    %dma_wait3A_992 = tpu.memref_squeeze %dma_wait3A_991 : memref<1x80xi32, #tpu.memory_space<vmem>> -> memref<80xi32, #tpu.memory_space<vmem>>
    %dma_wait3A_993 = arith.constant 0 : i32
    %dma_wait3A_994 = arith.constant 0 : i32
    %dma_wait3A_995 = tpu.memref_slice %arg3[%dma_wait3A_993, %dma_wait3A_994] : memref<100000x512xf32, #tpu.memory_space<hbm>> -> memref<100000x512xf32, #tpu.memory_space<hbm>>
    tpu.wait_indirect_dma semaphore(%arg7 : memref<!tpu.dma_semaphore, #tpu.memory_space<semaphore_mem>>) src(%dma_wait3A_995 : memref<100000x512xf32, #tpu.memory_space<hbm>>) dst(%dma_wait3A_989 : memref<80x512xf32, #tpu.memory_space<vmem>>)
    %add3A_996 = arith.constant 18 : i32
    %add3A_997 = arith.addi %mul3A_2, %add3A_996 : i32
    %mul3A_998 = arith.constant 80 : i32
    %mul3A_999 = arith.muli %add3A_997, %mul3A_998 : i32
    %dma_start3A_1000 = arith.constant 0 : i32
    %dma_start3A_1001 = arith.constant 0 : i32
    %dma_start3A_1002 = arith.constant 0 : i32
    %dma_start3A_1003 = tpu.memref_slice %arg6[%dma_start3A_1000, %dma_start3A_1001, %dma_start3A_1002] : memref<3x80x512xf32, #tpu.memory_space<vmem>> -> memref<1x80x512xf32, #tpu.memory_space<vmem>>
    %dma_start3A_1004 = tpu.memref_squeeze %dma_start3A_1003 : memref<1x80x512xf32, #tpu.memory_space<vmem>> -> memref<80x512xf32, #tpu.memory_space<vmem>>
    %dma_start3A_1005 = arith.constant 0 : i32
    %dma_start3A_1006 = tpu.memref_slice %arg4[%mul3A_999, %dma_start3A_1005] : memref<51200x512xf32, #tpu.memory_space<hbm>> -> memref<80x512xf32, #tpu.memory_space<hbm>>
    %dma_start3A_1007 = arith.constant 0 : i32
    %dma_start3A_1008 = tpu.memref_slice %arg4[%mul3A_999, %dma_start3A_1007] : memref<51200x512xf32, #tpu.memory_space<hbm>> -> memref<80x512xf32, #tpu.memory_space<hbm>>
    %dma_start3A_1009 = arith.constant 0 : i32
    %dma_start3A_1010 = arith.constant 0 : i32
    %dma_start3A_1011 = tpu.memref_slice %arg6[%dma_start3A_1000, %dma_start3A_1009, %dma_start3A_1010] : memref<3x80x512xf32, #tpu.memory_space<vmem>> -> memref<1x80x512xf32, #tpu.memory_space<vmem>>
    %dma_start3A_1012 = tpu.memref_squeeze %dma_start3A_1011 : memref<1x80x512xf32, #tpu.memory_space<vmem>> -> memref<80x512xf32, #tpu.memory_space<vmem>>
    tpu.enqueue_dma source(%dma_start3A_1012 : memref<80x512xf32, #tpu.memory_space<vmem>>) target(%dma_start3A_1008 : memref<80x512xf32, #tpu.memory_space<hbm>>) target_semaphore(%arg10 : memref<!tpu.dma_semaphore, #tpu.memory_space<semaphore_mem>>)
    %dma_wait3A_1013 = arith.constant 19 : i32
    %dma_wait3A_1014 = arith.constant 1 : i32
    %dma_wait3A_1015 = arith.constant 0 : i32
    %dma_wait3A_1016 = arith.constant 0 : i32
    %dma_wait3A_1017 = tpu.memref_slice %arg6[%dma_wait3A_1014, %dma_wait3A_1015, %dma_wait3A_1016] : memref<3x80x512xf32, #tpu.memory_space<vmem>> -> memref<1x80x512xf32, #tpu.memory_space<vmem>>
    %dma_wait3A_1018 = tpu.memref_squeeze %dma_wait3A_1017 : memref<1x80x512xf32, #tpu.memory_space<vmem>> -> memref<80x512xf32, #tpu.memory_space<vmem>>
    %dma_wait3A_1019 = arith.constant 0 : i32
    %dma_wait3A_1020 = tpu.memref_slice %arg5[%dma_wait3A_1013, %dma_wait3A_1019] : memref<20x80xi32, #tpu.memory_space<vmem>> -> memref<1x80xi32, #tpu.memory_space<vmem>>
    %dma_wait3A_1021 = tpu.memref_squeeze %dma_wait3A_1020 : memref<1x80xi32, #tpu.memory_space<vmem>> -> memref<80xi32, #tpu.memory_space<vmem>>
    %dma_wait3A_1022 = arith.constant 0 : i32
    %dma_wait3A_1023 = arith.constant 0 : i32
    %dma_wait3A_1024 = tpu.memref_slice %arg3[%dma_wait3A_1022, %dma_wait3A_1023] : memref<100000x512xf32, #tpu.memory_space<hbm>> -> memref<100000x512xf32, #tpu.memory_space<hbm>>
    tpu.wait_indirect_dma semaphore(%arg8 : memref<!tpu.dma_semaphore, #tpu.memory_space<semaphore_mem>>) src(%dma_wait3A_1024 : memref<100000x512xf32, #tpu.memory_space<hbm>>) dst(%dma_wait3A_1018 : memref<80x512xf32, #tpu.memory_space<vmem>>)
    %add3A_1025 = arith.constant 19 : i32
    %add3A_1026 = arith.addi %mul3A_2, %add3A_1025 : i32
    %mul3A_1027 = arith.constant 80 : i32
    %mul3A_1028 = arith.muli %add3A_1026, %mul3A_1027 : i32
    %dma_start3A_1029 = arith.constant 1 : i32
    %dma_start3A_1030 = arith.constant 0 : i32
    %dma_start3A_1031 = arith.constant 0 : i32
    %dma_start3A_1032 = tpu.memref_slice %arg6[%dma_start3A_1029, %dma_start3A_1030, %dma_start3A_1031] : memref<3x80x512xf32, #tpu.memory_space<vmem>> -> memref<1x80x512xf32, #tpu.memory_space<vmem>>
    %dma_start3A_1033 = tpu.memref_squeeze %dma_start3A_1032 : memref<1x80x512xf32, #tpu.memory_space<vmem>> -> memref<80x512xf32, #tpu.memory_space<vmem>>
    %dma_start3A_1034 = arith.constant 0 : i32
    %dma_start3A_1035 = tpu.memref_slice %arg4[%mul3A_1028, %dma_start3A_1034] : memref<51200x512xf32, #tpu.memory_space<hbm>> -> memref<80x512xf32, #tpu.memory_space<hbm>>
    %dma_start3A_1036 = arith.constant 0 : i32
    %dma_start3A_1037 = tpu.memref_slice %arg4[%mul3A_1028, %dma_start3A_1036] : memref<51200x512xf32, #tpu.memory_space<hbm>> -> memref<80x512xf32, #tpu.memory_space<hbm>>
    %dma_start3A_1038 = arith.constant 0 : i32
    %dma_start3A_1039 = arith.constant 0 : i32
    %dma_start3A_1040 = tpu.memref_slice %arg6[%dma_start3A_1029, %dma_start3A_1038, %dma_start3A_1039] : memref<3x80x512xf32, #tpu.memory_space<vmem>> -> memref<1x80x512xf32, #tpu.memory_space<vmem>>
    %dma_start3A_1041 = tpu.memref_squeeze %dma_start3A_1040 : memref<1x80x512xf32, #tpu.memory_space<vmem>> -> memref<80x512xf32, #tpu.memory_space<vmem>>
    tpu.enqueue_dma source(%dma_start3A_1041 : memref<80x512xf32, #tpu.memory_space<vmem>>) target(%dma_start3A_1037 : memref<80x512xf32, #tpu.memory_space<hbm>>) target_semaphore(%arg11 : memref<!tpu.dma_semaphore, #tpu.memory_space<semaphore_mem>>)
    %dma_wait3A_1042 = arith.constant 2 : i32
    %dma_wait3A_1043 = arith.constant 0 : i32
    %dma_wait3A_1044 = arith.constant 0 : i32
    %dma_wait3A_1045 = tpu.memref_slice %arg6[%dma_wait3A_1042, %dma_wait3A_1043, %dma_wait3A_1044] : memref<3x80x512xf32, #tpu.memory_space<vmem>> -> memref<1x80x512xf32, #tpu.memory_space<vmem>>
    %dma_wait3A_1046 = tpu.memref_squeeze %dma_wait3A_1045 : memref<1x80x512xf32, #tpu.memory_space<vmem>> -> memref<80x512xf32, #tpu.memory_space<vmem>>
    %dma_wait3A_1047 = arith.constant 0 : i32
    %dma_wait3A_1048 = tpu.memref_slice %arg4[%mul3A_970, %dma_wait3A_1047] : memref<51200x512xf32, #tpu.memory_space<hbm>> -> memref<80x512xf32, #tpu.memory_space<hbm>>
    %dma_wait3A_1049 = arith.constant 0 : i32
    %dma_wait3A_1050 = tpu.memref_slice %arg4[%mul3A_970, %dma_wait3A_1049] : memref<51200x512xf32, #tpu.memory_space<hbm>> -> memref<80x512xf32, #tpu.memory_space<hbm>>
    %dma_wait3A_1051 = arith.constant 0 : i32
    %dma_wait3A_1052 = arith.constant 0 : i32
    %dma_wait3A_1053 = tpu.memref_slice %arg6[%dma_wait3A_1042, %dma_wait3A_1051, %dma_wait3A_1052] : memref<3x80x512xf32, #tpu.memory_space<vmem>> -> memref<1x80x512xf32, #tpu.memory_space<vmem>>
    %dma_wait3A_1054 = tpu.memref_squeeze %dma_wait3A_1053 : memref<1x80x512xf32, #tpu.memory_space<vmem>> -> memref<80x512xf32, #tpu.memory_space<vmem>>
    tpu.wait_dma2 semaphore(%arg12 : memref<!tpu.dma_semaphore, #tpu.memory_space<semaphore_mem>>) src(%dma_wait3A_1054 : memref<80x512xf32, #tpu.memory_space<vmem>>) dst(%dma_wait3A_1050 : memref<80x512xf32, #tpu.memory_space<hbm>>)
    %dma_wait3A_1055 = arith.constant 0 : i32
    %dma_wait3A_1056 = arith.constant 0 : i32
    %dma_wait3A_1057 = arith.constant 0 : i32
    %dma_wait3A_1058 = tpu.memref_slice %arg6[%dma_wait3A_1055, %dma_wait3A_1056, %dma_wait3A_1057] : memref<3x80x512xf32, #tpu.memory_space<vmem>> -> memref<1x80x512xf32, #tpu.memory_space<vmem>>
    %dma_wait3A_1059 = tpu.memref_squeeze %dma_wait3A_1058 : memref<1x80x512xf32, #tpu.memory_space<vmem>> -> memref<80x512xf32, #tpu.memory_space<vmem>>
    %dma_wait3A_1060 = arith.constant 0 : i32
    %dma_wait3A_1061 = tpu.memref_slice %arg4[%mul3A_999, %dma_wait3A_1060] : memref<51200x512xf32, #tpu.memory_space<hbm>> -> memref<80x512xf32, #tpu.memory_space<hbm>>
    %dma_wait3A_1062 = arith.constant 0 : i32
    %dma_wait3A_1063 = tpu.memref_slice %arg4[%mul3A_999, %dma_wait3A_1062] : memref<51200x512xf32, #tpu.memory_space<hbm>> -> memref<80x512xf32, #tpu.memory_space<hbm>>
    %dma_wait3A_1064 = arith.constant 0 : i32
    %dma_wait3A_1065 = arith.constant 0 : i32
    %dma_wait3A_1066 = tpu.memref_slice %arg6[%dma_wait3A_1055, %dma_wait3A_1064, %dma_wait3A_1065] : memref<3x80x512xf32, #tpu.memory_space<vmem>> -> memref<1x80x512xf32, #tpu.memory_space<vmem>>
    %dma_wait3A_1067 = tpu.memref_squeeze %dma_wait3A_1066 : memref<1x80x512xf32, #tpu.memory_space<vmem>> -> memref<80x512xf32, #tpu.memory_space<vmem>>
    tpu.wait_dma2 semaphore(%arg10 : memref<!tpu.dma_semaphore, #tpu.memory_space<semaphore_mem>>) src(%dma_wait3A_1067 : memref<80x512xf32, #tpu.memory_space<vmem>>) dst(%dma_wait3A_1063 : memref<80x512xf32, #tpu.memory_space<hbm>>)
    %dma_wait3A_1068 = arith.constant 1 : i32
    %dma_wait3A_1069 = arith.constant 0 : i32
    %dma_wait3A_1070 = arith.constant 0 : i32
    %dma_wait3A_1071 = tpu.memref_slice %arg6[%dma_wait3A_1068, %dma_wait3A_1069, %dma_wait3A_1070] : memref<3x80x512xf32, #tpu.memory_space<vmem>> -> memref<1x80x512xf32, #tpu.memory_space<vmem>>
    %dma_wait3A_1072 = tpu.memref_squeeze %dma_wait3A_1071 : memref<1x80x512xf32, #tpu.memory_space<vmem>> -> memref<80x512xf32, #tpu.memory_space<vmem>>
    %dma_wait3A_1073 = arith.constant 0 : i32
    %dma_wait3A_1074 = tpu.memref_slice %arg4[%mul3A_1028, %dma_wait3A_1073] : memref<51200x512xf32, #tpu.memory_space<hbm>> -> memref<80x512xf32, #tpu.memory_space<hbm>>
    %dma_wait3A_1075 = arith.constant 0 : i32
    %dma_wait3A_1076 = tpu.memref_slice %arg4[%mul3A_1028, %dma_wait3A_1075] : memref<51200x512xf32, #tpu.memory_space<hbm>> -> memref<80x512xf32, #tpu.memory_space<hbm>>
    %dma_wait3A_1077 = arith.constant 0 : i32
    %dma_wait3A_1078 = arith.constant 0 : i32
    %dma_wait3A_1079 = tpu.memref_slice %arg6[%dma_wait3A_1068, %dma_wait3A_1077, %dma_wait3A_1078] : memref<3x80x512xf32, #tpu.memory_space<vmem>> -> memref<1x80x512xf32, #tpu.memory_space<vmem>>
    %dma_wait3A_1080 = tpu.memref_squeeze %dma_wait3A_1079 : memref<1x80x512xf32, #tpu.memory_space<vmem>> -> memref<80x512xf32, #tpu.memory_space<vmem>>
    tpu.wait_dma2 semaphore(%arg11 : memref<!tpu.dma_semaphore, #tpu.memory_space<semaphore_mem>>) src(%dma_wait3A_1080 : memref<80x512xf32, #tpu.memory_space<vmem>>) dst(%dma_wait3A_1076 : memref<80x512xf32, #tpu.memory_space<hbm>>)
    return
  }
}

</mosaic_0001>

<sc_bundles>
// kernel: kernel.3.cloned.1.call-start
scs
__scs_entry_jumppad:
0x0: {  	(pc) =	sbr.rel $0x88, $3  }
0x1: {  	(tag) =	ssettag $0x0;
	lr =	simm.s32 $0x1  }
0x2: {  	[smem:$0x3F9F] =	sst lr;
	_ =	strace $0xD0000000  }
0x3: {  	_ = 	snop  }
0x4: {  	_ = 	snop  }
0x5: {  	_ = 	snop  }
0x6: {  	_ = 	snop  }
0x7: {  	_ = 	snop  }
__scs_overlays_trampoline_lowered:
0x8: {  	[smem:$0x3FAE] =	sst s0  }
0x9: {  	[smem:$0x3FAF] =	sst s1  }
0xa: {  	[smem:$0x3FB0] =	sst s2  }
0xb: {  	[smem:$0x3FB1] =	sst s3  }
0xc: {  	[smem:$0x3FB2] =	sst s4  }
0xd: {  	[smem:$0x3FB3] =	sst s5  }
0xe: {  	[smem:$0x3FB4] =	sst s6  }
0xf: {  	[smem:$0x3FB5] =	sst s7  }
0x10: {  	[smem:$0x3FB6] =	sst s8  }
0x11: {  	[smem:$0x3FB7] =	sst s9;
	s0 =	simm.s32 @!p0 $0x0  }
0x12: {  	s1 =	sld [smem:$0x3F9D];
	s0 =	simm.s32 @p0 $0x1  }
0x13: {  	[smem:$0x3FB8] =	sst s0;
	s0 =	simm.s32 @!p1 $0x0  }
0x14: {  	s2 =	sld [smem:$0x3F9C];
	s0 =	simm.s32 @p1 $0x1  }
0x15: {  	[smem:$0x3FB9] =	sst s0;
	s0 =	simm.s32 @!p2 $0x0  }
0x16: {  	s3 =	sld [smem:$0x3FDB];
	s0 =	simm.s32 @p2 $0x1  }
0x17: {  	s4 =	simm.s32 $0x1BF5;
	[smem:$0x3FBB] =	sst s0  }
0x18: {  	s0 =	sld [smem:$0x3F9E];
	_ =	swait.ge [sflag:s4], $0x0  }
0x19: {  	s7 =	sld [smem:$0x3F9F]  }
0x1a: {  	s8 =	sadd.s32 $0xFFFFE003, lr  }
0x1b: {  	s9 =	sadd.s32 $0xFFFFFEF7, lr;
	s5 =	simm.s32 $0xFFFFFFFF;
	p2 =	slt.u32 s8, $0xFFFFF086  }
0x1c: {  	p1 =	slt.u32 s9, $0xF7A;
	s5 =	simm.s32 @!p2 $0x0  }
0x1d: {  	s5 =	simm.s32 @p1 $0x1;
	p0 =	seq.s32 s7, s2  }
0x1e: {  	s7 =	smul.u32 @!p0 $0xF7A, s2;
	p2 =	seq.s32 @!p0 s5, $0x0  }
0x1f: {  	s9 =	smul.u32 $0xF7A, s1;
	s8 =	simm.s32 @!p0 $0x1BF5;
	p2 =	por !p2, p0  }
0x20: {  	[sflag:s8] =	ssyncset.s32 @!p0 $0xFFFFF086;
	s6 =	sadd.s32 @!p0 s3, s7;
	s7 =	simm.s32 @!p0 $0x108  }
0x21: {  	s3 =	sadd.s32 s3, s9;
	s6 =	sadd.s32 @!p0 $0x88, s6;
	s7 =	simm.s32 @p2 $0x1082  }
0x22: {  	[simem:s7], [sflag:s8] =	dma.local @!p0 [hbm:s6], $0xF7A  }
0x23: {  	s9 =	sor.u32 $0xD0000000, s2;
	s6 =	simm.s32 $0x108;
	_ =	swait.ge @!p0 [sflag:s8], $0x0  }
0x24: {  	s3 =	sadd.s32 $0x88, s3;
	s6 =	simm.s32 @!p1 $0x1082;
	[sflag:s4] =	ssyncset.s32 $0xFFFFF086  }
0x25: {  	[simem:s6], [sflag:s4] =	dma.local [hbm:s3], $0xF7A  }
0x26: {  	[smem:$0x3F9F] =	sst s1;
	(tag) =	ssettag s2;
	_ =	strace s9  }
0x27: {  	s1 =	sld [smem:$0x3FAF]  }
0x28: {  	s2 =	sld [smem:$0x3FB0]  }
0x29: {  	s4 =	sld [smem:$0x3FB2]  }
0x2a: {  	p0 =	seq.s32 s5, $0x0;
	s5 =	sld [smem:$0x3FB3]  }
0x2b: {  	s6 =	sld [smem:$0x3FB4]  }
0x2c: {  	s7 =	sld [smem:$0x3FB5]  }
0x2d: {  	s3 =	simm.s32 $0x108;
	s8 =	sld [smem:$0x3FB6]  }
0x2e: {  	s3 =	simm.s32 @!p0 $0x1082;
	s9 =	sld [smem:$0x3FB7]  }
0x2f: {  	lr =	sadd.s32 s0, s3;
	s0 =	sld [smem:$0x3FAE]  }
0x30: {  	s3 =	sld [smem:$0x3FB1]  }
0x31: {  	[smem:$0x3FBA] =	sst s10  }
0x32: {  	s10 =	sld [smem:$0x3FB8];
	_ =	sdelay $0x3  }
0x33: {  	p0 =	seq.s32 s10, $0x1;
	s10 =	sld [smem:$0x3FBA];
	_ =	sdelay $0x3  }
0x34: {  	[smem:$0x3FBA] =	sst s10  }
0x35: {  	s10 =	sld [smem:$0x3FB9];
	_ =	sdelay $0x3  }
0x36: {  	p1 =	seq.s32 s10, $0x1;
	s10 =	sld [smem:$0x3FBA];
	_ =	sdelay $0x3  }
0x37: {  	[smem:$0x3FBA] =	sst s10  }
0x38: {  	s10 =	sld [smem:$0x3FBB]  }
0x39: {  	_ = 	snop;
	(pc) =	sbr.ind lr, $3  }
0x3a: {  	_ = 	snop  }
0x3b: {  	_ = 	snop  }
0x3c: {  	p2 =	seq.s32 s10, $0x1;
	s10 =	sld [smem:$0x3FBA]  }
0x3d: {  	_ =	shalt  }
0x3e: {  	_ =	shalt  }
0x3f: {  	_ =	shalt  }
0x40: {  	_ =	shalt  }
0x41: {  	_ =	shalt  }
0x42: {  	_ =	shalt  }
0x43: {  	_ =	shalt  }
0x44: {  	_ =	shalt  }
0x45: {  	_ =	shalt  }
0x46: {  	_ =	shalt  }
0x47: {  	_ =	shalt  }
0x48: {  	_ =	shalt  }
0x49: {  	_ =	shalt  }
0x4a: {  	_ =	shalt  }
0x4b: {  	_ =	shalt  }
0x4c: {  	_ =	shalt  }
0x4d: {  	_ =	shalt  }
0x4e: {  	_ =	shalt  }
0x4f: {  	_ =	shalt  }
0x50: {  	_ =	shalt  }
0x51: {  	_ =	shalt  }
0x52: {  	_ =	shalt  }
0x53: {  	_ =	shalt  }
0x54: {  	_ =	shalt  }
0x55: {  	_ =	shalt  }
0x56: {  	_ =	shalt  }
0x57: {  	_ =	shalt  }
0x58: {  	_ =	shalt  }
0x59: {  	_ =	shalt  }
0x5a: {  	_ =	shalt  }
0x5b: {  	_ =	shalt  }
0x5c: {  	_ =	shalt  }
0x5d: {  	_ =	shalt  }
0x5e: {  	_ =	shalt  }
0x5f: {  	_ =	shalt  }
0x60: {  	_ =	shalt  }
0x61: {  	_ =	shalt  }
0x62: {  	_ =	shalt  }
0x63: {  	_ =	shalt  }
0x64: {  	_ =	shalt  }
0x65: {  	_ =	shalt  }
0x66: {  	_ =	shalt  }
0x67: {  	_ =	shalt  }
0x68: {  	_ =	shalt  }
0x69: {  	_ =	shalt  }
0x6a: {  	_ =	shalt  }
0x6b: {  	_ =	shalt  }
0x6c: {  	_ =	shalt  }
0x6d: {  	_ =	shalt  }
0x6e: {  	_ =	shalt  }
0x6f: {  	_ =	shalt  }
0x70: {  	_ =	shalt  }
0x71: {  	_ =	shalt  }
0x72: {  	_ =	shalt  }
0x73: {  	_ =	shalt  }
0x74: {  	_ =	shalt  }
0x75: {  	_ =	shalt  }
0x76: {  	_ =	shalt  }
0x77: {  	_ =	shalt  }
0x78: {  	_ =	shalt  }
0x79: {  	_ =	shalt  }
0x7a: {  	_ =	shalt  }
0x7b: {  	_ =	shalt  }
0x7c: {  	_ =	shalt  }
0x7d: {  	_ =	shalt  }
0x7e: {  	_ =	shalt  }
0x7f: {  	_ =	shalt  }
0x80: {  	_ =	shalt  }
0x81: {  	_ =	shalt  }
0x82: {  	_ =	shalt  }
0x83: {  	_ =	shalt  }
0x84: {  	_ =	shalt  }
0x85: {  	_ =	shalt  }
0x86: {  	_ =	shalt  }
0x87: {  	_ =	shalt  }
.Lfunc_end0:
.L_simem_size_0:
called_computation_lowered:
.L_overlay_start_0:
0x88: {  	s2 =	sld [smem:$0x3FD9]  }
0x89: {  	s3 =	sld [smem:$0x3FFE];
	_ =	sdelay $0x1  }
0x8a: {  	s1 =	srdreg.scid  }
0x8b: {  	s0 =	sand.u32 $0x1, s1  }
0x8c: {  	s14 =	sshll.u32 s0, $0xA;
	s2 =	sadd.s32 s3, s2  }
0x8d: {  	s2 =	sadd.s32 s2, s14  }
0x8e: {  	[smem:$0x3FC6] =	sst s2  }
0x8f: {  	_ = 	snop  }
0x90: {  	s2 =	sld [smem:$0x3FD0];
	_ =	sdelay $0x2  }
0x91: {  	s4 =	simm.s32 $0xA;
	s5 =	simm.s32 $0x10;
	s15 =	sld [smem:$0x3FC8]  }
0x92: {  	[smem:s5], [sflag:s4] =	dma.local [hbm:s2], $0x1  }
0x93: {  	_ =	swait.eq [sflag:s4], $0x1  }
0x94: {  	[sflag:s4] =	ssyncset.done $0x0  }
0x95: {  	[sflag:s4] =	ssyncadd.s32 $0xFFFFFFFF  }
0x96: {  	s16 =	sld [smem:$0x10];
	(tm) =	ssettm $0x1  }
0x97: {  	s17 =	sld [smem:$0x3FFB];
	_ =	sdelay $0x3  }
0x98: {  	_ =	strace s17  }
0x99: {  	s4 =	sld [smem:$0x3FFC];
	_ =	sdelay $0x3  }
0x9a: {  	_ =	strace s4  }
0x9b: {  	s4 =	sld [smem:$0x3FFD];
	_ =	sdelay $0x3  }
0x9c: {  	_ =	strace s4  }
0x9d: {  	_ =	strace $0x8FFFFFFF  }
0x9e: {  	s18 =	sld [smem:$0x3FDB];
	_ =	sdelay $0x1  }
0x9f: {  	s19 =	simm.s32 $_scs_section_size  }
0xa0: {  	s6 =	simm.s32 $_size__tile_overlayer_lowered;
	s7 =	simm.s32 $_tile_overlayer_lowered  }
0xa1: {  	s22 =	simm.s32 $0x1BFF;
	s21 =	sshll.u32 s7, $0x1;
	s4 =	sadd.s32 s19, s18  }
0xa2: {  	s8 =	simm.s32 $0x0;
	s20 =	sshll.u32 s6, $0x1;
	s6 =	sadd.s32 s21, s4  }
0xa3: {  	[timem:s8], [sflag:s22] =	dma.local [hbm:s6], s20  }
0xa4: {  	_ =	swait.ge [sflag:s22], s20  }
0xa5: {  	s5 =	ssub.s32 $0x0, s20;
	[sflag:s22] =	ssyncset.done $0x0  }
0xa6: {  	[sflag:s22] =	ssyncadd.s32 s5;
	_ =	sdelay $0x1  }
0xa7: {  	s23 =	simm.s32 $0x1B8B  }
0xa8: {  	_ =	swait.ge [sflag:s23], $0x1  }
0xa9: {  	[sflag:s23] =	ssyncset.done $0x0  }
0xaa: {  	s25 =	simm.s32 $0x1B8E;
	s24 =	sld [smem:$0x3FFE];
	[sflag:s23] =	ssyncadd.s32 $0xFFFFFFFF  }
0xab: {  	s26 =	simm.s32 $execute0_lowered;
	[smem:$0x3FD2] =	sst s25  }
0xac: {  	s6 =	sshll.u32 s26, $0x1;
	_ =	strace $0x80000046;
	[dreg:$0x1] =	wrdreg $0xFFFFFFFF  }
0xad: {  	s28 =	simm.s32 $_size_execute0_lowered;
	s4 =	sadd.s32 s4, s6;
	[dreg:$0x0] =	wrdreg $0x0  }
0xae: {  	s6 =	sshll.u32 s28, $0x1;
	[dreg:$0x2] =	wrdreg s4  }
0xaf: {  	[dreg:$0x3] =	wrdreg s6  }
0xb0: {  	[dreg:$0x4] =	wrdreg $0xC0  }
0xb1: {  	_ =	task [dreg:s8], $0x5FFFF  }
0xb2: {  	[dreg:$0x1] =	wrdreg $0xFFFFFFFF  }
0xb3: {  	[dreg:$0x0] =	wrdreg $0x60  }
0xb4: {  	[dreg:$0x2] =	wrdreg s24  }
0xb5: {  	[dreg:$0x3] =	wrdreg s15  }
0xb6: {  	[dreg:$0x4] =	wrdreg s16  }
0xb7: {  	[dreg:$0x5] =	wrdreg $0x9  }
0xb8: {  	_ =	task.clear_ibuf [dreg:s8], $0x6FFFF;
	_ =	strace $0x90000046  }
0xb9: {  	s29 =	simm.s32 $0x9;
	_ =	strace $0x80000048  }
0xba: {  	_ =	swait.ge [sflag:s29], $0x1  }
0xbb: {  	[sflag:s29] =	ssyncadd.s32 $0xFFFFFFFF  }
0xbc: {  	_ =	strace $0x90000048  }
0xbd: {  	_ =	sfence  }
0xbe: {  	s30 =	sld [smem:$0x0];
	_ =	sdelay $0x2  }
0xbf: {  	s31 =	sshll.u32 s1, $0xD;
	s1 =	sshrl.u32 s1, $0x2  }
0xc0: {  	s3 =	sand.u32 $0x4000, s31;
	s1 =	sadd.s32 s1, s30  }
0xc1: {  	s0 =	sor.u32 s3, s0;
	s1 =	sshll.u32 s1, $0x11  }
0xc2: {  	s0 =	sor.u32 s1, s0  }
0xc3: {  	s0 =	sadd.s32 $0x8F2B, s0  }
0xc4: {  	[sflag:s0] =	ssyncadd.remote.s32 $0x1  }
0xc5: {  	_ =	sfence.sel $0xFFFF  }
0xc6: {  	[dreg:$0x0] =	wrdreg $0xFFFFFFFF;
	(pc) =	sbr.abs _section_cstart, $3  }
0xc7: {  	[dreg:$0x1] =	wrdreg $0xFFFFFFFF  }
0xc8: {  	_ =	task.clear_ibuf [dreg:s8], $0x2FFFF;
	_ =	strace $0x9FFFFFFF  }
0xc9: {  	(tm) =	ssettm $0x7FFFFFFF  }
tec
execute0_lowered:
.L_overlay_start_1:
0x0: {  	(tag) =	ssettag $0x1  }
0x1: {  	s0 =	srdreg.scid;
	s2 =	stileid.u32  }
0x2: {  	s0 =	sand.u32 $0x1, s0;
	s3 =	sshll.u32 s2, $0x1  }
0x3: {  	s4 =	sor.u32 s0, s3  }
0x4: {  	s1 =	rddreg [dreg:$0x0];
	s6 =	smul.u32 $0x180, s4  }
0x5: {  	s5 =	rddreg [dreg:$0x2];
	s3 =	simm.s32 $0x0;
	s7 =	smul.u32 $0xC8000, s4  }
0x6: {  	[smem:$0x7FF] =	sst s3;
	s4 =	smul.u32 $0x19000, s4  }
0x7: {  	s2 =	rddreg [dreg:$0x1];
	_ =	strace $0x80000047  }
0x8: {  	s1 =	sadd.s32 s6, s1;
	s8 =	sshrl.u32 s7, $0x3;
	s9 =	sadd.s32 s5, s4  }
0x9: {  	s1 =	sadd.s32 $0x400, s1;
	s5 =	sadd.s32 s5, s8;
	[dreg:$0x5] =	wrdreg s9  }
0xa: {  	[dreg:$0x4] =	wrdreg s1;
	s10 =	sadd.s32 $0x1400, s5  }
0xb: {  	s11 =	sadd.s32 $0x2800, s5;
	[dreg:$0x6] =	wrdreg s10  }
0xc: {  	s12 =	sadd.s32 $0x3C00, s5;
	[dreg:$0x7] =	wrdreg s11  }
0xd: {  	s13 =	sadd.s32 $0x5000, s5;
	[dreg:$0x8] =	wrdreg s12  }
0xe: {  	s14 =	sadd.s32 $0x6400, s5;
	[dreg:$0x9] =	wrdreg s13  }
0xf: {  	s15 =	sadd.s32 $0x7800, s5;
	[dreg:$0xa] =	wrdreg s14  }
0x10: {  	s16 =	sadd.s32 $0x8C00, s5;
	[dreg:$0xb] =	wrdreg s15  }
0x11: {  	s17 =	sadd.s32 $0xA000, s5;
	[dreg:$0xc] =	wrdreg s16  }
0x12: {  	s18 =	sadd.s32 $0xB400, s5;
	[dreg:$0xd] =	wrdreg s17  }
0x13: {  	s19 =	sadd.s32 $0xC800, s5;
	[dreg:$0xe] =	wrdreg s18  }
0x14: {  	s20 =	sadd.s32 $0xDC00, s5;
	[dreg:$0xf] =	wrdreg s19  }
0x15: {  	s21 =	sadd.s32 $0xF000, s5;
	[dreg:$0x10] =	wrdreg s20  }
0x16: {  	s22 =	sadd.s32 $0x10400, s5;
	[dreg:$0x11] =	wrdreg s21  }
0x17: {  	s23 =	sadd.s32 $0x11800, s5;
	[dreg:$0x12] =	wrdreg s22  }
0x18: {  	s29 =	simm.s32 $0x3;
	s24 =	sadd.s32 $0x12C00, s5;
	[dreg:$0x13] =	wrdreg s23  }
0x19: {  	s0 =	ssub.s32 $0x2, s0;
	s25 =	sadd.s32 $0x14000, s5;
	[dreg:$0x14] =	wrdreg s24  }
0x1a: {  	s26 =	sshrl.u32 s0, $0x1;
	s28 =	sadd.s32 $0x15400, s5;
	[dreg:$0x15] =	wrdreg s25  }
0x1b: {  	s0 =	ssub.s32 s0, s26;
	s30 =	sadd.s32 $0x16800, s5;
	[dreg:$0x16] =	wrdreg s28  }
0x1c: {  	v2 =	vlaneseq.u32;
	s4 =	sadd.s32 $0x100, s2;
	s31 =	sadd.s32 $0x17C00, s5;
	[dreg:$0x17] =	wrdreg s30  }
0x1d: {  	vm0 =	vmmov $0xffff;
	v1 =	vshrl.u32 v2, $0x3;
	s0 =	smax.u32 s0, $0x1;
	[dreg:$0x18] =	wrdreg s31;
	s22 =	simm.s32 $0x1  }
0x1e: {  	v0 =	vand.u32 $0x7, v2;
	v2 =	vor.u32 $0x8, v2;
	v1 =	vmul.u32 $0x8, v1;
	s23 =	simm.s32 $0x4;
	s24 =	simm.s32 $0x2;
	s25 =	simm.s32 $0x5  }
.LBB2_1:
0x1f: {  	[dreg:$0x19] =	wrdreg s0  }
0x20: {  	s30 =	rddreg [dreg:$0x4];
	s10 =	simm.s32 $0x7  }
0x21: {  	[tilespmem:s3], [sflag:$0x7] =	stream.linear.gather [hbm4b:s30+s3], $0xA00, $0x38;
	[tilespmem:$0x1EC00] =	vst v63  }
0x22: {  	_ =	swait.ge [sflag:s10], $0xA00  }
0x23: {  	[sflag:s10] =	ssyncset.done $0x0  }
0x24: {  	[sflag:s10] =	ssyncadd.s32 $0xFFFFF600  }
0x25: {  	v3 =	vld [tilespmem:$0x0];
	_ =	sdelay $0x4  }
0x26: {  	v4 =	vshll.u32 v3, $0x2  }
0x27: {  	v3 =	vand.u32 $0x7, v3;
	v4 =	vand.u32 $0xFFFFFFE0, v4  }
0x28: {  	v3 =	vor.u32 v3, v4  }
0x29: {  	v4 =	vperm.xlane v3, v0;
	_ =	sdelay $0x1  }
0x2a: {  	v4 =	vadd.s32 v1, v4;
	_ =	sdelay $0x1  }
0x2b: {  	v3 =	vperm.xlane v3, v2;
	_ =	sdelay $0x1  }
0x2c: {  	s11 =	simm.s32 $0xC00;
	v3 =	vadd.s32 v1, v3  }
0x2d: {  	[tilespmem:s11], [sflag:$0x1] =	stream.indirect_vreg.gather [hbm4b:s2+s3], $0x80, v4, vm0, $0xb8;
	[tilespmem:$0x1EC00] =	vst v63  }
0x2e: {  	s12 =	simm.s32 $0x1400  }
0x2f: {  	[tilespmem:s12], [sflag:$0x1] =	stream.indirect_vreg.gather [hbm4b:s4+s3], $0x80, v4, vm0, $0xb8;
	[tilespmem:$0x1EC00] =	vst v63  }
0x30: {  	s13 =	simm.s32 $0x1C00  }
0x31: {  	[tilespmem:s13], [sflag:$0x1] =	stream.indirect_vreg.gather [hbm4b:s2+s3], $0x80, v3, vm0, $0xb8;
	[tilespmem:$0x1EC00] =	vst v63  }
0x32: {  	s14 =	simm.s32 $0x2400  }
0x33: {  	[tilespmem:s14], [sflag:$0x1] =	stream.indirect_vreg.gather [hbm4b:s4+s3], $0x80, v3, vm0, $0xb8;
	[tilespmem:$0x1EC00] =	vst v63  }
0x34: {  	v3 =	vld [tilespmem:$0x10];
	_ =	sdelay $0x4  }
0x35: {  	v21 =	vshll.u32 v3, $0x2  }
0x36: {  	v3 =	vand.u32 $0x7, v3;
	v4 =	vand.u32 $0xFFFFFFE0, v21  }
0x37: {  	v3 =	vor.u32 v3, v4  }
0x38: {  	v4 =	vperm.xlane v3, v0;
	_ =	sdelay $0x1  }
0x39: {  	v4 =	vadd.s32 v1, v4;
	_ =	sdelay $0x1  }
0x3a: {  	v3 =	vperm.xlane v3, v2;
	_ =	sdelay $0x1  }
0x3b: {  	s15 =	simm.s32 $0x2C00;
	v3 =	vadd.s32 v1, v3  }
0x3c: {  	[tilespmem:s15], [sflag:$0x1] =	stream.indirect_vreg.gather [hbm4b:s2+s3], $0x80, v4, vm0, $0xb8;
	[tilespmem:$0x1EC00] =	vst v63  }
0x3d: {  	s16 =	simm.s32 $0x3400  }
0x3e: {  	[tilespmem:s16], [sflag:$0x1] =	stream.indirect_vreg.gather [hbm4b:s4+s3], $0x80, v4, vm0, $0xb8;
	[tilespmem:$0x1EC00] =	vst v63  }
0x3f: {  	s17 =	simm.s32 $0x3C00  }
0x40: {  	[tilespmem:s17], [sflag:$0x1] =	stream.indirect_vreg.gather [hbm4b:s2+s3], $0x80, v3, vm0, $0xb8;
	[tilespmem:$0x1EC00] =	vst v63  }
0x41: {  	s18 =	simm.s32 $0x4400  }
0x42: {  	[tilespmem:s18], [sflag:$0x1] =	stream.indirect_vreg.gather [hbm4b:s4+s3], $0x80, v3, vm0, $0xb8;
	[tilespmem:$0x1EC00] =	vst v63  }
0x43: {  	v3 =	vld [tilespmem:$0x20];
	_ =	sdelay $0x4  }
0x44: {  	v22 =	vshll.u32 v3, $0x2  }
0x45: {  	v3 =	vand.u32 $0x7, v3;
	v4 =	vand.u32 $0xFFFFFFE0, v22  }
0x46: {  	v3 =	vor.u32 v3, v4  }
0x47: {  	v4 =	vperm.xlane v3, v0;
	_ =	sdelay $0x1  }
0x48: {  	v4 =	vadd.s32 v1, v4;
	_ =	sdelay $0x1  }
0x49: {  	v3 =	vperm.xlane v3, v2;
	_ =	sdelay $0x1  }
0x4a: {  	s19 =	simm.s32 $0x4C00;
	v3 =	vadd.s32 v1, v3  }
0x4b: {  	[tilespmem:s19], [sflag:$0x1] =	stream.indirect_vreg.gather [hbm4b:s2+s3], $0x80, v4, vm0, $0xb8;
	[tilespmem:$0x1EC00] =	vst v63  }
0x4c: {  	s20 =	simm.s32 $0x5400  }
0x4d: {  	[tilespmem:s20], [sflag:$0x1] =	stream.indirect_vreg.gather [hbm4b:s4+s3], $0x80, v4, vm0, $0xb8;
	[tilespmem:$0x1EC00] =	vst v63  }
0x4e: {  	s21 =	simm.s32 $0x5C00  }
0x4f: {  	[tilespmem:s21], [sflag:$0x1] =	stream.indirect_vreg.gather [hbm4b:s2+s3], $0x80, v3, vm0, $0xb8;
	[tilespmem:$0x1EC00] =	vst v63  }
0x50: {  	s26 =	simm.s32 $0x6400  }
0x51: {  	[tilespmem:s26], [sflag:$0x1] =	stream.indirect_vreg.gather [hbm4b:s4+s3], $0x80, v3, vm0, $0xb8;
	[tilespmem:$0x1EC00] =	vst v63  }
0x52: {  	v3 =	vld [tilespmem:$0x30];
	_ =	sdelay $0x4  }
0x53: {  	v23 =	vshll.u32 v3, $0x2  }
0x54: {  	v3 =	vand.u32 $0x7, v3;
	v4 =	vand.u32 $0xFFFFFFE0, v23  }
0x55: {  	v3 =	vor.u32 v3, v4  }
0x56: {  	v4 =	vperm.xlane v3, v0;
	_ =	sdelay $0x1  }
0x57: {  	v4 =	vadd.s32 v1, v4;
	_ =	sdelay $0x1  }
0x58: {  	v3 =	vperm.xlane v3, v2;
	_ =	sdelay $0x1  }
0x59: {  	s28 =	simm.s32 $0x6C00;
	v3 =	vadd.s32 v1, v3  }
0x5a: {  	[tilespmem:s28], [sflag:$0x1] =	stream.indirect_vreg.gather [hbm4b:s2+s3], $0x80, v4, vm0, $0xb8;
	[tilespmem:$0x1EC00] =	vst v63  }
0x5b: {  	s30 =	simm.s32 $0x7400  }
0x5c: {  	[tilespmem:s30], [sflag:$0x1] =	stream.indirect_vreg.gather [hbm4b:s4+s3], $0x80, v4, vm0, $0xb8;
	[tilespmem:$0x1EC00] =	vst v63  }
0x5d: {  	s5 =	simm.s32 $0x7C00  }
0x5e: {  	[tilespmem:s5], [sflag:$0x1] =	stream.indirect_vreg.gather [hbm4b:s2+s3], $0x80, v3, vm0, $0xb8;
	[tilespmem:$0x1EC00] =	vst v63  }
0x5f: {  	s6 =	simm.s32 $0x8400  }
0x60: {  	[tilespmem:s6], [sflag:$0x1] =	stream.indirect_vreg.gather [hbm4b:s4+s3], $0x80, v3, vm0, $0xb8;
	[tilespmem:$0x1EC00] =	vst v63  }
0x61: {  	v3 =	vld [tilespmem:$0x40];
	_ =	sdelay $0x4  }
0x62: {  	v24 =	vshll.u32 v3, $0x2  }
0x63: {  	v3 =	vand.u32 $0x7, v3;
	v4 =	vand.u32 $0xFFFFFFE0, v24  }
0x64: {  	v3 =	vor.u32 v3, v4  }
0x65: {  	v4 =	vperm.xlane v3, v0;
	_ =	sdelay $0x1  }
0x66: {  	v4 =	vadd.s32 v1, v4;
	_ =	sdelay $0x1  }
0x67: {  	v3 =	vperm.xlane v3, v2;
	_ =	sdelay $0x1  }
0x68: {  	s7 =	simm.s32 $0x8C00;
	v3 =	vadd.s32 v1, v3  }
0x69: {  	[tilespmem:s7], [sflag:$0x1] =	stream.indirect_vreg.gather [hbm4b:s2+s3], $0x80, v4, vm0, $0xb8;
	[tilespmem:$0x1EC00] =	vst v63  }
0x6a: {  	s9 =	simm.s32 $0x9400  }
0x6b: {  	[tilespmem:s9], [sflag:$0x1] =	stream.indirect_vreg.gather [hbm4b:s4+s3], $0x80, v4, vm0, $0xb8;
	[tilespmem:$0x1EC00] =	vst v63  }
0x6c: {  	s12 =	simm.s32 $0x9C00  }
0x6d: {  	[tilespmem:s12], [sflag:$0x1] =	stream.indirect_vreg.gather [hbm4b:s2+s3], $0x80, v3, vm0, $0xb8;
	[tilespmem:$0x1EC00] =	vst v63  }
0x6e: {  	s15 =	simm.s32 $0xA400  }
0x6f: {  	[tilespmem:s15], [sflag:$0x1] =	stream.indirect_vreg.gather [hbm4b:s4+s3], $0x80, v3, vm0, $0xb8;
	[tilespmem:$0x1EC00] =	vst v63  }
0x70: {  	v3 =	vld [tilespmem:$0x80];
	_ =	sdelay $0x4  }
0x71: {  	v25 =	vshll.u32 v3, $0x2  }
0x72: {  	v3 =	vand.u32 $0x7, v3;
	v4 =	vand.u32 $0xFFFFFFE0, v25  }
0x73: {  	v3 =	vor.u32 v3, v4  }
0x74: {  	v4 =	vperm.xlane v3, v0;
	_ =	sdelay $0x1  }
0x75: {  	v4 =	vadd.s32 v1, v4;
	_ =	sdelay $0x1  }
0x76: {  	v3 =	vperm.xlane v3, v2;
	_ =	sdelay $0x1  }
0x77: {  	s19 =	simm.s32 $0xAC00;
	v3 =	vadd.s32 v1, v3  }
0x78: {  	[tilespmem:s19], [sflag:$0x2] =	stream.indirect_vreg.gather [hbm4b:s2+s3], $0x80, v4, vm0, $0xb8;
	[tilespmem:$0x1EC00] =	vst v63  }
0x79: {  	s26 =	simm.s32 $0xB400  }
0x7a: {  	[tilespmem:s26], [sflag:$0x2] =	stream.indirect_vreg.gather [hbm4b:s4+s3], $0x80, v4, vm0, $0xb8;
	[tilespmem:$0x1EC00] =	vst v63  }
0x7b: {  	s28 =	simm.s32 $0xBC00  }
0x7c: {  	[tilespmem:s28], [sflag:$0x2] =	stream.indirect_vreg.gather [hbm4b:s2+s3], $0x80, v3, vm0, $0xb8;
	[tilespmem:$0x1EC00] =	vst v63  }
0x7d: {  	s30 =	simm.s32 $0xC400  }
0x7e: {  	[tilespmem:s30], [sflag:$0x2] =	stream.indirect_vreg.gather [hbm4b:s4+s3], $0x80, v3, vm0, $0xb8;
	[tilespmem:$0x1EC00] =	vst v63  }
0x7f: {  	v3 =	vld [tilespmem:$0x90];
	_ =	sdelay $0x4  }
0x80: {  	v26 =	vshll.u32 v3, $0x2  }
0x81: {  	v3 =	vand.u32 $0x7, v3;
	v4 =	vand.u32 $0xFFFFFFE0, v26  }
0x82: {  	v3 =	vor.u32 v3, v4  }
0x83: {  	v4 =	vperm.xlane v3, v0;
	_ =	sdelay $0x1  }
0x84: {  	v4 =	vadd.s32 v1, v4;
	_ =	sdelay $0x1  }
0x85: {  	v3 =	vperm.xlane v3, v2;
	_ =	sdelay $0x1  }
0x86: {  	s5 =	simm.s32 $0xCC00;
	v3 =	vadd.s32 v1, v3  }
0x87: {  	[tilespmem:s5], [sflag:$0x2] =	stream.indirect_vreg.gather [hbm4b:s2+s3], $0x80, v4, vm0, $0xb8;
	[tilespmem:$0x1EC00] =	vst v63  }
0x88: {  	s7 =	simm.s32 $0xD400  }
0x89: {  	[tilespmem:s7], [sflag:$0x2] =	stream.indirect_vreg.gather [hbm4b:s4+s3], $0x80, v4, vm0, $0xb8;
	[tilespmem:$0x1EC00] =	vst v63  }
0x8a: {  	s9 =	simm.s32 $0xDC00  }
0x8b: {  	[tilespmem:s9], [sflag:$0x2] =	stream.indirect_vreg.gather [hbm4b:s2+s3], $0x80, v3, vm0, $0xb8;
	[tilespmem:$0x1EC00] =	vst v63  }
0x8c: {  	s12 =	simm.s32 $0xE400  }
0x8d: {  	[tilespmem:s12], [sflag:$0x2] =	stream.indirect_vreg.gather [hbm4b:s4+s3], $0x80, v3, vm0, $0xb8;
	[tilespmem:$0x1EC00] =	vst v63  }
0x8e: {  	v3 =	vld [tilespmem:$0xA0];
	_ =	sdelay $0x4  }
0x8f: {  	v27 =	vshll.u32 v3, $0x2  }
0x90: {  	v3 =	vand.u32 $0x7, v3;
	v4 =	vand.u32 $0xFFFFFFE0, v27  }
0x91: {  	v3 =	vor.u32 v3, v4  }
0x92: {  	v4 =	vperm.xlane v3, v0;
	_ =	sdelay $0x1  }
0x93: {  	v4 =	vadd.s32 v1, v4;
	_ =	sdelay $0x1  }
0x94: {  	v3 =	vperm.xlane v3, v2;
	_ =	sdelay $0x1  }
0x95: {  	s15 =	simm.s32 $0xEC00;
	v3 =	vadd.s32 v1, v3  }
0x96: {  	[tilespmem:s15], [sflag:$0x2] =	stream.indirect_vreg.gather [hbm4b:s2+s3], $0x80, v4, vm0, $0xb8;
	[tilespmem:$0x1EC00] =	vst v63  }
0x97: {  	s19 =	simm.s32 $0xF400  }
0x98: {  	[tilespmem:s19], [sflag:$0x2] =	stream.indirect_vreg.gather [hbm4b:s4+s3], $0x80, v4, vm0, $0xb8;
	[tilespmem:$0x1EC00] =	vst v63  }
0x99: {  	s26 =	simm.s32 $0xFC00  }
0x9a: {  	[tilespmem:s26], [sflag:$0x2] =	stream.indirect_vreg.gather [hbm4b:s2+s3], $0x80, v3, vm0, $0xb8;
	[tilespmem:$0x1EC00] =	vst v63  }
0x9b: {  	s28 =	simm.s32 $0x10400  }
0x9c: {  	[tilespmem:s28], [sflag:$0x2] =	stream.indirect_vreg.gather [hbm4b:s4+s3], $0x80, v3, vm0, $0xb8;
	[tilespmem:$0x1EC00] =	vst v63  }
0x9d: {  	v3 =	vld [tilespmem:$0xB0];
	_ =	sdelay $0x4  }
0x9e: {  	v28 =	vshll.u32 v3, $0x2  }
0x9f: {  	v3 =	vand.u32 $0x7, v3;
	v4 =	vand.u32 $0xFFFFFFE0, v28  }
0xa0: {  	v3 =	vor.u32 v3, v4  }
0xa1: {  	v4 =	vperm.xlane v3, v0;
	_ =	sdelay $0x1  }
0xa2: {  	v4 =	vadd.s32 v1, v4;
	_ =	sdelay $0x1  }
0xa3: {  	v3 =	vperm.xlane v3, v2;
	_ =	sdelay $0x1  }
0xa4: {  	s30 =	simm.s32 $0x10C00;
	v3 =	vadd.s32 v1, v3  }
0xa5: {  	[tilespmem:s30], [sflag:$0x2] =	stream.indirect_vreg.gather [hbm4b:s2+s3], $0x80, v4, vm0, $0xb8;
	[tilespmem:$0x1EC00] =	vst v63  }
0xa6: {  	s5 =	simm.s32 $0x11400  }
0xa7: {  	[tilespmem:s5], [sflag:$0x2] =	stream.indirect_vreg.gather [hbm4b:s4+s3], $0x80, v4, vm0, $0xb8;
	[tilespmem:$0x1EC00] =	vst v63  }
0xa8: {  	s7 =	simm.s32 $0x11C00  }
0xa9: {  	[tilespmem:s7], [sflag:$0x2] =	stream.indirect_vreg.gather [hbm4b:s2+s3], $0x80, v3, vm0, $0xb8;
	[tilespmem:$0x1EC00] =	vst v63  }
0xaa: {  	s15 =	simm.s32 $0x12400  }
0xab: {  	[tilespmem:s15], [sflag:$0x2] =	stream.indirect_vreg.gather [hbm4b:s4+s3], $0x80, v3, vm0, $0xb8;
	[tilespmem:$0x1EC00] =	vst v63  }
0xac: {  	v3 =	vld [tilespmem:$0xC0];
	_ =	sdelay $0x4  }
0xad: {  	v29 =	vshll.u32 v3, $0x2  }
0xae: {  	v3 =	vand.u32 $0x7, v3;
	v4 =	vand.u32 $0xFFFFFFE0, v29  }
0xaf: {  	v3 =	vor.u32 v3, v4  }
0xb0: {  	v4 =	vperm.xlane v3, v0;
	_ =	sdelay $0x1  }
0xb1: {  	v4 =	vadd.s32 v1, v4;
	_ =	sdelay $0x1  }
0xb2: {  	v3 =	vperm.xlane v3, v2;
	_ =	sdelay $0x1  }
0xb3: {  	s19 =	simm.s32 $0x12C00;
	v3 =	vadd.s32 v1, v3  }
0xb4: {  	[tilespmem:s19], [sflag:$0x2] =	stream.indirect_vreg.gather [hbm4b:s2+s3], $0x80, v4, vm0, $0xb8;
	[tilespmem:$0x1EC00] =	vst v63  }
0xb5: {  	s26 =	simm.s32 $0x13400  }
0xb6: {  	[tilespmem:s26], [sflag:$0x2] =	stream.indirect_vreg.gather [hbm4b:s4+s3], $0x80, v4, vm0, $0xb8;
	[tilespmem:$0x1EC00] =	vst v63  }
0xb7: {  	s28 =	simm.s32 $0x13C00  }
0xb8: {  	[tilespmem:s28], [sflag:$0x2] =	stream.indirect_vreg.gather [hbm4b:s2+s3], $0x80, v3, vm0, $0xb8;
	[tilespmem:$0x1EC00] =	vst v63  }
0xb9: {  	s30 =	simm.s32 $0x14400  }
0xba: {  	[tilespmem:s30], [sflag:$0x2] =	stream.indirect_vreg.gather [hbm4b:s4+s3], $0x80, v3, vm0, $0xb8;
	[tilespmem:$0x1EC00] =	vst v63  }
0xbb: {  	v3 =	vld [tilespmem:$0x100];
	_ =	sdelay $0x4  }
0xbc: {  	v30 =	vshll.u32 v3, $0x2  }
0xbd: {  	v3 =	vand.u32 $0x7, v3;
	v4 =	vand.u32 $0xFFFFFFE0, v30  }
0xbe: {  	v3 =	vor.u32 v3, v4  }
0xbf: {  	v4 =	vperm.xlane v3, v0;
	_ =	sdelay $0x1  }
0xc0: {  	v4 =	vadd.s32 v1, v4;
	_ =	sdelay $0x1  }
0xc1: {  	v3 =	vperm.xlane v3, v2;
	_ =	sdelay $0x1  }
0xc2: {  	s5 =	simm.s32 $0x14C00;
	v3 =	vadd.s32 v1, v3  }
0xc3: {  	[tilespmem:s5], [sflag:$0x3] =	stream.indirect_vreg.gather [hbm4b:s2+s3], $0x80, v4, vm0, $0xb8;
	[tilespmem:$0x1EC00] =	vst v63  }
0xc4: {  	s19 =	simm.s32 $0x15400  }
0xc5: {  	[tilespmem:s19], [sflag:$0x3] =	stream.indirect_vreg.gather [hbm4b:s4+s3], $0x80, v4, vm0, $0xb8;
	[tilespmem:$0x1EC00] =	vst v63  }
0xc6: {  	s26 =	simm.s32 $0x15C00  }
0xc7: {  	[tilespmem:s26], [sflag:$0x3] =	stream.indirect_vreg.gather [hbm4b:s2+s3], $0x80, v3, vm0, $0xb8;
	[tilespmem:$0x1EC00] =	vst v63  }
0xc8: {  	s28 =	simm.s32 $0x16400  }
0xc9: {  	[tilespmem:s28], [sflag:$0x3] =	stream.indirect_vreg.gather [hbm4b:s4+s3], $0x80, v3, vm0, $0xb8;
	[tilespmem:$0x1EC00] =	vst v63  }
0xca: {  	v3 =	vld [tilespmem:$0x110];
	_ =	sdelay $0x4  }
0xcb: {  	v31 =	vshll.u32 v3, $0x2  }
0xcc: {  	v3 =	vand.u32 $0x7, v3;
	v4 =	vand.u32 $0xFFFFFFE0, v31  }
0xcd: {  	v3 =	vor.u32 v3, v4  }
0xce: {  	v4 =	vperm.xlane v3, v0;
	_ =	sdelay $0x1  }
0xcf: {  	v4 =	vadd.s32 v1, v4;
	_ =	sdelay $0x1  }
0xd0: {  	v3 =	vperm.xlane v3, v2;
	_ =	sdelay $0x1  }
0xd1: {  	s30 =	simm.s32 $0x16C00;
	v3 =	vadd.s32 v1, v3  }
0xd2: {  	[tilespmem:s30], [sflag:$0x3] =	stream.indirect_vreg.gather [hbm4b:s2+s3], $0x80, v4, vm0, $0xb8;
	[tilespmem:$0x1EC00] =	vst v63  }
0xd3: {  	s5 =	simm.s32 $0x17400  }
0xd4: {  	[tilespmem:s5], [sflag:$0x3] =	stream.indirect_vreg.gather [hbm4b:s4+s3], $0x80, v4, vm0, $0xb8;
	[tilespmem:$0x1EC00] =	vst v63  }
0xd5: {  	s19 =	simm.s32 $0x17C00  }
0xd6: {  	[tilespmem:s19], [sflag:$0x3] =	stream.indirect_vreg.gather [hbm4b:s2+s3], $0x80, v3, vm0, $0xb8;
	[tilespmem:$0x1EC00] =	vst v63  }
0xd7: {  	s26 =	simm.s32 $0x18400  }
0xd8: {  	[tilespmem:s26], [sflag:$0x3] =	stream.indirect_vreg.gather [hbm4b:s4+s3], $0x80, v3, vm0, $0xb8;
	[tilespmem:$0x1EC00] =	vst v63  }
0xd9: {  	v3 =	vld [tilespmem:$0x120];
	_ =	sdelay $0x4  }
0xda: {  	v32 =	vshll.u32 v3, $0x2  }
0xdb: {  	v3 =	vand.u32 $0x7, v3;
	v4 =	vand.u32 $0xFFFFFFE0, v32  }
0xdc: {  	v3 =	vor.u32 v3, v4  }
0xdd: {  	v4 =	vperm.xlane v3, v0;
	_ =	sdelay $0x1  }
0xde: {  	v4 =	vadd.s32 v1, v4;
	_ =	sdelay $0x1  }
0xdf: {  	v3 =	vperm.xlane v3, v2;
	_ =	sdelay $0x1  }
0xe0: {  	s28 =	simm.s32 $0x18C00;
	v3 =	vadd.s32 v1, v3  }
0xe1: {  	[tilespmem:s28], [sflag:$0x3] =	stream.indirect_vreg.gather [hbm4b:s2+s3], $0x80, v4, vm0, $0xb8;
	[tilespmem:$0x1EC00] =	vst v63  }
0xe2: {  	s30 =	simm.s32 $0x19400  }
0xe3: {  	[tilespmem:s30], [sflag:$0x3] =	stream.indirect_vreg.gather [hbm4b:s4+s3], $0x80, v4, vm0, $0xb8;
	[tilespmem:$0x1EC00] =	vst v63  }
0xe4: {  	s5 =	simm.s32 $0x19C00  }
0xe5: {  	[tilespmem:s5], [sflag:$0x3] =	stream.indirect_vreg.gather [hbm4b:s2+s3], $0x80, v3, vm0, $0xb8;
	[tilespmem:$0x1EC00] =	vst v63  }
0xe6: {  	s19 =	simm.s32 $0x1A400  }
0xe7: {  	[tilespmem:s19], [sflag:$0x3] =	stream.indirect_vreg.gather [hbm4b:s4+s3], $0x80, v3, vm0, $0xb8;
	[tilespmem:$0x1EC00] =	vst v63  }
0xe8: {  	v3 =	vld [tilespmem:$0x130];
	_ =	sdelay $0x4  }
0xe9: {  	v33 =	vshll.u32 v3, $0x2  }
0xea: {  	v3 =	vand.u32 $0x7, v3;
	v4 =	vand.u32 $0xFFFFFFE0, v33  }
0xeb: {  	v3 =	vor.u32 v3, v4  }
0xec: {  	v4 =	vperm.xlane v3, v0;
	_ =	sdelay $0x1  }
0xed: {  	v4 =	vadd.s32 v1, v4;
	_ =	sdelay $0x1  }
0xee: {  	v3 =	vperm.xlane v3, v2;
	_ =	sdelay $0x1  }
0xef: {  	s26 =	simm.s32 $0x1AC00;
	v3 =	vadd.s32 v1, v3  }
0xf0: {  	[tilespmem:s26], [sflag:$0x3] =	stream.indirect_vreg.gather [hbm4b:s2+s3], $0x80, v4, vm0, $0xb8;
	[tilespmem:$0x1EC00] =	vst v63  }
0xf1: {  	s28 =	simm.s32 $0x1B400  }
0xf2: {  	[tilespmem:s28], [sflag:$0x3] =	stream.indirect_vreg.gather [hbm4b:s4+s3], $0x80, v4, vm0, $0xb8;
	[tilespmem:$0x1EC00] =	vst v63  }
0xf3: {  	s30 =	simm.s32 $0x1BC00  }
0xf4: {  	[tilespmem:s30], [sflag:$0x3] =	stream.indirect_vreg.gather [hbm4b:s2+s3], $0x80, v3, vm0, $0xb8;
	[tilespmem:$0x1EC00] =	vst v63  }
0xf5: {  	s5 =	simm.s32 $0x1C400  }
0xf6: {  	[tilespmem:s5], [sflag:$0x3] =	stream.indirect_vreg.gather [hbm4b:s4+s3], $0x80, v3, vm0, $0xb8;
	[tilespmem:$0x1EC00] =	vst v63  }
0xf7: {  	v3 =	vld [tilespmem:$0x140];
	_ =	sdelay $0x4  }
0xf8: {  	v34 =	vshll.u32 v3, $0x2  }
0xf9: {  	v3 =	vand.u32 $0x7, v3;
	v4 =	vand.u32 $0xFFFFFFE0, v34  }
0xfa: {  	v3 =	vor.u32 v3, v4  }
0xfb: {  	v4 =	vperm.xlane v3, v0;
	_ =	sdelay $0x1  }
0xfc: {  	v4 =	vadd.s32 v1, v4;
	_ =	sdelay $0x1  }
0xfd: {  	v3 =	vperm.xlane v3, v2;
	_ =	sdelay $0x1  }
0xfe: {  	s19 =	simm.s32 $0x1CC00;
	v3 =	vadd.s32 v1, v3  }
0xff: {  	[tilespmem:s19], [sflag:$0x3] =	stream.indirect_vreg.gather [hbm4b:s2+s3], $0x80, v4, vm0, $0xb8;
	[tilespmem:$0x1EC00] =	vst v63  }
0x100: {  	s26 =	simm.s32 $0x1D400  }
0x101: {  	[tilespmem:s26], [sflag:$0x3] =	stream.indirect_vreg.gather [hbm4b:s4+s3], $0x80, v4, vm0, $0xb8;
	[tilespmem:$0x1EC00] =	vst v63  }
0x102: {  	s28 =	simm.s32 $0x1DC00  }
0x103: {  	[tilespmem:s28], [sflag:$0x3] =	stream.indirect_vreg.gather [hbm4b:s2+s3], $0x80, v3, vm0, $0xb8;
	[tilespmem:$0x1EC00] =	vst v63  }
0x104: {  	s30 =	simm.s32 $0x1E400  }
0x105: {  	[tilespmem:s30], [sflag:$0x3] =	stream.indirect_vreg.gather [hbm4b:s4+s3], $0x80, v3, vm0, $0xb8;
	[tilespmem:$0x1EC00] =	vst v63  }
0x106: {  	_ =	swait.ge [sflag:s22], $0xA000  }
0x107: {  	[sflag:s22] =	ssyncset.done $0x0  }
0x108: {  	s5 =	simm.s32 $0xC00;
	s0 =	rddreg [dreg:$0x5];
	[sflag:s22] =	ssyncadd.s32 $0xFFFF6000  }
0x109: {  	[hbm4b:s0+s3] =	stream.linear.scatter [tilespmem:s5], [sflag:$0x4], $0xA000, $0x38;
	[tilespmem:$0x1EC00] =	vst v63  }
0x10a: {  	_ =	swait.ge [sflag:s23], $0xA000  }
0x10b: {  	[sflag:s23] =	ssyncset.done $0x0  }
0x10c: {  	[sflag:s23] =	ssyncadd.s32 $0xFFFF6000  }
0x10d: {  	v3 =	vld [tilespmem:$0x180];
	_ =	sdelay $0x4  }
0x10e: {  	v35 =	vshll.u32 v3, $0x2  }
0x10f: {  	v3 =	vand.u32 $0x7, v3;
	v4 =	vand.u32 $0xFFFFFFE0, v35  }
0x110: {  	v3 =	vor.u32 v3, v4  }
0x111: {  	v4 =	vperm.xlane v3, v0;
	_ =	sdelay $0x1  }
0x112: {  	v4 =	vadd.s32 v1, v4;
	_ =	sdelay $0x1  }
0x113: {  	v3 =	vperm.xlane v3, v2;
	_ =	sdelay $0x1  }
0x114: {  	v3 =	vadd.s32 v1, v3  }
0x115: {  	[tilespmem:s5], [sflag:$0x1] =	stream.indirect_vreg.gather [hbm4b:s2+s3], $0x80, v4, vm0, $0xb8;
	[tilespmem:$0x1EC00] =	vst v63  }
0x116: {  	s1 =	simm.s32 $0x1400  }
0x117: {  	[tilespmem:s1], [sflag:$0x1] =	stream.indirect_vreg.gather [hbm4b:s4+s3], $0x80, v4, vm0, $0xb8;
	[tilespmem:$0x1EC00] =	vst v63  }
0x118: {  	s8 =	simm.s32 $0x1C00  }
0x119: {  	[tilespmem:s8], [sflag:$0x1] =	stream.indirect_vreg.gather [hbm4b:s2+s3], $0x80, v3, vm0, $0xb8;
	[tilespmem:$0x1EC00] =	vst v63  }
0x11a: {  	s31 =	simm.s32 $0x2400  }
0x11b: {  	[tilespmem:s31], [sflag:$0x1] =	stream.indirect_vreg.gather [hbm4b:s4+s3], $0x80, v3, vm0, $0xb8;
	[tilespmem:$0x1EC00] =	vst v63  }
0x11c: {  	v3 =	vld [tilespmem:$0x190];
	_ =	sdelay $0x4  }
0x11d: {  	v36 =	vshll.u32 v3, $0x2  }
0x11e: {  	v3 =	vand.u32 $0x7, v3;
	v4 =	vand.u32 $0xFFFFFFE0, v36  }
0x11f: {  	v3 =	vor.u32 v3, v4  }
0x120: {  	v4 =	vperm.xlane v3, v0;
	_ =	sdelay $0x1  }
0x121: {  	v4 =	vadd.s32 v1, v4;
	_ =	sdelay $0x1  }
0x122: {  	v3 =	vperm.xlane v3, v2;
	_ =	sdelay $0x1  }
0x123: {  	s10 =	simm.s32 $0x2C00;
	v3 =	vadd.s32 v1, v3  }
0x124: {  	[tilespmem:s10], [sflag:$0x1] =	stream.indirect_vreg.gather [hbm4b:s2+s3], $0x80, v4, vm0, $0xb8;
	[tilespmem:$0x1EC00] =	vst v63  }
0x125: {  	s11 =	simm.s32 $0x3400  }
0x126: {  	[tilespmem:s11], [sflag:$0x1] =	stream.indirect_vreg.gather [hbm4b:s4+s3], $0x80, v4, vm0, $0xb8;
	[tilespmem:$0x1EC00] =	vst v63  }
0x127: {  	s13 =	simm.s32 $0x3C00  }
0x128: {  	[tilespmem:s13], [sflag:$0x1] =	stream.indirect_vreg.gather [hbm4b:s2+s3], $0x80, v3, vm0, $0xb8;
	[tilespmem:$0x1EC00] =	vst v63  }
0x129: {  	s19 =	simm.s32 $0x4400  }
0x12a: {  	[tilespmem:s19], [sflag:$0x1] =	stream.indirect_vreg.gather [hbm4b:s4+s3], $0x80, v3, vm0, $0xb8;
	[tilespmem:$0x1EC00] =	vst v63  }
0x12b: {  	v3 =	vld [tilespmem:$0x1A0];
	_ =	sdelay $0x4  }
0x12c: {  	v37 =	vshll.u32 v3, $0x2  }
0x12d: {  	v3 =	vand.u32 $0x7, v3;
	v4 =	vand.u32 $0xFFFFFFE0, v37  }
0x12e: {  	v3 =	vor.u32 v3, v4  }
0x12f: {  	v4 =	vperm.xlane v3, v0;
	_ =	sdelay $0x1  }
0x130: {  	v4 =	vadd.s32 v1, v4;
	_ =	sdelay $0x1  }
0x131: {  	v3 =	vperm.xlane v3, v2;
	_ =	sdelay $0x1  }
0x132: {  	s14 =	simm.s32 $0x4C00;
	v3 =	vadd.s32 v1, v3  }
0x133: {  	[tilespmem:s14], [sflag:$0x1] =	stream.indirect_vreg.gather [hbm4b:s2+s3], $0x80, v4, vm0, $0xb8;
	[tilespmem:$0x1EC00] =	vst v63  }
0x134: {  	s16 =	simm.s32 $0x5400  }
0x135: {  	[tilespmem:s16], [sflag:$0x1] =	stream.indirect_vreg.gather [hbm4b:s4+s3], $0x80, v4, vm0, $0xb8;
	[tilespmem:$0x1EC00] =	vst v63  }
0x136: {  	s17 =	simm.s32 $0x5C00  }
0x137: {  	[tilespmem:s17], [sflag:$0x1] =	stream.indirect_vreg.gather [hbm4b:s2+s3], $0x80, v3, vm0, $0xb8;
	[tilespmem:$0x1EC00] =	vst v63  }
0x138: {  	s28 =	simm.s32 $0x6400  }
0x139: {  	[tilespmem:s28], [sflag:$0x1] =	stream.indirect_vreg.gather [hbm4b:s4+s3], $0x80, v3, vm0, $0xb8;
	[tilespmem:$0x1EC00] =	vst v63  }
0x13a: {  	v3 =	vld [tilespmem:$0x1B0];
	_ =	sdelay $0x4  }
0x13b: {  	v38 =	vshll.u32 v3, $0x2  }
0x13c: {  	v3 =	vand.u32 $0x7, v3;
	v4 =	vand.u32 $0xFFFFFFE0, v38  }
0x13d: {  	v3 =	vor.u32 v3, v4  }
0x13e: {  	v4 =	vperm.xlane v3, v0;
	_ =	sdelay $0x1  }
0x13f: {  	v4 =	vadd.s32 v1, v4;
	_ =	sdelay $0x1  }
0x140: {  	v3 =	vperm.xlane v3, v2;
	_ =	sdelay $0x1  }
0x141: {  	s21 =	simm.s32 $0x6C00;
	v3 =	vadd.s32 v1, v3  }
0x142: {  	[tilespmem:s21], [sflag:$0x1] =	stream.indirect_vreg.gather [hbm4b:s2+s3], $0x80, v4, vm0, $0xb8;
	[tilespmem:$0x1EC00] =	vst v63  }
0x143: {  	s18 =	simm.s32 $0x7400  }
0x144: {  	[tilespmem:s18], [sflag:$0x1] =	stream.indirect_vreg.gather [hbm4b:s4+s3], $0x80, v4, vm0, $0xb8;
	[tilespmem:$0x1EC00] =	vst v63  }
0x145: {  	s20 =	simm.s32 $0x7C00  }
0x146: {  	[tilespmem:s20], [sflag:$0x1] =	stream.indirect_vreg.gather [hbm4b:s2+s3], $0x80, v3, vm0, $0xb8;
	[tilespmem:$0x1EC00] =	vst v63  }
0x147: {  	s26 =	simm.s32 $0x8400  }
0x148: {  	[tilespmem:s26], [sflag:$0x1] =	stream.indirect_vreg.gather [hbm4b:s4+s3], $0x80, v3, vm0, $0xb8;
	[tilespmem:$0x1EC00] =	vst v63  }
0x149: {  	v3 =	vld [tilespmem:$0x1C0];
	_ =	sdelay $0x4  }
0x14a: {  	v39 =	vshll.u32 v3, $0x2  }
0x14b: {  	v3 =	vand.u32 $0x7, v3;
	v4 =	vand.u32 $0xFFFFFFE0, v39  }
0x14c: {  	v3 =	vor.u32 v3, v4  }
0x14d: {  	v4 =	vperm.xlane v3, v0;
	_ =	sdelay $0x1  }
0x14e: {  	v4 =	vadd.s32 v1, v4;
	_ =	sdelay $0x1  }
0x14f: {  	v3 =	vperm.xlane v3, v2;
	_ =	sdelay $0x1  }
0x150: {  	s20 =	simm.s32 $0x8C00;
	v3 =	vadd.s32 v1, v3  }
0x151: {  	[tilespmem:s20], [sflag:$0x1] =	stream.indirect_vreg.gather [hbm4b:s2+s3], $0x80, v4, vm0, $0xb8;
	[tilespmem:$0x1EC00] =	vst v63  }
0x152: {  	s31 =	simm.s32 $0x9400  }
0x153: {  	[tilespmem:s31], [sflag:$0x1] =	stream.indirect_vreg.gather [hbm4b:s4+s3], $0x80, v4, vm0, $0xb8;
	[tilespmem:$0x1EC00] =	vst v63  }
0x154: {  	s18 =	simm.s32 $0x9C00  }
0x155: {  	[tilespmem:s18], [sflag:$0x1] =	stream.indirect_vreg.gather [hbm4b:s2+s3], $0x80, v3, vm0, $0xb8;
	[tilespmem:$0x1EC00] =	vst v63  }
0x156: {  	s16 =	simm.s32 $0xA400  }
0x157: {  	[tilespmem:s16], [sflag:$0x1] =	stream.indirect_vreg.gather [hbm4b:s4+s3], $0x80, v3, vm0, $0xb8;
	[tilespmem:$0x1EC00] =	vst v63  }
0x158: {  	_ =	swait.ge [sflag:s24], $0xA000  }
0x159: {  	[sflag:s24] =	ssyncset.done $0x0  }
0x15a: {  	s21 =	simm.s32 $0xAC00;
	s17 =	rddreg [dreg:$0x6];
	[sflag:s24] =	ssyncadd.s32 $0xFFFF6000  }
0x15b: {  	[hbm4b:s17+s3] =	stream.linear.scatter [tilespmem:s21], [sflag:$0x5], $0xA000, $0x38;
	[tilespmem:$0x1EC00] =	vst v63  }
0x15c: {  	_ =	swait.ge [sflag:s25], $0xA000  }
0x15d: {  	[sflag:s25] =	ssyncset.done $0x0  }
0x15e: {  	[sflag:s25] =	ssyncadd.s32 $0xFFFF6000  }
0x15f: {  	v3 =	vld [tilespmem:$0x200];
	_ =	sdelay $0x4  }
0x160: {  	v40 =	vshll.u32 v3, $0x2  }
0x161: {  	v3 =	vand.u32 $0x7, v3;
	v4 =	vand.u32 $0xFFFFFFE0, v40  }
0x162: {  	v3 =	vor.u32 v3, v4  }
0x163: {  	v4 =	vperm.xlane v3, v0;
	_ =	sdelay $0x1  }
0x164: {  	v4 =	vadd.s32 v1, v4;
	_ =	sdelay $0x1  }
0x165: {  	v3 =	vperm.xlane v3, v2;
	_ =	sdelay $0x1  }
0x166: {  	v3 =	vadd.s32 v1, v3  }
0x167: {  	[tilespmem:s21], [sflag:$0x2] =	stream.indirect_vreg.gather [hbm4b:s2+s3], $0x80, v4, vm0, $0xb8;
	[tilespmem:$0x1EC00] =	vst v63  }
0x168: {  	s0 =	simm.s32 $0xB400  }
0x169: {  	[tilespmem:s0], [sflag:$0x2] =	stream.indirect_vreg.gather [hbm4b:s4+s3], $0x80, v4, vm0, $0xb8;
	[tilespmem:$0x1EC00] =	vst v63  }
0x16a: {  	s30 =	simm.s32 $0xBC00  }
0x16b: {  	[tilespmem:s30], [sflag:$0x2] =	stream.indirect_vreg.gather [hbm4b:s2+s3], $0x80, v3, vm0, $0xb8;
	[tilespmem:$0x1EC00] =	vst v63  }
0x16c: {  	s6 =	simm.s32 $0xC400  }
0x16d: {  	[tilespmem:s6], [sflag:$0x2] =	stream.indirect_vreg.gather [hbm4b:s4+s3], $0x80, v3, vm0, $0xb8;
	[tilespmem:$0x1EC00] =	vst v63  }
0x16e: {  	v3 =	vld [tilespmem:$0x210];
	_ =	sdelay $0x4  }
0x16f: {  	v41 =	vshll.u32 v3, $0x2  }
0x170: {  	v3 =	vand.u32 $0x7, v3;
	v4 =	vand.u32 $0xFFFFFFE0, v41  }
0x171: {  	v3 =	vor.u32 v3, v4  }
0x172: {  	v4 =	vperm.xlane v3, v0;
	_ =	sdelay $0x1  }
0x173: {  	v4 =	vadd.s32 v1, v4;
	_ =	sdelay $0x1  }
0x174: {  	v3 =	vperm.xlane v3, v2;
	_ =	sdelay $0x1  }
0x175: {  	s21 =	simm.s32 $0xCC00;
	v3 =	vadd.s32 v1, v3  }
0x176: {  	[tilespmem:s21], [sflag:$0x2] =	stream.indirect_vreg.gather [hbm4b:s2+s3], $0x80, v4, vm0, $0xb8;
	[tilespmem:$0x1EC00] =	vst v63  }
0x177: {  	s6 =	simm.s32 $0xD400  }
0x178: {  	[tilespmem:s6], [sflag:$0x2] =	stream.indirect_vreg.gather [hbm4b:s4+s3], $0x80, v4, vm0, $0xb8;
	[tilespmem:$0x1EC00] =	vst v63  }
0x179: {  	s8 =	simm.s32 $0xDC00  }
0x17a: {  	[tilespmem:s8], [sflag:$0x2] =	stream.indirect_vreg.gather [hbm4b:s2+s3], $0x80, v3, vm0, $0xb8;
	[tilespmem:$0x1EC00] =	vst v63  }
0x17b: {  	s9 =	simm.s32 $0xE400  }
0x17c: {  	[tilespmem:s9], [sflag:$0x2] =	stream.indirect_vreg.gather [hbm4b:s4+s3], $0x80, v3, vm0, $0xb8;
	[tilespmem:$0x1EC00] =	vst v63  }
0x17d: {  	v3 =	vld [tilespmem:$0x220];
	_ =	sdelay $0x4  }
0x17e: {  	v42 =	vshll.u32 v3, $0x2  }
0x17f: {  	v3 =	vand.u32 $0x7, v3;
	v4 =	vand.u32 $0xFFFFFFE0, v42  }
0x180: {  	v3 =	vor.u32 v3, v4  }
0x181: {  	v4 =	vperm.xlane v3, v0;
	_ =	sdelay $0x1  }
0x182: {  	v4 =	vadd.s32 v1, v4;
	_ =	sdelay $0x1  }
0x183: {  	v3 =	vperm.xlane v3, v2;
	_ =	sdelay $0x1  }
0x184: {  	s9 =	simm.s32 $0xEC00;
	v3 =	vadd.s32 v1, v3  }
0x185: {  	[tilespmem:s9], [sflag:$0x2] =	stream.indirect_vreg.gather [hbm4b:s2+s3], $0x80, v4, vm0, $0xb8;
	[tilespmem:$0x1EC00] =	vst v63  }
0x186: {  	s10 =	simm.s32 $0xF400  }
0x187: {  	[tilespmem:s10], [sflag:$0x2] =	stream.indirect_vreg.gather [hbm4b:s4+s3], $0x80, v4, vm0, $0xb8;
	[tilespmem:$0x1EC00] =	vst v63  }
0x188: {  	s11 =	simm.s32 $0xFC00  }
0x189: {  	[tilespmem:s11], [sflag:$0x2] =	stream.indirect_vreg.gather [hbm4b:s2+s3], $0x80, v3, vm0, $0xb8;
	[tilespmem:$0x1EC00] =	vst v63  }
0x18a: {  	s12 =	simm.s32 $0x10400  }
0x18b: {  	[tilespmem:s12], [sflag:$0x2] =	stream.indirect_vreg.gather [hbm4b:s4+s3], $0x80, v3, vm0, $0xb8;
	[tilespmem:$0x1EC00] =	vst v63  }
0x18c: {  	v3 =	vld [tilespmem:$0x230];
	_ =	sdelay $0x4  }
0x18d: {  	v43 =	vshll.u32 v3, $0x2  }
0x18e: {  	v3 =	vand.u32 $0x7, v3;
	v4 =	vand.u32 $0xFFFFFFE0, v43  }
0x18f: {  	v3 =	vor.u32 v3, v4  }
0x190: {  	v4 =	vperm.xlane v3, v0;
	_ =	sdelay $0x1  }
0x191: {  	v4 =	vadd.s32 v1, v4;
	_ =	sdelay $0x1  }
0x192: {  	v3 =	vperm.xlane v3, v2;
	_ =	sdelay $0x1  }
0x193: {  	s12 =	simm.s32 $0x10C00;
	v3 =	vadd.s32 v1, v3  }
0x194: {  	[tilespmem:s12], [sflag:$0x2] =	stream.indirect_vreg.gather [hbm4b:s2+s3], $0x80, v4, vm0, $0xb8;
	[tilespmem:$0x1EC00] =	vst v63  }
0x195: {  	s13 =	simm.s32 $0x11400  }
0x196: {  	[tilespmem:s13], [sflag:$0x2] =	stream.indirect_vreg.gather [hbm4b:s4+s3], $0x80, v4, vm0, $0xb8;
	[tilespmem:$0x1EC00] =	vst v63  }
0x197: {  	s14 =	simm.s32 $0x11C00  }
0x198: {  	[tilespmem:s14], [sflag:$0x2] =	stream.indirect_vreg.gather [hbm4b:s2+s3], $0x80, v3, vm0, $0xb8;
	[tilespmem:$0x1EC00] =	vst v63  }
0x199: {  	s15 =	simm.s32 $0x12400  }
0x19a: {  	[tilespmem:s15], [sflag:$0x2] =	stream.indirect_vreg.gather [hbm4b:s4+s3], $0x80, v3, vm0, $0xb8;
	[tilespmem:$0x1EC00] =	vst v63  }
0x19b: {  	v3 =	vld [tilespmem:$0x240];
	_ =	sdelay $0x4  }
0x19c: {  	v44 =	vshll.u32 v3, $0x2  }
0x19d: {  	v3 =	vand.u32 $0x7, v3;
	v4 =	vand.u32 $0xFFFFFFE0, v44  }
0x19e: {  	v3 =	vor.u32 v3, v4  }
0x19f: {  	v4 =	vperm.xlane v3, v0;
	_ =	sdelay $0x1  }
0x1a0: {  	v4 =	vadd.s32 v1, v4;
	_ =	sdelay $0x1  }
0x1a1: {  	v3 =	vperm.xlane v3, v2;
	_ =	sdelay $0x1  }
0x1a2: {  	s15 =	simm.s32 $0x12C00;
	v3 =	vadd.s32 v1, v3  }
0x1a3: {  	[tilespmem:s15], [sflag:$0x2] =	stream.indirect_vreg.gather [hbm4b:s2+s3], $0x80, v4, vm0, $0xb8;
	[tilespmem:$0x1EC00] =	vst v63  }
0x1a4: {  	s16 =	simm.s32 $0x13400  }
0x1a5: {  	[tilespmem:s16], [sflag:$0x2] =	stream.indirect_vreg.gather [hbm4b:s4+s3], $0x80, v4, vm0, $0xb8;
	[tilespmem:$0x1EC00] =	vst v63  }
0x1a6: {  	s17 =	simm.s32 $0x13C00  }
0x1a7: {  	[tilespmem:s17], [sflag:$0x2] =	stream.indirect_vreg.gather [hbm4b:s2+s3], $0x80, v3, vm0, $0xb8;
	[tilespmem:$0x1EC00] =	vst v63  }
0x1a8: {  	s7 =	simm.s32 $0x14400  }
0x1a9: {  	[tilespmem:s7], [sflag:$0x2] =	stream.indirect_vreg.gather [hbm4b:s4+s3], $0x80, v3, vm0, $0xb8;
	[tilespmem:$0x1EC00] =	vst v63  }
0x1aa: {  	_ =	swait.ge [sflag:s29], $0xA000  }
0x1ab: {  	[sflag:s29] =	ssyncset.done $0x0  }
0x1ac: {  	s7 =	simm.s32 $0x14C00;
	s1 =	rddreg [dreg:$0x7];
	[sflag:s29] =	ssyncadd.s32 $0xFFFF6000  }
0x1ad: {  	[hbm4b:s1+s3] =	stream.linear.scatter [tilespmem:s7], [sflag:$0x6], $0xA000, $0x38;
	[tilespmem:$0x1EC00] =	vst v63  }
0x1ae: {  	s1 =	simm.s32 $0x6  }
0x1af: {  	_ =	swait.ge [sflag:s1], $0xA000  }
0x1b0: {  	[sflag:s1] =	ssyncset.done $0x0  }
0x1b1: {  	[sflag:s1] =	ssyncadd.s32 $0xFFFF6000  }
0x1b2: {  	v3 =	vld [tilespmem:$0x280];
	_ =	sdelay $0x4  }
0x1b3: {  	v45 =	vshll.u32 v3, $0x2  }
0x1b4: {  	v3 =	vand.u32 $0x7, v3;
	v4 =	vand.u32 $0xFFFFFFE0, v45  }
0x1b5: {  	v3 =	vor.u32 v3, v4  }
0x1b6: {  	v4 =	vperm.xlane v3, v0;
	_ =	sdelay $0x1  }
0x1b7: {  	v4 =	vadd.s32 v1, v4;
	_ =	sdelay $0x1  }
0x1b8: {  	v3 =	vperm.xlane v3, v2;
	_ =	sdelay $0x1  }
0x1b9: {  	v3 =	vadd.s32 v1, v3  }
0x1ba: {  	[tilespmem:s7], [sflag:$0x3] =	stream.indirect_vreg.gather [hbm4b:s2+s3], $0x80, v4, vm0, $0xb8;
	[tilespmem:$0x1EC00] =	vst v63  }
0x1bb: {  	s7 =	simm.s32 $0x15400  }
0x1bc: {  	[tilespmem:s7], [sflag:$0x3] =	stream.indirect_vreg.gather [hbm4b:s4+s3], $0x80, v4, vm0, $0xb8;
	[tilespmem:$0x1EC00] =	vst v63  }
0x1bd: {  	s30 =	simm.s32 $0x15C00  }
0x1be: {  	[tilespmem:s30], [sflag:$0x3] =	stream.indirect_vreg.gather [hbm4b:s2+s3], $0x80, v3, vm0, $0xb8;
	[tilespmem:$0x1EC00] =	vst v63  }
0x1bf: {  	s30 =	simm.s32 $0x16400  }
0x1c0: {  	[tilespmem:s30], [sflag:$0x3] =	stream.indirect_vreg.gather [hbm4b:s4+s3], $0x80, v3, vm0, $0xb8;
	[tilespmem:$0x1EC00] =	vst v63  }
0x1c1: {  	v3 =	vld [tilespmem:$0x290];
	_ =	sdelay $0x4  }
0x1c2: {  	v46 =	vshll.u32 v3, $0x2  }
0x1c3: {  	v3 =	vand.u32 $0x7, v3;
	v4 =	vand.u32 $0xFFFFFFE0, v46  }
0x1c4: {  	v3 =	vor.u32 v3, v4  }
0x1c5: {  	v4 =	vperm.xlane v3, v0;
	_ =	sdelay $0x1  }
0x1c6: {  	v4 =	vadd.s32 v1, v4;
	_ =	sdelay $0x1  }
0x1c7: {  	v3 =	vperm.xlane v3, v2;
	_ =	sdelay $0x1  }
0x1c8: {  	s30 =	simm.s32 $0x16C00;
	v3 =	vadd.s32 v1, v3  }
0x1c9: {  	[tilespmem:s30], [sflag:$0x3] =	stream.indirect_vreg.gather [hbm4b:s2+s3], $0x80, v4, vm0, $0xb8;
	[tilespmem:$0x1EC00] =	vst v63  }
0x1ca: {  	s30 =	simm.s32 $0x17400  }
0x1cb: {  	[tilespmem:s30], [sflag:$0x3] =	stream.indirect_vreg.gather [hbm4b:s4+s3], $0x80, v4, vm0, $0xb8;
	[tilespmem:$0x1EC00] =	vst v63  }
0x1cc: {  	s30 =	simm.s32 $0x17C00  }
0x1cd: {  	[tilespmem:s30], [sflag:$0x3] =	stream.indirect_vreg.gather [hbm4b:s2+s3], $0x80, v3, vm0, $0xb8;
	[tilespmem:$0x1EC00] =	vst v63  }
0x1ce: {  	s30 =	simm.s32 $0x18400  }
0x1cf: {  	[tilespmem:s30], [sflag:$0x3] =	stream.indirect_vreg.gather [hbm4b:s4+s3], $0x80, v3, vm0, $0xb8;
	[tilespmem:$0x1EC00] =	vst v63  }
0x1d0: {  	v3 =	vld [tilespmem:$0x2A0];
	_ =	sdelay $0x4  }
0x1d1: {  	v47 =	vshll.u32 v3, $0x2  }
0x1d2: {  	v3 =	vand.u32 $0x7, v3;
	v4 =	vand.u32 $0xFFFFFFE0, v47  }
0x1d3: {  	v3 =	vor.u32 v3, v4  }
0x1d4: {  	v4 =	vperm.xlane v3, v0;
	_ =	sdelay $0x1  }
0x1d5: {  	v4 =	vadd.s32 v1, v4;
	_ =	sdelay $0x1  }
0x1d6: {  	v3 =	vperm.xlane v3, v2;
	_ =	sdelay $0x1  }
0x1d7: {  	s30 =	simm.s32 $0x18C00;
	v3 =	vadd.s32 v1, v3  }
0x1d8: {  	[tilespmem:s30], [sflag:$0x3] =	stream.indirect_vreg.gather [hbm4b:s2+s3], $0x80, v4, vm0, $0xb8;
	[tilespmem:$0x1EC00] =	vst v63  }
0x1d9: {  	s30 =	simm.s32 $0x19400  }
0x1da: {  	[tilespmem:s30], [sflag:$0x3] =	stream.indirect_vreg.gather [hbm4b:s4+s3], $0x80, v4, vm0, $0xb8;
	[tilespmem:$0x1EC00] =	vst v63  }
0x1db: {  	s30 =	simm.s32 $0x19C00  }
0x1dc: {  	[tilespmem:s30], [sflag:$0x3] =	stream.indirect_vreg.gather [hbm4b:s2+s3], $0x80, v3, vm0, $0xb8;
	[tilespmem:$0x1EC00] =	vst v63  }
0x1dd: {  	s30 =	simm.s32 $0x1A400  }
0x1de: {  	[tilespmem:s30], [sflag:$0x3] =	stream.indirect_vreg.gather [hbm4b:s4+s3], $0x80, v3, vm0, $0xb8;
	[tilespmem:$0x1EC00] =	vst v63  }
0x1df: {  	v3 =	vld [tilespmem:$0x2B0];
	_ =	sdelay $0x4  }
0x1e0: {  	v48 =	vshll.u32 v3, $0x2  }
0x1e1: {  	v3 =	vand.u32 $0x7, v3;
	v4 =	vand.u32 $0xFFFFFFE0, v48  }
0x1e2: {  	v3 =	vor.u32 v3, v4  }
0x1e3: {  	v4 =	vperm.xlane v3, v0;
	_ =	sdelay $0x1  }
0x1e4: {  	v4 =	vadd.s32 v1, v4;
	_ =	sdelay $0x1  }
0x1e5: {  	v3 =	vperm.xlane v3, v2;
	_ =	sdelay $0x1  }
0x1e6: {  	s30 =	simm.s32 $0x1AC00;
	v3 =	vadd.s32 v1, v3  }
0x1e7: {  	[tilespmem:s30], [sflag:$0x3] =	stream.indirect_vreg.gather [hbm4b:s2+s3], $0x80, v4, vm0, $0xb8;
	[tilespmem:$0x1EC00] =	vst v63  }
0x1e8: {  	s30 =	simm.s32 $0x1B400  }
0x1e9: {  	[tilespmem:s30], [sflag:$0x3] =	stream.indirect_vreg.gather [hbm4b:s4+s3], $0x80, v4, vm0, $0xb8;
	[tilespmem:$0x1EC00] =	vst v63  }
0x1ea: {  	s30 =	simm.s32 $0x1BC00  }
0x1eb: {  	[tilespmem:s30], [sflag:$0x3] =	stream.indirect_vreg.gather [hbm4b:s2+s3], $0x80, v3, vm0, $0xb8;
	[tilespmem:$0x1EC00] =	vst v63  }
0x1ec: {  	s30 =	simm.s32 $0x1C400  }
0x1ed: {  	[tilespmem:s30], [sflag:$0x3] =	stream.indirect_vreg.gather [hbm4b:s4+s3], $0x80, v3, vm0, $0xb8;
	[tilespmem:$0x1EC00] =	vst v63  }
0x1ee: {  	v3 =	vld [tilespmem:$0x2C0];
	_ =	sdelay $0x4  }
0x1ef: {  	v49 =	vshll.u32 v3, $0x2  }
0x1f0: {  	v3 =	vand.u32 $0x7, v3;
	v4 =	vand.u32 $0xFFFFFFE0, v49  }
0x1f1: {  	v3 =	vor.u32 v3, v4  }
0x1f2: {  	v4 =	vperm.xlane v3, v0;
	_ =	sdelay $0x1  }
0x1f3: {  	v4 =	vadd.s32 v1, v4;
	_ =	sdelay $0x1  }
0x1f4: {  	v3 =	vperm.xlane v3, v2;
	_ =	sdelay $0x1  }
0x1f5: {  	s30 =	simm.s32 $0x1CC00;
	v3 =	vadd.s32 v1, v3  }
0x1f6: {  	[tilespmem:s30], [sflag:$0x3] =	stream.indirect_vreg.gather [hbm4b:s2+s3], $0x80, v4, vm0, $0xb8;
	[tilespmem:$0x1EC00] =	vst v63  }
0x1f7: {  	s30 =	simm.s32 $0x1D400  }
0x1f8: {  	[tilespmem:s30], [sflag:$0x3] =	stream.indirect_vreg.gather [hbm4b:s4+s3], $0x80, v4, vm0, $0xb8;
	[tilespmem:$0x1EC00] =	vst v63  }
0x1f9: {  	s30 =	simm.s32 $0x1DC00  }
0x1fa: {  	[tilespmem:s30], [sflag:$0x3] =	stream.indirect_vreg.gather [hbm4b:s2+s3], $0x80, v3, vm0, $0xb8;
	[tilespmem:$0x1EC00] =	vst v63  }
0x1fb: {  	s30 =	simm.s32 $0x1E400  }
0x1fc: {  	[tilespmem:s30], [sflag:$0x3] =	stream.indirect_vreg.gather [hbm4b:s4+s3], $0x80, v3, vm0, $0xb8;
	[tilespmem:$0x1EC00] =	vst v63  }
0x1fd: {  	_ =	swait.ge [sflag:s22], $0xA000  }
0x1fe: {  	[sflag:s22] =	ssyncset.done $0x0  }
0x1ff: {  	s5 =	simm.s32 $0xC00;
	s30 =	rddreg [dreg:$0x8];
	[sflag:s22] =	ssyncadd.s32 $0xFFFF6000  }
0x200: {  	[hbm4b:s30+s3] =	stream.linear.scatter [tilespmem:s5], [sflag:$0x4], $0xA000, $0x38;
	[tilespmem:$0x1EC00] =	vst v63  }
0x201: {  	_ =	swait.ge [sflag:s23], $0xA000  }
0x202: {  	[sflag:s23] =	ssyncset.done $0x0  }
0x203: {  	[sflag:s23] =	ssyncadd.s32 $0xFFFF6000  }
0x204: {  	v3 =	vld [tilespmem:$0x300];
	_ =	sdelay $0x4  }
0x205: {  	v50 =	vshll.u32 v3, $0x2  }
0x206: {  	v3 =	vand.u32 $0x7, v3;
	v4 =	vand.u32 $0xFFFFFFE0, v50  }
0x207: {  	v3 =	vor.u32 v3, v4  }
0x208: {  	v4 =	vperm.xlane v3, v0;
	_ =	sdelay $0x1  }
0x209: {  	v4 =	vadd.s32 v1, v4;
	_ =	sdelay $0x1  }
0x20a: {  	v3 =	vperm.xlane v3, v2;
	_ =	sdelay $0x1  }
0x20b: {  	v3 =	vadd.s32 v1, v3  }
0x20c: {  	[tilespmem:s5], [sflag:$0x1] =	stream.indirect_vreg.gather [hbm4b:s2+s3], $0x80, v4, vm0, $0xb8;
	[tilespmem:$0x1EC00] =	vst v63  }
0x20d: {  	s30 =	simm.s32 $0x1400  }
0x20e: {  	[tilespmem:s30], [sflag:$0x1] =	stream.indirect_vreg.gather [hbm4b:s4+s3], $0x80, v4, vm0, $0xb8;
	[tilespmem:$0x1EC00] =	vst v63  }
0x20f: {  	s30 =	simm.s32 $0x1C00  }
0x210: {  	[tilespmem:s30], [sflag:$0x1] =	stream.indirect_vreg.gather [hbm4b:s2+s3], $0x80, v3, vm0, $0xb8;
	[tilespmem:$0x1EC00] =	vst v63  }
0x211: {  	s30 =	simm.s32 $0x2400  }
0x212: {  	[tilespmem:s30], [sflag:$0x1] =	stream.indirect_vreg.gather [hbm4b:s4+s3], $0x80, v3, vm0, $0xb8;
	[tilespmem:$0x1EC00] =	vst v63  }
0x213: {  	v3 =	vld [tilespmem:$0x310];
	_ =	sdelay $0x4  }
0x214: {  	v51 =	vshll.u32 v3, $0x2  }
0x215: {  	v3 =	vand.u32 $0x7, v3;
	v4 =	vand.u32 $0xFFFFFFE0, v51  }
0x216: {  	v3 =	vor.u32 v3, v4  }
0x217: {  	v4 =	vperm.xlane v3, v0;
	_ =	sdelay $0x1  }
0x218: {  	v4 =	vadd.s32 v1, v4;
	_ =	sdelay $0x1  }
0x219: {  	v3 =	vperm.xlane v3, v2;
	_ =	sdelay $0x1  }
0x21a: {  	s30 =	simm.s32 $0x2C00;
	v3 =	vadd.s32 v1, v3  }
0x21b: {  	[tilespmem:s30], [sflag:$0x1] =	stream.indirect_vreg.gather [hbm4b:s2+s3], $0x80, v4, vm0, $0xb8;
	[tilespmem:$0x1EC00] =	vst v63  }
0x21c: {  	s30 =	simm.s32 $0x3400  }
0x21d: {  	[tilespmem:s30], [sflag:$0x1] =	stream.indirect_vreg.gather [hbm4b:s4+s3], $0x80, v4, vm0, $0xb8;
	[tilespmem:$0x1EC00] =	vst v63  }
0x21e: {  	s30 =	simm.s32 $0x3C00  }
0x21f: {  	[tilespmem:s30], [sflag:$0x1] =	stream.indirect_vreg.gather [hbm4b:s2+s3], $0x80, v3, vm0, $0xb8;
	[tilespmem:$0x1EC00] =	vst v63  }
0x220: {  	_ = 	snop  }
0x221: {  	[tilespmem:s19], [sflag:$0x1] =	stream.indirect_vreg.gather [hbm4b:s4+s3], $0x80, v3, vm0, $0xb8;
	[tilespmem:$0x1EC00] =	vst v63  }
0x222: {  	v3 =	vld [tilespmem:$0x320];
	_ =	sdelay $0x4  }
0x223: {  	v52 =	vshll.u32 v3, $0x2  }
0x224: {  	v3 =	vand.u32 $0x7, v3;
	v4 =	vand.u32 $0xFFFFFFE0, v52  }
0x225: {  	v3 =	vor.u32 v3, v4  }
0x226: {  	v4 =	vperm.xlane v3, v0;
	_ =	sdelay $0x1  }
0x227: {  	v4 =	vadd.s32 v1, v4;
	_ =	sdelay $0x1  }
0x228: {  	v3 =	vperm.xlane v3, v2;
	_ =	sdelay $0x1  }
0x229: {  	s30 =	simm.s32 $0x4C00;
	v3 =	vadd.s32 v1, v3  }
0x22a: {  	[tilespmem:s30], [sflag:$0x1] =	stream.indirect_vreg.gather [hbm4b:s2+s3], $0x80, v4, vm0, $0xb8;
	[tilespmem:$0x1EC00] =	vst v63  }
0x22b: {  	s19 =	simm.s32 $0x5400  }
0x22c: {  	[tilespmem:s19], [sflag:$0x1] =	stream.indirect_vreg.gather [hbm4b:s4+s3], $0x80, v4, vm0, $0xb8;
	[tilespmem:$0x1EC00] =	vst v63  }
0x22d: {  	s30 =	simm.s32 $0x5C00  }
0x22e: {  	[tilespmem:s30], [sflag:$0x1] =	stream.indirect_vreg.gather [hbm4b:s2+s3], $0x80, v3, vm0, $0xb8;
	[tilespmem:$0x1EC00] =	vst v63  }
0x22f: {  	_ = 	snop  }
0x230: {  	[tilespmem:s28], [sflag:$0x1] =	stream.indirect_vreg.gather [hbm4b:s4+s3], $0x80, v3, vm0, $0xb8;
	[tilespmem:$0x1EC00] =	vst v63  }
0x231: {  	v3 =	vld [tilespmem:$0x330];
	_ =	sdelay $0x4  }
0x232: {  	v53 =	vshll.u32 v3, $0x2  }
0x233: {  	v3 =	vand.u32 $0x7, v3;
	v4 =	vand.u32 $0xFFFFFFE0, v53  }
0x234: {  	v3 =	vor.u32 v3, v4  }
0x235: {  	v4 =	vperm.xlane v3, v0;
	_ =	sdelay $0x1  }
0x236: {  	v4 =	vadd.s32 v1, v4;
	_ =	sdelay $0x1  }
0x237: {  	v3 =	vperm.xlane v3, v2;
	_ =	sdelay $0x1  }
0x238: {  	s28 =	simm.s32 $0x6C00;
	v3 =	vadd.s32 v1, v3  }
0x239: {  	[tilespmem:s28], [sflag:$0x1] =	stream.indirect_vreg.gather [hbm4b:s2+s3], $0x80, v4, vm0, $0xb8;
	[tilespmem:$0x1EC00] =	vst v63  }
0x23a: {  	s19 =	simm.s32 $0x7400  }
0x23b: {  	[tilespmem:s19], [sflag:$0x1] =	stream.indirect_vreg.gather [hbm4b:s4+s3], $0x80, v4, vm0, $0xb8;
	[tilespmem:$0x1EC00] =	vst v63  }
0x23c: {  	s30 =	simm.s32 $0x7C00  }
0x23d: {  	[tilespmem:s30], [sflag:$0x1] =	stream.indirect_vreg.gather [hbm4b:s2+s3], $0x80, v3, vm0, $0xb8;
	[tilespmem:$0x1EC00] =	vst v63  }
0x23e: {  	_ = 	snop  }
0x23f: {  	[tilespmem:s26], [sflag:$0x1] =	stream.indirect_vreg.gather [hbm4b:s4+s3], $0x80, v3, vm0, $0xb8;
	[tilespmem:$0x1EC00] =	vst v63  }
0x240: {  	v3 =	vld [tilespmem:$0x340];
	_ =	sdelay $0x4  }
0x241: {  	v54 =	vshll.u32 v3, $0x2  }
0x242: {  	v3 =	vand.u32 $0x7, v3;
	v4 =	vand.u32 $0xFFFFFFE0, v54  }
0x243: {  	v3 =	vor.u32 v3, v4  }
0x244: {  	v4 =	vperm.xlane v3, v0;
	_ =	sdelay $0x1  }
0x245: {  	v4 =	vadd.s32 v1, v4;
	_ =	sdelay $0x1  }
0x246: {  	v3 =	vperm.xlane v3, v2;
	_ =	sdelay $0x1  }
0x247: {  	v3 =	vadd.s32 v1, v3  }
0x248: {  	[tilespmem:s20], [sflag:$0x1] =	stream.indirect_vreg.gather [hbm4b:s2+s3], $0x80, v4, vm0, $0xb8;
	[tilespmem:$0x1EC00] =	vst v63  }
0x249: {  	_ = 	snop  }
0x24a: {  	[tilespmem:s31], [sflag:$0x1] =	stream.indirect_vreg.gather [hbm4b:s4+s3], $0x80, v4, vm0, $0xb8;
	[tilespmem:$0x1EC00] =	vst v63  }
0x24b: {  	_ = 	snop  }
0x24c: {  	[tilespmem:s18], [sflag:$0x1] =	stream.indirect_vreg.gather [hbm4b:s2+s3], $0x80, v3, vm0, $0xb8;
	[tilespmem:$0x1EC00] =	vst v63  }
0x24d: {  	s19 =	simm.s32 $0xA400  }
0x24e: {  	[tilespmem:s19], [sflag:$0x1] =	stream.indirect_vreg.gather [hbm4b:s4+s3], $0x80, v3, vm0, $0xb8;
	[tilespmem:$0x1EC00] =	vst v63  }
0x24f: {  	_ =	swait.ge [sflag:s24], $0xA000  }
0x250: {  	[sflag:s24] =	ssyncset.done $0x0  }
0x251: {  	s26 =	simm.s32 $0xAC00;
	s20 =	rddreg [dreg:$0x9];
	[sflag:s24] =	ssyncadd.s32 $0xFFFF6000  }
0x252: {  	[hbm4b:s20+s3] =	stream.linear.scatter [tilespmem:s26], [sflag:$0x5], $0xA000, $0x38;
	[tilespmem:$0x1EC00] =	vst v63  }
0x253: {  	_ =	swait.ge [sflag:s25], $0xA000  }
0x254: {  	[sflag:s25] =	ssyncset.done $0x0  }
0x255: {  	[sflag:s25] =	ssyncadd.s32 $0xFFFF6000  }
0x256: {  	v3 =	vld [tilespmem:$0x380];
	_ =	sdelay $0x4  }
0x257: {  	v55 =	vshll.u32 v3, $0x2  }
0x258: {  	v3 =	vand.u32 $0x7, v3;
	v4 =	vand.u32 $0xFFFFFFE0, v55  }
0x259: {  	v3 =	vor.u32 v3, v4  }
0x25a: {  	v4 =	vperm.xlane v3, v0;
	_ =	sdelay $0x1  }
0x25b: {  	v4 =	vadd.s32 v1, v4;
	_ =	sdelay $0x1  }
0x25c: {  	v3 =	vperm.xlane v3, v2;
	_ =	sdelay $0x1  }
0x25d: {  	v3 =	vadd.s32 v1, v3  }
0x25e: {  	[tilespmem:s26], [sflag:$0x2] =	stream.indirect_vreg.gather [hbm4b:s2+s3], $0x80, v4, vm0, $0xb8;
	[tilespmem:$0x1EC00] =	vst v63  }
0x25f: {  	_ = 	snop  }
0x260: {  	[tilespmem:s0], [sflag:$0x2] =	stream.indirect_vreg.gather [hbm4b:s4+s3], $0x80, v4, vm0, $0xb8;
	[tilespmem:$0x1EC00] =	vst v63  }
0x261: {  	s31 =	simm.s32 $0xBC00  }
0x262: {  	[tilespmem:s31], [sflag:$0x2] =	stream.indirect_vreg.gather [hbm4b:s2+s3], $0x80, v3, vm0, $0xb8;
	[tilespmem:$0x1EC00] =	vst v63  }
0x263: {  	s19 =	simm.s32 $0xC400  }
0x264: {  	[tilespmem:s19], [sflag:$0x2] =	stream.indirect_vreg.gather [hbm4b:s4+s3], $0x80, v3, vm0, $0xb8;
	[tilespmem:$0x1EC00] =	vst v63  }
0x265: {  	v3 =	vld [tilespmem:$0x390];
	_ =	sdelay $0x4  }
0x266: {  	v56 =	vshll.u32 v3, $0x2  }
0x267: {  	v3 =	vand.u32 $0x7, v3;
	v4 =	vand.u32 $0xFFFFFFE0, v56  }
0x268: {  	v3 =	vor.u32 v3, v4  }
0x269: {  	v4 =	vperm.xlane v3, v0;
	_ =	sdelay $0x1  }
0x26a: {  	v4 =	vadd.s32 v1, v4;
	_ =	sdelay $0x1  }
0x26b: {  	v3 =	vperm.xlane v3, v2;
	_ =	sdelay $0x1  }
0x26c: {  	v3 =	vadd.s32 v1, v3  }
0x26d: {  	[tilespmem:s21], [sflag:$0x2] =	stream.indirect_vreg.gather [hbm4b:s2+s3], $0x80, v4, vm0, $0xb8;
	[tilespmem:$0x1EC00] =	vst v63  }
0x26e: {  	_ = 	snop  }
0x26f: {  	[tilespmem:s6], [sflag:$0x2] =	stream.indirect_vreg.gather [hbm4b:s4+s3], $0x80, v4, vm0, $0xb8;
	[tilespmem:$0x1EC00] =	vst v63  }
0x270: {  	_ = 	snop  }
0x271: {  	[tilespmem:s8], [sflag:$0x2] =	stream.indirect_vreg.gather [hbm4b:s2+s3], $0x80, v3, vm0, $0xb8;
	[tilespmem:$0x1EC00] =	vst v63  }
0x272: {  	s20 =	simm.s32 $0xE400  }
0x273: {  	[tilespmem:s20], [sflag:$0x2] =	stream.indirect_vreg.gather [hbm4b:s4+s3], $0x80, v3, vm0, $0xb8;
	[tilespmem:$0x1EC00] =	vst v63  }
0x274: {  	v3 =	vld [tilespmem:$0x3A0];
	_ =	sdelay $0x4  }
0x275: {  	v57 =	vshll.u32 v3, $0x2  }
0x276: {  	v3 =	vand.u32 $0x7, v3;
	v4 =	vand.u32 $0xFFFFFFE0, v57  }
0x277: {  	v3 =	vor.u32 v3, v4  }
0x278: {  	v4 =	vperm.xlane v3, v0;
	_ =	sdelay $0x1  }
0x279: {  	v4 =	vadd.s32 v1, v4;
	_ =	sdelay $0x1  }
0x27a: {  	v3 =	vperm.xlane v3, v2;
	_ =	sdelay $0x1  }
0x27b: {  	v3 =	vadd.s32 v1, v3  }
0x27c: {  	[tilespmem:s9], [sflag:$0x2] =	stream.indirect_vreg.gather [hbm4b:s2+s3], $0x80, v4, vm0, $0xb8;
	[tilespmem:$0x1EC00] =	vst v63  }
0x27d: {  	_ = 	snop  }
0x27e: {  	[tilespmem:s10], [sflag:$0x2] =	stream.indirect_vreg.gather [hbm4b:s4+s3], $0x80, v4, vm0, $0xb8;
	[tilespmem:$0x1EC00] =	vst v63  }
0x27f: {  	_ = 	snop  }
0x280: {  	[tilespmem:s11], [sflag:$0x2] =	stream.indirect_vreg.gather [hbm4b:s2+s3], $0x80, v3, vm0, $0xb8;
	[tilespmem:$0x1EC00] =	vst v63  }
0x281: {  	s21 =	simm.s32 $0x10400  }
0x282: {  	[tilespmem:s21], [sflag:$0x2] =	stream.indirect_vreg.gather [hbm4b:s4+s3], $0x80, v3, vm0, $0xb8;
	[tilespmem:$0x1EC00] =	vst v63  }
0x283: {  	v3 =	vld [tilespmem:$0x3B0];
	_ =	sdelay $0x4  }
0x284: {  	v58 =	vshll.u32 v3, $0x2  }
0x285: {  	v3 =	vand.u32 $0x7, v3;
	v4 =	vand.u32 $0xFFFFFFE0, v58  }
0x286: {  	v3 =	vor.u32 v3, v4  }
0x287: {  	v4 =	vperm.xlane v3, v0;
	_ =	sdelay $0x1  }
0x288: {  	v4 =	vadd.s32 v1, v4;
	_ =	sdelay $0x1  }
0x289: {  	v3 =	vperm.xlane v3, v2;
	_ =	sdelay $0x1  }
0x28a: {  	v3 =	vadd.s32 v1, v3  }
0x28b: {  	[tilespmem:s12], [sflag:$0x2] =	stream.indirect_vreg.gather [hbm4b:s2+s3], $0x80, v4, vm0, $0xb8;
	[tilespmem:$0x1EC00] =	vst v63  }
0x28c: {  	_ = 	snop  }
0x28d: {  	[tilespmem:s13], [sflag:$0x2] =	stream.indirect_vreg.gather [hbm4b:s4+s3], $0x80, v4, vm0, $0xb8;
	[tilespmem:$0x1EC00] =	vst v63  }
0x28e: {  	_ = 	snop  }
0x28f: {  	[tilespmem:s14], [sflag:$0x2] =	stream.indirect_vreg.gather [hbm4b:s2+s3], $0x80, v3, vm0, $0xb8;
	[tilespmem:$0x1EC00] =	vst v63  }
0x290: {  	s26 =	simm.s32 $0x12400  }
0x291: {  	[tilespmem:s26], [sflag:$0x2] =	stream.indirect_vreg.gather [hbm4b:s4+s3], $0x80, v3, vm0, $0xb8;
	[tilespmem:$0x1EC00] =	vst v63  }
0x292: {  	v3 =	vld [tilespmem:$0x3C0];
	_ =	sdelay $0x4  }
0x293: {  	v59 =	vshll.u32 v3, $0x2  }
0x294: {  	v3 =	vand.u32 $0x7, v3;
	v4 =	vand.u32 $0xFFFFFFE0, v59  }
0x295: {  	v3 =	vor.u32 v3, v4  }
0x296: {  	v4 =	vperm.xlane v3, v0;
	_ =	sdelay $0x1  }
0x297: {  	v4 =	vadd.s32 v1, v4;
	_ =	sdelay $0x1  }
0x298: {  	v3 =	vperm.xlane v3, v2;
	_ =	sdelay $0x1  }
0x299: {  	v3 =	vadd.s32 v1, v3  }
0x29a: {  	[tilespmem:s15], [sflag:$0x2] =	stream.indirect_vreg.gather [hbm4b:s2+s3], $0x80, v4, vm0, $0xb8;
	[tilespmem:$0x1EC00] =	vst v63  }
0x29b: {  	_ = 	snop  }
0x29c: {  	[tilespmem:s16], [sflag:$0x2] =	stream.indirect_vreg.gather [hbm4b:s4+s3], $0x80, v4, vm0, $0xb8;
	[tilespmem:$0x1EC00] =	vst v63  }
0x29d: {  	_ = 	snop  }
0x29e: {  	[tilespmem:s17], [sflag:$0x2] =	stream.indirect_vreg.gather [hbm4b:s2+s3], $0x80, v3, vm0, $0xb8;
	[tilespmem:$0x1EC00] =	vst v63  }
0x29f: {  	s17 =	simm.s32 $0x14400  }
0x2a0: {  	[tilespmem:s17], [sflag:$0x2] =	stream.indirect_vreg.gather [hbm4b:s4+s3], $0x80, v3, vm0, $0xb8;
	[tilespmem:$0x1EC00] =	vst v63  }
0x2a1: {  	_ =	swait.ge [sflag:s29], $0xA000  }
0x2a2: {  	[sflag:s29] =	ssyncset.done $0x0  }
0x2a3: {  	s6 =	simm.s32 $0x14C00;
	s5 =	rddreg [dreg:$0xa];
	[sflag:s29] =	ssyncadd.s32 $0xFFFF6000  }
0x2a4: {  	[hbm4b:s5+s3] =	stream.linear.scatter [tilespmem:s6], [sflag:$0x6], $0xA000, $0x38;
	[tilespmem:$0x1EC00] =	vst v63  }
0x2a5: {  	_ =	swait.ge [sflag:s1], $0xA000  }
0x2a6: {  	[sflag:s1] =	ssyncset.done $0x0  }
0x2a7: {  	[sflag:s1] =	ssyncadd.s32 $0xFFFF6000  }
0x2a8: {  	v3 =	vld [tilespmem:$0x400];
	_ =	sdelay $0x4  }
0x2a9: {  	v60 =	vshll.u32 v3, $0x2  }
0x2aa: {  	v3 =	vand.u32 $0x7, v3;
	v4 =	vand.u32 $0xFFFFFFE0, v60  }
0x2ab: {  	v3 =	vor.u32 v3, v4  }
0x2ac: {  	v4 =	vperm.xlane v3, v0;
	_ =	sdelay $0x1  }
0x2ad: {  	v4 =	vadd.s32 v1, v4;
	_ =	sdelay $0x1  }
0x2ae: {  	v3 =	vperm.xlane v3, v2;
	_ =	sdelay $0x1  }
0x2af: {  	v3 =	vadd.s32 v1, v3  }
0x2b0: {  	[tilespmem:s6], [sflag:$0x3] =	stream.indirect_vreg.gather [hbm4b:s2+s3], $0x80, v4, vm0, $0xb8;
	[tilespmem:$0x1EC00] =	vst v63  }
0x2b1: {  	_ = 	snop  }
0x2b2: {  	[tilespmem:s7], [sflag:$0x3] =	stream.indirect_vreg.gather [hbm4b:s4+s3], $0x80, v4, vm0, $0xb8;
	[tilespmem:$0x1EC00] =	vst v63  }
0x2b3: {  	s7 =	simm.s32 $0x15C00  }
0x2b4: {  	[tilespmem:s7], [sflag:$0x3] =	stream.indirect_vreg.gather [hbm4b:s2+s3], $0x80, v3, vm0, $0xb8;
	[tilespmem:$0x1EC00] =	vst v63  }
0x2b5: {  	s8 =	simm.s32 $0x16400  }
0x2b6: {  	[tilespmem:s8], [sflag:$0x3] =	stream.indirect_vreg.gather [hbm4b:s4+s3], $0x80, v3, vm0, $0xb8;
	[tilespmem:$0x1EC00] =	vst v63  }
0x2b7: {  	v3 =	vld [tilespmem:$0x410];
	_ =	sdelay $0x4  }
0x2b8: {  	v61 =	vshll.u32 v3, $0x2  }
0x2b9: {  	v3 =	vand.u32 $0x7, v3;
	v4 =	vand.u32 $0xFFFFFFE0, v61  }
0x2ba: {  	v3 =	vor.u32 v3, v4  }
0x2bb: {  	v4 =	vperm.xlane v3, v0;
	_ =	sdelay $0x1  }
0x2bc: {  	v4 =	vadd.s32 v1, v4;
	_ =	sdelay $0x1  }
0x2bd: {  	v3 =	vperm.xlane v3, v2;
	_ =	sdelay $0x1  }
0x2be: {  	s9 =	simm.s32 $0x16C00;
	v3 =	vadd.s32 v1, v3  }
0x2bf: {  	[tilespmem:s9], [sflag:$0x3] =	stream.indirect_vreg.gather [hbm4b:s2+s3], $0x80, v4, vm0, $0xb8;
	[tilespmem:$0x1EC00] =	vst v63  }
0x2c0: {  	s10 =	simm.s32 $0x17400  }
0x2c1: {  	[tilespmem:s10], [sflag:$0x3] =	stream.indirect_vreg.gather [hbm4b:s4+s3], $0x80, v4, vm0, $0xb8;
	[tilespmem:$0x1EC00] =	vst v63  }
0x2c2: {  	s16 =	simm.s32 $0x17C00  }
0x2c3: {  	[tilespmem:s16], [sflag:$0x3] =	stream.indirect_vreg.gather [hbm4b:s2+s3], $0x80, v3, vm0, $0xb8;
	[tilespmem:$0x1EC00] =	vst v63  }
0x2c4: {  	s30 =	simm.s32 $0x18400  }
0x2c5: {  	[tilespmem:s30], [sflag:$0x3] =	stream.indirect_vreg.gather [hbm4b:s4+s3], $0x80, v3, vm0, $0xb8;
	[tilespmem:$0x1EC00] =	vst v63  }
0x2c6: {  	v3 =	vld [tilespmem:$0x420];
	_ =	sdelay $0x4  }
0x2c7: {  	v62 =	vshll.u32 v3, $0x2  }
0x2c8: {  	v3 =	vand.u32 $0x7, v3;
	v4 =	vand.u32 $0xFFFFFFE0, v62  }
0x2c9: {  	v3 =	vor.u32 v3, v4  }
0x2ca: {  	v4 =	vperm.xlane v3, v0;
	_ =	sdelay $0x1  }
0x2cb: {  	v4 =	vadd.s32 v1, v4;
	_ =	sdelay $0x1  }
0x2cc: {  	v3 =	vperm.xlane v3, v2;
	_ =	sdelay $0x1  }
0x2cd: {  	s31 =	simm.s32 $0x18C00;
	v3 =	vadd.s32 v1, v3  }
0x2ce: {  	[tilespmem:s31], [sflag:$0x3] =	stream.indirect_vreg.gather [hbm4b:s2+s3], $0x80, v4, vm0, $0xb8;
	[tilespmem:$0x1EC00] =	vst v63  }
0x2cf: {  	s5 =	simm.s32 $0x19400  }
0x2d0: {  	[tilespmem:s5], [sflag:$0x3] =	stream.indirect_vreg.gather [hbm4b:s4+s3], $0x80, v4, vm0, $0xb8;
	[tilespmem:$0x1EC00] =	vst v63  }
0x2d1: {  	s6 =	simm.s32 $0x19C00  }
0x2d2: {  	[tilespmem:s6], [sflag:$0x3] =	stream.indirect_vreg.gather [hbm4b:s2+s3], $0x80, v3, vm0, $0xb8;
	[tilespmem:$0x1EC00] =	vst v63  }
0x2d3: {  	s7 =	simm.s32 $0x1A400  }
0x2d4: {  	[tilespmem:s7], [sflag:$0x3] =	stream.indirect_vreg.gather [hbm4b:s4+s3], $0x80, v3, vm0, $0xb8;
	[tilespmem:$0x1EC00] =	vst v63  }
0x2d5: {  	v3 =	vld [tilespmem:$0x430];
	_ =	sdelay $0x4  }
0x2d6: {  	v63 =	vshll.u32 v3, $0x2  }
0x2d7: {  	v3 =	vand.u32 $0x7, v3;
	v4 =	vand.u32 $0xFFFFFFE0, v63  }
0x2d8: {  	v3 =	vor.u32 v3, v4  }
0x2d9: {  	v4 =	vperm.xlane v3, v0;
	_ =	sdelay $0x1  }
0x2da: {  	v4 =	vadd.s32 v1, v4;
	_ =	sdelay $0x1  }
0x2db: {  	v3 =	vperm.xlane v3, v2;
	_ =	sdelay $0x1  }
0x2dc: {  	s8 =	simm.s32 $0x1AC00;
	v3 =	vadd.s32 v1, v3  }
0x2dd: {  	[tilespmem:s8], [sflag:$0x3] =	stream.indirect_vreg.gather [hbm4b:s2+s3], $0x80, v4, vm0, $0xb8;
	[tilespmem:$0x1EC00] =	vst v63  }
0x2de: {  	s9 =	simm.s32 $0x1B400  }
0x2df: {  	[tilespmem:s9], [sflag:$0x3] =	stream.indirect_vreg.gather [hbm4b:s4+s3], $0x80, v4, vm0, $0xb8;
	[tilespmem:$0x1EC00] =	vst v63  }
0x2e0: {  	s10 =	simm.s32 $0x1BC00  }
0x2e1: {  	[tilespmem:s10], [sflag:$0x3] =	stream.indirect_vreg.gather [hbm4b:s2+s3], $0x80, v3, vm0, $0xb8;
	[tilespmem:$0x1EC00] =	vst v63  }
0x2e2: {  	s30 =	simm.s32 $0x1C400  }
0x2e3: {  	[tilespmem:s30], [sflag:$0x3] =	stream.indirect_vreg.gather [hbm4b:s4+s3], $0x80, v3, vm0, $0xb8;
	[tilespmem:$0x1EC00] =	vst v63  }
0x2e4: {  	v3 =	vld [tilespmem:$0x440];
	_ =	sdelay $0x4  }
0x2e5: {  	v8 =	vshll.u32 v3, $0x2  }
0x2e6: {  	v3 =	vand.u32 $0x7, v3;
	v4 =	vand.u32 $0xFFFFFFE0, v8  }
0x2e7: {  	v3 =	vor.u32 v3, v4  }
0x2e8: {  	v4 =	vperm.xlane v3, v0;
	_ =	sdelay $0x1  }
0x2e9: {  	v4 =	vadd.s32 v1, v4;
	_ =	sdelay $0x1  }
0x2ea: {  	v3 =	vperm.xlane v3, v2;
	_ =	sdelay $0x1  }
0x2eb: {  	s5 =	simm.s32 $0x1CC00;
	v3 =	vadd.s32 v1, v3  }
0x2ec: {  	[tilespmem:s5], [sflag:$0x3] =	stream.indirect_vreg.gather [hbm4b:s2+s3], $0x80, v4, vm0, $0xb8;
	[tilespmem:$0x1EC00] =	vst v63  }
0x2ed: {  	s6 =	simm.s32 $0x1D400  }
0x2ee: {  	[tilespmem:s6], [sflag:$0x3] =	stream.indirect_vreg.gather [hbm4b:s4+s3], $0x80, v4, vm0, $0xb8;
	[tilespmem:$0x1EC00] =	vst v63  }
0x2ef: {  	s7 =	simm.s32 $0x1DC00  }
0x2f0: {  	[tilespmem:s7], [sflag:$0x3] =	stream.indirect_vreg.gather [hbm4b:s2+s3], $0x80, v3, vm0, $0xb8;
	[tilespmem:$0x1EC00] =	vst v63  }
0x2f1: {  	s8 =	simm.s32 $0x1E400  }
0x2f2: {  	[tilespmem:s8], [sflag:$0x3] =	stream.indirect_vreg.gather [hbm4b:s4+s3], $0x80, v3, vm0, $0xb8;
	[tilespmem:$0x1EC00] =	vst v63  }
0x2f3: {  	_ =	swait.ge [sflag:s22], $0xA000  }
0x2f4: {  	[sflag:s22] =	ssyncset.done $0x0  }
0x2f5: {  	s10 =	simm.s32 $0xC00;
	s9 =	rddreg [dreg:$0xb];
	[sflag:s22] =	ssyncadd.s32 $0xFFFF6000  }
0x2f6: {  	[hbm4b:s9+s3] =	stream.linear.scatter [tilespmem:s10], [sflag:$0x4], $0xA000, $0x38;
	[tilespmem:$0x1EC00] =	vst v63  }
0x2f7: {  	_ =	swait.ge [sflag:s23], $0xA000  }
0x2f8: {  	[sflag:s23] =	ssyncset.done $0x0  }
0x2f9: {  	[sflag:s23] =	ssyncadd.s32 $0xFFFF6000  }
0x2fa: {  	v3 =	vld [tilespmem:$0x480];
	_ =	sdelay $0x4  }
0x2fb: {  	v9 =	vshll.u32 v3, $0x2  }
0x2fc: {  	v3 =	vand.u32 $0x7, v3;
	v4 =	vand.u32 $0xFFFFFFE0, v9  }
0x2fd: {  	v3 =	vor.u32 v3, v4  }
0x2fe: {  	v4 =	vperm.xlane v3, v0;
	_ =	sdelay $0x1  }
0x2ff: {  	v4 =	vadd.s32 v1, v4;
	_ =	sdelay $0x1  }
0x300: {  	v3 =	vperm.xlane v3, v2;
	_ =	sdelay $0x1  }
0x301: {  	v3 =	vadd.s32 v1, v3  }
0x302: {  	[tilespmem:s10], [sflag:$0x1] =	stream.indirect_vreg.gather [hbm4b:s2+s3], $0x80, v4, vm0, $0xb8;
	[tilespmem:$0x1EC00] =	vst v63  }
0x303: {  	s30 =	simm.s32 $0x1400  }
0x304: {  	[tilespmem:s30], [sflag:$0x1] =	stream.indirect_vreg.gather [hbm4b:s4+s3], $0x80, v4, vm0, $0xb8;
	[tilespmem:$0x1EC00] =	vst v63  }
0x305: {  	s6 =	simm.s32 $0x1C00  }
0x306: {  	[tilespmem:s6], [sflag:$0x1] =	stream.indirect_vreg.gather [hbm4b:s2+s3], $0x80, v3, vm0, $0xb8;
	[tilespmem:$0x1EC00] =	vst v63  }
0x307: {  	s7 =	simm.s32 $0x2400  }
0x308: {  	[tilespmem:s7], [sflag:$0x1] =	stream.indirect_vreg.gather [hbm4b:s4+s3], $0x80, v3, vm0, $0xb8;
	[tilespmem:$0x1EC00] =	vst v63  }
0x309: {  	v3 =	vld [tilespmem:$0x490];
	_ =	sdelay $0x4  }
0x30a: {  	v10 =	vshll.u32 v3, $0x2  }
0x30b: {  	v3 =	vand.u32 $0x7, v3;
	v4 =	vand.u32 $0xFFFFFFE0, v10  }
0x30c: {  	v3 =	vor.u32 v3, v4  }
0x30d: {  	v4 =	vperm.xlane v3, v0;
	_ =	sdelay $0x1  }
0x30e: {  	v4 =	vadd.s32 v1, v4;
	_ =	sdelay $0x1  }
0x30f: {  	v3 =	vperm.xlane v3, v2;
	_ =	sdelay $0x1  }
0x310: {  	s8 =	simm.s32 $0x2C00;
	v3 =	vadd.s32 v1, v3  }
0x311: {  	[tilespmem:s8], [sflag:$0x1] =	stream.indirect_vreg.gather [hbm4b:s2+s3], $0x80, v4, vm0, $0xb8;
	[tilespmem:$0x1EC00] =	vst v63  }
0x312: {  	s9 =	simm.s32 $0x3400  }
0x313: {  	[tilespmem:s9], [sflag:$0x1] =	stream.indirect_vreg.gather [hbm4b:s4+s3], $0x80, v4, vm0, $0xb8;
	[tilespmem:$0x1EC00] =	vst v63  }
0x314: {  	s10 =	simm.s32 $0x3C00  }
0x315: {  	[tilespmem:s10], [sflag:$0x1] =	stream.indirect_vreg.gather [hbm4b:s2+s3], $0x80, v3, vm0, $0xb8;
	[tilespmem:$0x1EC00] =	vst v63  }
0x316: {  	s7 =	simm.s32 $0x4400  }
0x317: {  	[tilespmem:s7], [sflag:$0x1] =	stream.indirect_vreg.gather [hbm4b:s4+s3], $0x80, v3, vm0, $0xb8;
	[tilespmem:$0x1EC00] =	vst v63  }
0x318: {  	v3 =	vld [tilespmem:$0x4A0];
	_ =	sdelay $0x4  }
0x319: {  	v11 =	vshll.u32 v3, $0x2  }
0x31a: {  	v3 =	vand.u32 $0x7, v3;
	v4 =	vand.u32 $0xFFFFFFE0, v11  }
0x31b: {  	v3 =	vor.u32 v3, v4  }
0x31c: {  	v4 =	vperm.xlane v3, v0;
	_ =	sdelay $0x1  }
0x31d: {  	v4 =	vadd.s32 v1, v4;
	_ =	sdelay $0x1  }
0x31e: {  	v3 =	vperm.xlane v3, v2;
	_ =	sdelay $0x1  }
0x31f: {  	s30 =	simm.s32 $0x4C00;
	v3 =	vadd.s32 v1, v3  }
0x320: {  	[tilespmem:s30], [sflag:$0x1] =	stream.indirect_vreg.gather [hbm4b:s2+s3], $0x80, v4, vm0, $0xb8;
	[tilespmem:$0x1EC00] =	vst v63  }
0x321: {  	s6 =	simm.s32 $0x5400  }
0x322: {  	[tilespmem:s6], [sflag:$0x1] =	stream.indirect_vreg.gather [hbm4b:s4+s3], $0x80, v4, vm0, $0xb8;
	[tilespmem:$0x1EC00] =	vst v63  }
0x323: {  	s8 =	simm.s32 $0x5C00  }
0x324: {  	[tilespmem:s8], [sflag:$0x1] =	stream.indirect_vreg.gather [hbm4b:s2+s3], $0x80, v3, vm0, $0xb8;
	[tilespmem:$0x1EC00] =	vst v63  }
0x325: {  	s8 =	simm.s32 $0x6400  }
0x326: {  	[tilespmem:s8], [sflag:$0x1] =	stream.indirect_vreg.gather [hbm4b:s4+s3], $0x80, v3, vm0, $0xb8;
	[tilespmem:$0x1EC00] =	vst v63  }
0x327: {  	v3 =	vld [tilespmem:$0x4B0];
	_ =	sdelay $0x4  }
0x328: {  	v12 =	vshll.u32 v3, $0x2  }
0x329: {  	v3 =	vand.u32 $0x7, v3;
	v4 =	vand.u32 $0xFFFFFFE0, v12  }
0x32a: {  	v3 =	vor.u32 v3, v4  }
0x32b: {  	v4 =	vperm.xlane v3, v0;
	_ =	sdelay $0x1  }
0x32c: {  	v4 =	vadd.s32 v1, v4;
	_ =	sdelay $0x1  }
0x32d: {  	v3 =	vperm.xlane v3, v2;
	_ =	sdelay $0x1  }
0x32e: {  	v3 =	vadd.s32 v1, v3  }
0x32f: {  	[tilespmem:s28], [sflag:$0x1] =	stream.indirect_vreg.gather [hbm4b:s2+s3], $0x80, v4, vm0, $0xb8;
	[tilespmem:$0x1EC00] =	vst v63  }
0x330: {  	s9 =	simm.s32 $0x7400  }
0x331: {  	[tilespmem:s9], [sflag:$0x1] =	stream.indirect_vreg.gather [hbm4b:s4+s3], $0x80, v4, vm0, $0xb8;
	[tilespmem:$0x1EC00] =	vst v63  }
0x332: {  	s10 =	simm.s32 $0x7C00  }
0x333: {  	[tilespmem:s10], [sflag:$0x1] =	stream.indirect_vreg.gather [hbm4b:s2+s3], $0x80, v3, vm0, $0xb8;
	[tilespmem:$0x1EC00] =	vst v63  }
0x334: {  	s6 =	simm.s32 $0x8400  }
0x335: {  	[tilespmem:s6], [sflag:$0x1] =	stream.indirect_vreg.gather [hbm4b:s4+s3], $0x80, v3, vm0, $0xb8;
	[tilespmem:$0x1EC00] =	vst v63  }
0x336: {  	v3 =	vld [tilespmem:$0x4C0];
	_ =	sdelay $0x4  }
0x337: {  	v13 =	vshll.u32 v3, $0x2  }
0x338: {  	v3 =	vand.u32 $0x7, v3;
	v4 =	vand.u32 $0xFFFFFFE0, v13  }
0x339: {  	v3 =	vor.u32 v3, v4  }
0x33a: {  	v4 =	vperm.xlane v3, v0;
	_ =	sdelay $0x1  }
0x33b: {  	v4 =	vadd.s32 v1, v4;
	_ =	sdelay $0x1  }
0x33c: {  	v3 =	vperm.xlane v3, v2;
	_ =	sdelay $0x1  }
0x33d: {  	s9 =	simm.s32 $0x8C00;
	v3 =	vadd.s32 v1, v3  }
0x33e: {  	[tilespmem:s9], [sflag:$0x1] =	stream.indirect_vreg.gather [hbm4b:s2+s3], $0x80, v4, vm0, $0xb8;
	[tilespmem:$0x1EC00] =	vst v63  }
0x33f: {  	s28 =	simm.s32 $0x9400  }
0x340: {  	[tilespmem:s28], [sflag:$0x1] =	stream.indirect_vreg.gather [hbm4b:s4+s3], $0x80, v4, vm0, $0xb8;
	[tilespmem:$0x1EC00] =	vst v63  }
0x341: {  	s30 =	simm.s32 $0x9C00  }
0x342: {  	[tilespmem:s30], [sflag:$0x1] =	stream.indirect_vreg.gather [hbm4b:s2+s3], $0x80, v3, vm0, $0xb8;
	[tilespmem:$0x1EC00] =	vst v63  }
0x343: {  	s10 =	simm.s32 $0xA400  }
0x344: {  	[tilespmem:s10], [sflag:$0x1] =	stream.indirect_vreg.gather [hbm4b:s4+s3], $0x80, v3, vm0, $0xb8;
	[tilespmem:$0x1EC00] =	vst v63  }
0x345: {  	_ =	swait.ge [sflag:s24], $0xA000  }
0x346: {  	[sflag:s24] =	ssyncset.done $0x0  }
0x347: {  	s18 =	simm.s32 $0xAC00;
	s5 =	rddreg [dreg:$0xc];
	[sflag:s24] =	ssyncadd.s32 $0xFFFF6000  }
0x348: {  	[hbm4b:s5+s3] =	stream.linear.scatter [tilespmem:s18], [sflag:$0x5], $0xA000, $0x38;
	[tilespmem:$0x1EC00] =	vst v63  }
0x349: {  	_ =	swait.ge [sflag:s25], $0xA000  }
0x34a: {  	[sflag:s25] =	ssyncset.done $0x0  }
0x34b: {  	[sflag:s25] =	ssyncadd.s32 $0xFFFF6000  }
0x34c: {  	v3 =	vld [tilespmem:$0x500];
	_ =	sdelay $0x4  }
0x34d: {  	v14 =	vshll.u32 v3, $0x2  }
0x34e: {  	v3 =	vand.u32 $0x7, v3;
	v4 =	vand.u32 $0xFFFFFFE0, v14  }
0x34f: {  	v3 =	vor.u32 v3, v4  }
0x350: {  	v4 =	vperm.xlane v3, v0;
	_ =	sdelay $0x1  }
0x351: {  	v4 =	vadd.s32 v1, v4;
	_ =	sdelay $0x1  }
0x352: {  	v3 =	vperm.xlane v3, v2;
	_ =	sdelay $0x1  }
0x353: {  	v3 =	vadd.s32 v1, v3  }
0x354: {  	[tilespmem:s18], [sflag:$0x2] =	stream.indirect_vreg.gather [hbm4b:s2+s3], $0x80, v4, vm0, $0xb8;
	[tilespmem:$0x1EC00] =	vst v63  }
0x355: {  	s28 =	simm.s32 $0xB400  }
0x356: {  	[tilespmem:s28], [sflag:$0x2] =	stream.indirect_vreg.gather [hbm4b:s4+s3], $0x80, v4, vm0, $0xb8;
	[tilespmem:$0x1EC00] =	vst v63  }
0x357: {  	s30 =	simm.s32 $0xBC00  }
0x358: {  	[tilespmem:s30], [sflag:$0x2] =	stream.indirect_vreg.gather [hbm4b:s2+s3], $0x80, v3, vm0, $0xb8;
	[tilespmem:$0x1EC00] =	vst v63  }
0x359: {  	_ = 	snop  }
0x35a: {  	[tilespmem:s19], [sflag:$0x2] =	stream.indirect_vreg.gather [hbm4b:s4+s3], $0x80, v3, vm0, $0xb8;
	[tilespmem:$0x1EC00] =	vst v63  }
0x35b: {  	v3 =	vld [tilespmem:$0x510];
	_ =	sdelay $0x4  }
0x35c: {  	v15 =	vshll.u32 v3, $0x2  }
0x35d: {  	v3 =	vand.u32 $0x7, v3;
	v4 =	vand.u32 $0xFFFFFFE0, v15  }
0x35e: {  	v3 =	vor.u32 v3, v4  }
0x35f: {  	v4 =	vperm.xlane v3, v0;
	_ =	sdelay $0x1  }
0x360: {  	v4 =	vadd.s32 v1, v4;
	_ =	sdelay $0x1  }
0x361: {  	v3 =	vperm.xlane v3, v2;
	_ =	sdelay $0x1  }
0x362: {  	s18 =	simm.s32 $0xCC00;
	v3 =	vadd.s32 v1, v3  }
0x363: {  	[tilespmem:s18], [sflag:$0x2] =	stream.indirect_vreg.gather [hbm4b:s2+s3], $0x80, v4, vm0, $0xb8;
	[tilespmem:$0x1EC00] =	vst v63  }
0x364: {  	s19 =	simm.s32 $0xD400  }
0x365: {  	[tilespmem:s19], [sflag:$0x2] =	stream.indirect_vreg.gather [hbm4b:s4+s3], $0x80, v4, vm0, $0xb8;
	[tilespmem:$0x1EC00] =	vst v63  }
0x366: {  	s28 =	simm.s32 $0xDC00  }
0x367: {  	[tilespmem:s28], [sflag:$0x2] =	stream.indirect_vreg.gather [hbm4b:s2+s3], $0x80, v3, vm0, $0xb8;
	[tilespmem:$0x1EC00] =	vst v63  }
0x368: {  	_ = 	snop  }
0x369: {  	[tilespmem:s20], [sflag:$0x2] =	stream.indirect_vreg.gather [hbm4b:s4+s3], $0x80, v3, vm0, $0xb8;
	[tilespmem:$0x1EC00] =	vst v63  }
0x36a: {  	v3 =	vld [tilespmem:$0x520];
	_ =	sdelay $0x4  }
0x36b: {  	v16 =	vshll.u32 v3, $0x2  }
0x36c: {  	v3 =	vand.u32 $0x7, v3;
	v4 =	vand.u32 $0xFFFFFFE0, v16  }
0x36d: {  	v3 =	vor.u32 v3, v4  }
0x36e: {  	v4 =	vperm.xlane v3, v0;
	_ =	sdelay $0x1  }
0x36f: {  	v4 =	vadd.s32 v1, v4;
	_ =	sdelay $0x1  }
0x370: {  	v3 =	vperm.xlane v3, v2;
	_ =	sdelay $0x1  }
0x371: {  	s30 =	simm.s32 $0xEC00;
	v3 =	vadd.s32 v1, v3  }
0x372: {  	[tilespmem:s30], [sflag:$0x2] =	stream.indirect_vreg.gather [hbm4b:s2+s3], $0x80, v4, vm0, $0xb8;
	[tilespmem:$0x1EC00] =	vst v63  }
0x373: {  	s18 =	simm.s32 $0xF400  }
0x374: {  	[tilespmem:s18], [sflag:$0x2] =	stream.indirect_vreg.gather [hbm4b:s4+s3], $0x80, v4, vm0, $0xb8;
	[tilespmem:$0x1EC00] =	vst v63  }
0x375: {  	s19 =	simm.s32 $0xFC00  }
0x376: {  	[tilespmem:s19], [sflag:$0x2] =	stream.indirect_vreg.gather [hbm4b:s2+s3], $0x80, v3, vm0, $0xb8;
	[tilespmem:$0x1EC00] =	vst v63  }
0x377: {  	_ = 	snop  }
0x378: {  	[tilespmem:s21], [sflag:$0x2] =	stream.indirect_vreg.gather [hbm4b:s4+s3], $0x80, v3, vm0, $0xb8;
	[tilespmem:$0x1EC00] =	vst v63  }
0x379: {  	v3 =	vld [tilespmem:$0x530];
	_ =	sdelay $0x4  }
0x37a: {  	v17 =	vshll.u32 v3, $0x2  }
0x37b: {  	v3 =	vand.u32 $0x7, v3;
	v4 =	vand.u32 $0xFFFFFFE0, v17  }
0x37c: {  	v3 =	vor.u32 v3, v4  }
0x37d: {  	v4 =	vperm.xlane v3, v0;
	_ =	sdelay $0x1  }
0x37e: {  	v4 =	vadd.s32 v1, v4;
	_ =	sdelay $0x1  }
0x37f: {  	v3 =	vperm.xlane v3, v2;
	_ =	sdelay $0x1  }
0x380: {  	s20 =	simm.s32 $0x10C00;
	v3 =	vadd.s32 v1, v3  }
0x381: {  	[tilespmem:s20], [sflag:$0x2] =	stream.indirect_vreg.gather [hbm4b:s2+s3], $0x80, v4, vm0, $0xb8;
	[tilespmem:$0x1EC00] =	vst v63  }
0x382: {  	s11 =	simm.s32 $0x11400  }
0x383: {  	[tilespmem:s11], [sflag:$0x2] =	stream.indirect_vreg.gather [hbm4b:s4+s3], $0x80, v4, vm0, $0xb8;
	[tilespmem:$0x1EC00] =	vst v63  }
0x384: {  	s12 =	simm.s32 $0x11C00  }
0x385: {  	[tilespmem:s12], [sflag:$0x2] =	stream.indirect_vreg.gather [hbm4b:s2+s3], $0x80, v3, vm0, $0xb8;
	[tilespmem:$0x1EC00] =	vst v63  }
0x386: {  	_ = 	snop  }
0x387: {  	[tilespmem:s26], [sflag:$0x2] =	stream.indirect_vreg.gather [hbm4b:s4+s3], $0x80, v3, vm0, $0xb8;
	[tilespmem:$0x1EC00] =	vst v63  }
0x388: {  	v3 =	vld [tilespmem:$0x540];
	_ =	sdelay $0x4  }
0x389: {  	v18 =	vshll.u32 v3, $0x2  }
0x38a: {  	v3 =	vand.u32 $0x7, v3;
	v4 =	vand.u32 $0xFFFFFFE0, v18  }
0x38b: {  	v3 =	vor.u32 v3, v4  }
0x38c: {  	v4 =	vperm.xlane v3, v0;
	_ =	sdelay $0x1  }
0x38d: {  	v4 =	vadd.s32 v1, v4;
	_ =	sdelay $0x1  }
0x38e: {  	v3 =	vperm.xlane v3, v2;
	_ =	sdelay $0x1  }
0x38f: {  	s13 =	simm.s32 $0x12C00;
	v3 =	vadd.s32 v1, v3  }
0x390: {  	[tilespmem:s13], [sflag:$0x2] =	stream.indirect_vreg.gather [hbm4b:s2+s3], $0x80, v4, vm0, $0xb8;
	[tilespmem:$0x1EC00] =	vst v63  }
0x391: {  	s14 =	simm.s32 $0x13400  }
0x392: {  	[tilespmem:s14], [sflag:$0x2] =	stream.indirect_vreg.gather [hbm4b:s4+s3], $0x80, v4, vm0, $0xb8;
	[tilespmem:$0x1EC00] =	vst v63  }
0x393: {  	s21 =	simm.s32 $0x13C00  }
0x394: {  	[tilespmem:s21], [sflag:$0x2] =	stream.indirect_vreg.gather [hbm4b:s2+s3], $0x80, v3, vm0, $0xb8;
	[tilespmem:$0x1EC00] =	vst v63  }
0x395: {  	_ = 	snop  }
0x396: {  	[tilespmem:s17], [sflag:$0x2] =	stream.indirect_vreg.gather [hbm4b:s4+s3], $0x80, v3, vm0, $0xb8;
	[tilespmem:$0x1EC00] =	vst v63  }
0x397: {  	_ =	swait.ge [sflag:s29], $0xA000  }
0x398: {  	[sflag:s29] =	ssyncset.done $0x0  }
0x399: {  	s28 =	simm.s32 $0x14C00;
	s26 =	rddreg [dreg:$0xd];
	[sflag:s29] =	ssyncadd.s32 $0xFFFF6000  }
0x39a: {  	[hbm4b:s26+s3] =	stream.linear.scatter [tilespmem:s28], [sflag:$0x6], $0xA000, $0x38;
	[tilespmem:$0x1EC00] =	vst v63  }
0x39b: {  	_ =	swait.ge [sflag:s1], $0xA000  }
0x39c: {  	[sflag:s1] =	ssyncset.done $0x0  }
0x39d: {  	[sflag:s1] =	ssyncadd.s32 $0xFFFF6000  }
0x39e: {  	v3 =	vld [tilespmem:$0x580];
	_ =	sdelay $0x4  }
0x39f: {  	v19 =	vshll.u32 v3, $0x2  }
0x3a0: {  	v3 =	vand.u32 $0x7, v3;
	v4 =	vand.u32 $0xFFFFFFE0, v19  }
0x3a1: {  	v3 =	vor.u32 v3, v4  }
0x3a2: {  	v4 =	vperm.xlane v3, v0;
	_ =	sdelay $0x1  }
0x3a3: {  	v4 =	vadd.s32 v1, v4;
	_ =	sdelay $0x1  }
0x3a4: {  	v3 =	vperm.xlane v3, v2;
	_ =	sdelay $0x1  }
0x3a5: {  	v3 =	vadd.s32 v1, v3  }
0x3a6: {  	[tilespmem:s28], [sflag:$0x3] =	stream.indirect_vreg.gather [hbm4b:s2+s3], $0x80, v4, vm0, $0xb8;
	[tilespmem:$0x1EC00] =	vst v63  }
0x3a7: {  	s17 =	simm.s32 $0x15400  }
0x3a8: {  	[tilespmem:s17], [sflag:$0x3] =	stream.indirect_vreg.gather [hbm4b:s4+s3], $0x80, v4, vm0, $0xb8;
	[tilespmem:$0x1EC00] =	vst v63  }
0x3a9: {  	s11 =	simm.s32 $0x15C00  }
0x3aa: {  	[tilespmem:s11], [sflag:$0x3] =	stream.indirect_vreg.gather [hbm4b:s2+s3], $0x80, v3, vm0, $0xb8;
	[tilespmem:$0x1EC00] =	vst v63  }
0x3ab: {  	s15 =	simm.s32 $0x16400  }
0x3ac: {  	[tilespmem:s15], [sflag:$0x3] =	stream.indirect_vreg.gather [hbm4b:s4+s3], $0x80, v3, vm0, $0xb8;
	[tilespmem:$0x1EC00] =	vst v63  }
0x3ad: {  	v3 =	vld [tilespmem:$0x590];
	_ =	sdelay $0x4  }
0x3ae: {  	v20 =	vshll.u32 v3, $0x2  }
0x3af: {  	v3 =	vand.u32 $0x7, v3;
	v4 =	vand.u32 $0xFFFFFFE0, v20  }
0x3b0: {  	v3 =	vor.u32 v3, v4  }
0x3b1: {  	v4 =	vperm.xlane v3, v0;
	_ =	sdelay $0x1  }
0x3b2: {  	v4 =	vadd.s32 v1, v4;
	_ =	sdelay $0x1  }
0x3b3: {  	v3 =	vperm.xlane v3, v2;
	_ =	sdelay $0x1  }
0x3b4: {  	s12 =	simm.s32 $0x16C00;
	v3 =	vadd.s32 v1, v3  }
0x3b5: {  	[tilespmem:s12], [sflag:$0x3] =	stream.indirect_vreg.gather [hbm4b:s2+s3], $0x80, v4, vm0, $0xb8;
	[tilespmem:$0x1EC00] =	vst v63  }
0x3b6: {  	s13 =	simm.s32 $0x17400  }
0x3b7: {  	[tilespmem:s13], [sflag:$0x3] =	stream.indirect_vreg.gather [hbm4b:s4+s3], $0x80, v4, vm0, $0xb8;
	[tilespmem:$0x1EC00] =	vst v63  }
0x3b8: {  	s14 =	simm.s32 $0x17C00  }
0x3b9: {  	[tilespmem:s14], [sflag:$0x3] =	stream.indirect_vreg.gather [hbm4b:s2+s3], $0x80, v3, vm0, $0xb8;
	[tilespmem:$0x1EC00] =	vst v63  }
0x3ba: {  	s16 =	simm.s32 $0x18400  }
0x3bb: {  	[tilespmem:s16], [sflag:$0x3] =	stream.indirect_vreg.gather [hbm4b:s4+s3], $0x80, v3, vm0, $0xb8;
	[tilespmem:$0x1EC00] =	vst v63  }
0x3bc: {  	v3 =	vld [tilespmem:$0x5A0];
	_ =	sdelay $0x4  }
0x3bd: {  	v21 =	vshll.u32 v3, $0x2  }
0x3be: {  	v3 =	vand.u32 $0x7, v3;
	v4 =	vand.u32 $0xFFFFFFE0, v21  }
0x3bf: {  	v3 =	vor.u32 v3, v4  }
0x3c0: {  	v4 =	vperm.xlane v3, v0;
	_ =	sdelay $0x1  }
0x3c1: {  	v4 =	vadd.s32 v1, v4;
	_ =	sdelay $0x1  }
0x3c2: {  	v3 =	vperm.xlane v3, v2;
	_ =	sdelay $0x1  }
0x3c3: {  	s15 =	simm.s32 $0x18C00;
	v3 =	vadd.s32 v1, v3  }
0x3c4: {  	[tilespmem:s15], [sflag:$0x3] =	stream.indirect_vreg.gather [hbm4b:s2+s3], $0x80, v4, vm0, $0xb8;
	[tilespmem:$0x1EC00] =	vst v63  }
0x3c5: {  	s16 =	simm.s32 $0x19400  }
0x3c6: {  	[tilespmem:s16], [sflag:$0x3] =	stream.indirect_vreg.gather [hbm4b:s4+s3], $0x80, v4, vm0, $0xb8;
	[tilespmem:$0x1EC00] =	vst v63  }
0x3c7: {  	s18 =	simm.s32 $0x19C00  }
0x3c8: {  	[tilespmem:s18], [sflag:$0x3] =	stream.indirect_vreg.gather [hbm4b:s2+s3], $0x80, v3, vm0, $0xb8;
	[tilespmem:$0x1EC00] =	vst v63  }
0x3c9: {  	s31 =	simm.s32 $0x1A400  }
0x3ca: {  	[tilespmem:s31], [sflag:$0x3] =	stream.indirect_vreg.gather [hbm4b:s4+s3], $0x80, v3, vm0, $0xb8;
	[tilespmem:$0x1EC00] =	vst v63  }
0x3cb: {  	v3 =	vld [tilespmem:$0x5B0];
	_ =	sdelay $0x4  }
0x3cc: {  	v22 =	vshll.u32 v3, $0x2  }
0x3cd: {  	v3 =	vand.u32 $0x7, v3;
	v4 =	vand.u32 $0xFFFFFFE0, v22  }
0x3ce: {  	v3 =	vor.u32 v3, v4  }
0x3cf: {  	v4 =	vperm.xlane v3, v0;
	_ =	sdelay $0x1  }
0x3d0: {  	v4 =	vadd.s32 v1, v4;
	_ =	sdelay $0x1  }
0x3d1: {  	v3 =	vperm.xlane v3, v2;
	_ =	sdelay $0x1  }
0x3d2: {  	s19 =	simm.s32 $0x1AC00;
	v3 =	vadd.s32 v1, v3  }
0x3d3: {  	[tilespmem:s19], [sflag:$0x3] =	stream.indirect_vreg.gather [hbm4b:s2+s3], $0x80, v4, vm0, $0xb8;
	[tilespmem:$0x1EC00] =	vst v63  }
0x3d4: {  	s20 =	simm.s32 $0x1B400  }
0x3d5: {  	[tilespmem:s20], [sflag:$0x3] =	stream.indirect_vreg.gather [hbm4b:s4+s3], $0x80, v4, vm0, $0xb8;
	[tilespmem:$0x1EC00] =	vst v63  }
0x3d6: {  	s21 =	simm.s32 $0x1BC00  }
0x3d7: {  	[tilespmem:s21], [sflag:$0x3] =	stream.indirect_vreg.gather [hbm4b:s2+s3], $0x80, v3, vm0, $0xb8;
	[tilespmem:$0x1EC00] =	vst v63  }
0x3d8: {  	s31 =	simm.s32 $0x1C400  }
0x3d9: {  	[tilespmem:s31], [sflag:$0x3] =	stream.indirect_vreg.gather [hbm4b:s4+s3], $0x80, v3, vm0, $0xb8;
	[tilespmem:$0x1EC00] =	vst v63  }
0x3da: {  	v3 =	vld [tilespmem:$0x5C0];
	_ =	sdelay $0x4  }
0x3db: {  	v23 =	vshll.u32 v3, $0x2  }
0x3dc: {  	v3 =	vand.u32 $0x7, v3;
	v4 =	vand.u32 $0xFFFFFFE0, v23  }
0x3dd: {  	v3 =	vor.u32 v3, v4  }
0x3de: {  	v4 =	vperm.xlane v3, v0;
	_ =	sdelay $0x1  }
0x3df: {  	v4 =	vadd.s32 v1, v4;
	_ =	sdelay $0x1  }
0x3e0: {  	v3 =	vperm.xlane v3, v2;
	_ =	sdelay $0x1  }
0x3e1: {  	s26 =	simm.s32 $0x1CC00;
	v3 =	vadd.s32 v1, v3  }
0x3e2: {  	[tilespmem:s26], [sflag:$0x3] =	stream.indirect_vreg.gather [hbm4b:s2+s3], $0x80, v4, vm0, $0xb8;
	[tilespmem:$0x1EC00] =	vst v63  }
0x3e3: {  	s28 =	simm.s32 $0x1D400  }
0x3e4: {  	[tilespmem:s28], [sflag:$0x3] =	stream.indirect_vreg.gather [hbm4b:s4+s3], $0x80, v4, vm0, $0xb8;
	[tilespmem:$0x1EC00] =	vst v63  }
0x3e5: {  	s31 =	simm.s32 $0x1DC00  }
0x3e6: {  	[tilespmem:s31], [sflag:$0x3] =	stream.indirect_vreg.gather [hbm4b:s2+s3], $0x80, v3, vm0, $0xb8;
	[tilespmem:$0x1EC00] =	vst v63  }
0x3e7: {  	s30 =	simm.s32 $0x1E400  }
0x3e8: {  	[tilespmem:s30], [sflag:$0x3] =	stream.indirect_vreg.gather [hbm4b:s4+s3], $0x80, v3, vm0, $0xb8;
	[tilespmem:$0x1EC00] =	vst v63  }
0x3e9: {  	_ =	swait.ge [sflag:s22], $0xA000  }
0x3ea: {  	[sflag:s22] =	ssyncset.done $0x0  }
0x3eb: {  	s0 =	simm.s32 $0xC00;
	s30 =	rddreg [dreg:$0xe];
	[sflag:s22] =	ssyncadd.s32 $0xFFFF6000  }
0x3ec: {  	[hbm4b:s30+s3] =	stream.linear.scatter [tilespmem:s0], [sflag:$0x4], $0xA000, $0x38;
	[tilespmem:$0x1EC00] =	vst v63  }
0x3ed: {  	_ =	swait.ge [sflag:s23], $0xA000  }
0x3ee: {  	[sflag:s23] =	ssyncset.done $0x0  }
0x3ef: {  	[sflag:s23] =	ssyncadd.s32 $0xFFFF6000  }
0x3f0: {  	v3 =	vld [tilespmem:$0x600];
	_ =	sdelay $0x4  }
0x3f1: {  	v24 =	vshll.u32 v3, $0x2  }
0x3f2: {  	v3 =	vand.u32 $0x7, v3;
	v4 =	vand.u32 $0xFFFFFFE0, v24  }
0x3f3: {  	v3 =	vor.u32 v3, v4  }
0x3f4: {  	v4 =	vperm.xlane v3, v0;
	_ =	sdelay $0x1  }
0x3f5: {  	v4 =	vadd.s32 v1, v4;
	_ =	sdelay $0x1  }
0x3f6: {  	v3 =	vperm.xlane v3, v2;
	_ =	sdelay $0x1  }
0x3f7: {  	v3 =	vadd.s32 v1, v3  }
0x3f8: {  	[tilespmem:s0], [sflag:$0x1] =	stream.indirect_vreg.gather [hbm4b:s2+s3], $0x80, v4, vm0, $0xb8;
	[tilespmem:$0x1EC00] =	vst v63  }
0x3f9: {  	s0 =	simm.s32 $0x1400  }
0x3fa: {  	[tilespmem:s0], [sflag:$0x1] =	stream.indirect_vreg.gather [hbm4b:s4+s3], $0x80, v4, vm0, $0xb8;
	[tilespmem:$0x1EC00] =	vst v63  }
0x3fb: {  	s0 =	simm.s32 $0x1C00  }
0x3fc: {  	[tilespmem:s0], [sflag:$0x1] =	stream.indirect_vreg.gather [hbm4b:s2+s3], $0x80, v3, vm0, $0xb8;
	[tilespmem:$0x1EC00] =	vst v63  }
0x3fd: {  	s0 =	simm.s32 $0x2400  }
0x3fe: {  	[tilespmem:s0], [sflag:$0x1] =	stream.indirect_vreg.gather [hbm4b:s4+s3], $0x80, v3, vm0, $0xb8;
	[tilespmem:$0x1EC00] =	vst v63  }
0x3ff: {  	v3 =	vld [tilespmem:$0x610];
	_ =	sdelay $0x4  }
0x400: {  	v25 =	vshll.u32 v3, $0x2  }
0x401: {  	v3 =	vand.u32 $0x7, v3;
	v4 =	vand.u32 $0xFFFFFFE0, v25  }
0x402: {  	v3 =	vor.u32 v3, v4  }
0x403: {  	v4 =	vperm.xlane v3, v0;
	_ =	sdelay $0x1  }
0x404: {  	v4 =	vadd.s32 v1, v4;
	_ =	sdelay $0x1  }
0x405: {  	v3 =	vperm.xlane v3, v2;
	_ =	sdelay $0x1  }
0x406: {  	s0 =	simm.s32 $0x2C00;
	v3 =	vadd.s32 v1, v3  }
0x407: {  	[tilespmem:s0], [sflag:$0x1] =	stream.indirect_vreg.gather [hbm4b:s2+s3], $0x80, v4, vm0, $0xb8;
	[tilespmem:$0x1EC00] =	vst v63  }
0x408: {  	s0 =	simm.s32 $0x3400  }
0x409: {  	[tilespmem:s0], [sflag:$0x1] =	stream.indirect_vreg.gather [hbm4b:s4+s3], $0x80, v4, vm0, $0xb8;
	[tilespmem:$0x1EC00] =	vst v63  }
0x40a: {  	s0 =	simm.s32 $0x3C00  }
0x40b: {  	[tilespmem:s0], [sflag:$0x1] =	stream.indirect_vreg.gather [hbm4b:s2+s3], $0x80, v3, vm0, $0xb8;
	[tilespmem:$0x1EC00] =	vst v63  }
0x40c: {  	_ = 	snop  }
0x40d: {  	[tilespmem:s7], [sflag:$0x1] =	stream.indirect_vreg.gather [hbm4b:s4+s3], $0x80, v3, vm0, $0xb8;
	[tilespmem:$0x1EC00] =	vst v63  }
0x40e: {  	v3 =	vld [tilespmem:$0x620];
	_ =	sdelay $0x4  }
0x40f: {  	v26 =	vshll.u32 v3, $0x2  }
0x410: {  	v3 =	vand.u32 $0x7, v3;
	v4 =	vand.u32 $0xFFFFFFE0, v26  }
0x411: {  	v3 =	vor.u32 v3, v4  }
0x412: {  	v4 =	vperm.xlane v3, v0;
	_ =	sdelay $0x1  }
0x413: {  	v4 =	vadd.s32 v1, v4;
	_ =	sdelay $0x1  }
0x414: {  	v3 =	vperm.xlane v3, v2;
	_ =	sdelay $0x1  }
0x415: {  	s7 =	simm.s32 $0x4C00;
	v3 =	vadd.s32 v1, v3  }
0x416: {  	[tilespmem:s7], [sflag:$0x1] =	stream.indirect_vreg.gather [hbm4b:s2+s3], $0x80, v4, vm0, $0xb8;
	[tilespmem:$0x1EC00] =	vst v63  }
0x417: {  	s30 =	simm.s32 $0x5400  }
0x418: {  	[tilespmem:s30], [sflag:$0x1] =	stream.indirect_vreg.gather [hbm4b:s4+s3], $0x80, v4, vm0, $0xb8;
	[tilespmem:$0x1EC00] =	vst v63  }
0x419: {  	s7 =	simm.s32 $0x5C00  }
0x41a: {  	[tilespmem:s7], [sflag:$0x1] =	stream.indirect_vreg.gather [hbm4b:s2+s3], $0x80, v3, vm0, $0xb8;
	[tilespmem:$0x1EC00] =	vst v63  }
0x41b: {  	_ = 	snop  }
0x41c: {  	[tilespmem:s8], [sflag:$0x1] =	stream.indirect_vreg.gather [hbm4b:s4+s3], $0x80, v3, vm0, $0xb8;
	[tilespmem:$0x1EC00] =	vst v63  }
0x41d: {  	v3 =	vld [tilespmem:$0x630];
	_ =	sdelay $0x4  }
0x41e: {  	v27 =	vshll.u32 v3, $0x2  }
0x41f: {  	v3 =	vand.u32 $0x7, v3;
	v4 =	vand.u32 $0xFFFFFFE0, v27  }
0x420: {  	v3 =	vor.u32 v3, v4  }
0x421: {  	v4 =	vperm.xlane v3, v0;
	_ =	sdelay $0x1  }
0x422: {  	v4 =	vadd.s32 v1, v4;
	_ =	sdelay $0x1  }
0x423: {  	v3 =	vperm.xlane v3, v2;
	_ =	sdelay $0x1  }
0x424: {  	s30 =	simm.s32 $0x6C00;
	v3 =	vadd.s32 v1, v3  }
0x425: {  	[tilespmem:s30], [sflag:$0x1] =	stream.indirect_vreg.gather [hbm4b:s2+s3], $0x80, v4, vm0, $0xb8;
	[tilespmem:$0x1EC00] =	vst v63  }
0x426: {  	s7 =	simm.s32 $0x7400  }
0x427: {  	[tilespmem:s7], [sflag:$0x1] =	stream.indirect_vreg.gather [hbm4b:s4+s3], $0x80, v4, vm0, $0xb8;
	[tilespmem:$0x1EC00] =	vst v63  }
0x428: {  	s8 =	simm.s32 $0x7C00  }
0x429: {  	[tilespmem:s8], [sflag:$0x1] =	stream.indirect_vreg.gather [hbm4b:s2+s3], $0x80, v3, vm0, $0xb8;
	[tilespmem:$0x1EC00] =	vst v63  }
0x42a: {  	_ = 	snop  }
0x42b: {  	[tilespmem:s6], [sflag:$0x1] =	stream.indirect_vreg.gather [hbm4b:s4+s3], $0x80, v3, vm0, $0xb8;
	[tilespmem:$0x1EC00] =	vst v63  }
0x42c: {  	v3 =	vld [tilespmem:$0x640];
	_ =	sdelay $0x4  }
0x42d: {  	v28 =	vshll.u32 v3, $0x2  }
0x42e: {  	v3 =	vand.u32 $0x7, v3;
	v4 =	vand.u32 $0xFFFFFFE0, v28  }
0x42f: {  	v3 =	vor.u32 v3, v4  }
0x430: {  	v4 =	vperm.xlane v3, v0;
	_ =	sdelay $0x1  }
0x431: {  	v4 =	vadd.s32 v1, v4;
	_ =	sdelay $0x1  }
0x432: {  	v3 =	vperm.xlane v3, v2;
	_ =	sdelay $0x1  }
0x433: {  	v3 =	vadd.s32 v1, v3  }
0x434: {  	[tilespmem:s9], [sflag:$0x1] =	stream.indirect_vreg.gather [hbm4b:s2+s3], $0x80, v4, vm0, $0xb8;
	[tilespmem:$0x1EC00] =	vst v63  }
0x435: {  	s9 =	simm.s32 $0x9400  }
0x436: {  	[tilespmem:s9], [sflag:$0x1] =	stream.indirect_vreg.gather [hbm4b:s4+s3], $0x80, v4, vm0, $0xb8;
	[tilespmem:$0x1EC00] =	vst v63  }
0x437: {  	s30 =	simm.s32 $0x9C00  }
0x438: {  	[tilespmem:s30], [sflag:$0x1] =	stream.indirect_vreg.gather [hbm4b:s2+s3], $0x80, v3, vm0, $0xb8;
	[tilespmem:$0x1EC00] =	vst v63  }
0x439: {  	_ = 	snop  }
0x43a: {  	[tilespmem:s10], [sflag:$0x1] =	stream.indirect_vreg.gather [hbm4b:s4+s3], $0x80, v3, vm0, $0xb8;
	[tilespmem:$0x1EC00] =	vst v63  }
0x43b: {  	_ =	swait.ge [sflag:s24], $0xA000  }
0x43c: {  	[sflag:s24] =	ssyncset.done $0x0  }
0x43d: {  	s6 =	simm.s32 $0xAC00;
	s0 =	rddreg [dreg:$0xf];
	[sflag:s24] =	ssyncadd.s32 $0xFFFF6000  }
0x43e: {  	[hbm4b:s0+s3] =	stream.linear.scatter [tilespmem:s6], [sflag:$0x5], $0xA000, $0x38;
	[tilespmem:$0x1EC00] =	vst v63  }
0x43f: {  	_ =	swait.ge [sflag:s25], $0xA000  }
0x440: {  	[sflag:s25] =	ssyncset.done $0x0  }
0x441: {  	[sflag:s25] =	ssyncadd.s32 $0xFFFF6000  }
0x442: {  	v3 =	vld [tilespmem:$0x680];
	_ =	sdelay $0x4  }
0x443: {  	v29 =	vshll.u32 v3, $0x2  }
0x444: {  	v3 =	vand.u32 $0x7, v3;
	v4 =	vand.u32 $0xFFFFFFE0, v29  }
0x445: {  	v3 =	vor.u32 v3, v4  }
0x446: {  	v4 =	vperm.xlane v3, v0;
	_ =	sdelay $0x1  }
0x447: {  	v4 =	vadd.s32 v1, v4;
	_ =	sdelay $0x1  }
0x448: {  	v3 =	vperm.xlane v3, v2;
	_ =	sdelay $0x1  }
0x449: {  	v3 =	vadd.s32 v1, v3  }
0x44a: {  	[tilespmem:s6], [sflag:$0x2] =	stream.indirect_vreg.gather [hbm4b:s2+s3], $0x80, v4, vm0, $0xb8;
	[tilespmem:$0x1EC00] =	vst v63  }
0x44b: {  	s9 =	simm.s32 $0xB400  }
0x44c: {  	[tilespmem:s9], [sflag:$0x2] =	stream.indirect_vreg.gather [hbm4b:s4+s3], $0x80, v4, vm0, $0xb8;
	[tilespmem:$0x1EC00] =	vst v63  }
0x44d: {  	s7 =	simm.s32 $0xBC00  }
0x44e: {  	[tilespmem:s7], [sflag:$0x2] =	stream.indirect_vreg.gather [hbm4b:s2+s3], $0x80, v3, vm0, $0xb8;
	[tilespmem:$0x1EC00] =	vst v63  }
0x44f: {  	s8 =	simm.s32 $0xC400  }
0x450: {  	[tilespmem:s8], [sflag:$0x2] =	stream.indirect_vreg.gather [hbm4b:s4+s3], $0x80, v3, vm0, $0xb8;
	[tilespmem:$0x1EC00] =	vst v63  }
0x451: {  	v3 =	vld [tilespmem:$0x690];
	_ =	sdelay $0x4  }
0x452: {  	v30 =	vshll.u32 v3, $0x2  }
0x453: {  	v3 =	vand.u32 $0x7, v3;
	v4 =	vand.u32 $0xFFFFFFE0, v30  }
0x454: {  	v3 =	vor.u32 v3, v4  }
0x455: {  	v4 =	vperm.xlane v3, v0;
	_ =	sdelay $0x1  }
0x456: {  	v4 =	vadd.s32 v1, v4;
	_ =	sdelay $0x1  }
0x457: {  	v3 =	vperm.xlane v3, v2;
	_ =	sdelay $0x1  }
0x458: {  	s10 =	simm.s32 $0xCC00;
	v3 =	vadd.s32 v1, v3  }
0x459: {  	[tilespmem:s10], [sflag:$0x2] =	stream.indirect_vreg.gather [hbm4b:s2+s3], $0x80, v4, vm0, $0xb8;
	[tilespmem:$0x1EC00] =	vst v63  }
0x45a: {  	s30 =	simm.s32 $0xD400  }
0x45b: {  	[tilespmem:s30], [sflag:$0x2] =	stream.indirect_vreg.gather [hbm4b:s4+s3], $0x80, v4, vm0, $0xb8;
	[tilespmem:$0x1EC00] =	vst v63  }
0x45c: {  	s7 =	simm.s32 $0xDC00  }
0x45d: {  	[tilespmem:s7], [sflag:$0x2] =	stream.indirect_vreg.gather [hbm4b:s2+s3], $0x80, v3, vm0, $0xb8;
	[tilespmem:$0x1EC00] =	vst v63  }
0x45e: {  	s10 =	simm.s32 $0xE400  }
0x45f: {  	[tilespmem:s10], [sflag:$0x2] =	stream.indirect_vreg.gather [hbm4b:s4+s3], $0x80, v3, vm0, $0xb8;
	[tilespmem:$0x1EC00] =	vst v63  }
0x460: {  	v3 =	vld [tilespmem:$0x6A0];
	_ =	sdelay $0x4  }
0x461: {  	v31 =	vshll.u32 v3, $0x2  }
0x462: {  	v3 =	vand.u32 $0x7, v3;
	v4 =	vand.u32 $0xFFFFFFE0, v31  }
0x463: {  	v3 =	vor.u32 v3, v4  }
0x464: {  	v4 =	vperm.xlane v3, v0;
	_ =	sdelay $0x1  }
0x465: {  	v4 =	vadd.s32 v1, v4;
	_ =	sdelay $0x1  }
0x466: {  	v3 =	vperm.xlane v3, v2;
	_ =	sdelay $0x1  }
0x467: {  	s8 =	simm.s32 $0xEC00;
	v3 =	vadd.s32 v1, v3  }
0x468: {  	[tilespmem:s8], [sflag:$0x2] =	stream.indirect_vreg.gather [hbm4b:s2+s3], $0x80, v4, vm0, $0xb8;
	[tilespmem:$0x1EC00] =	vst v63  }
0x469: {  	s30 =	simm.s32 $0xF400  }
0x46a: {  	[tilespmem:s30], [sflag:$0x2] =	stream.indirect_vreg.gather [hbm4b:s4+s3], $0x80, v4, vm0, $0xb8;
	[tilespmem:$0x1EC00] =	vst v63  }
0x46b: {  	s7 =	simm.s32 $0xFC00  }
0x46c: {  	[tilespmem:s7], [sflag:$0x2] =	stream.indirect_vreg.gather [hbm4b:s2+s3], $0x80, v3, vm0, $0xb8;
	[tilespmem:$0x1EC00] =	vst v63  }
0x46d: {  	s6 =	simm.s32 $0x10400  }
0x46e: {  	[tilespmem:s6], [sflag:$0x2] =	stream.indirect_vreg.gather [hbm4b:s4+s3], $0x80, v3, vm0, $0xb8;
	[tilespmem:$0x1EC00] =	vst v63  }
0x46f: {  	v3 =	vld [tilespmem:$0x6B0];
	_ =	sdelay $0x4  }
0x470: {  	v32 =	vshll.u32 v3, $0x2  }
0x471: {  	v3 =	vand.u32 $0x7, v3;
	v4 =	vand.u32 $0xFFFFFFE0, v32  }
0x472: {  	v3 =	vor.u32 v3, v4  }
0x473: {  	v4 =	vperm.xlane v3, v0;
	_ =	sdelay $0x1  }
0x474: {  	v4 =	vadd.s32 v1, v4;
	_ =	sdelay $0x1  }
0x475: {  	v3 =	vperm.xlane v3, v2;
	_ =	sdelay $0x1  }
0x476: {  	s8 =	simm.s32 $0x10C00;
	v3 =	vadd.s32 v1, v3  }
0x477: {  	[tilespmem:s8], [sflag:$0x2] =	stream.indirect_vreg.gather [hbm4b:s2+s3], $0x80, v4, vm0, $0xb8;
	[tilespmem:$0x1EC00] =	vst v63  }
0x478: {  	s30 =	simm.s32 $0x11400  }
0x479: {  	[tilespmem:s30], [sflag:$0x2] =	stream.indirect_vreg.gather [hbm4b:s4+s3], $0x80, v4, vm0, $0xb8;
	[tilespmem:$0x1EC00] =	vst v63  }
0x47a: {  	s8 =	simm.s32 $0x11C00  }
0x47b: {  	[tilespmem:s8], [sflag:$0x2] =	stream.indirect_vreg.gather [hbm4b:s2+s3], $0x80, v3, vm0, $0xb8;
	[tilespmem:$0x1EC00] =	vst v63  }
0x47c: {  	s7 =	simm.s32 $0x12400  }
0x47d: {  	[tilespmem:s7], [sflag:$0x2] =	stream.indirect_vreg.gather [hbm4b:s4+s3], $0x80, v3, vm0, $0xb8;
	[tilespmem:$0x1EC00] =	vst v63  }
0x47e: {  	v3 =	vld [tilespmem:$0x6C0];
	_ =	sdelay $0x4  }
0x47f: {  	v33 =	vshll.u32 v3, $0x2  }
0x480: {  	v3 =	vand.u32 $0x7, v3;
	v4 =	vand.u32 $0xFFFFFFE0, v33  }
0x481: {  	v3 =	vor.u32 v3, v4  }
0x482: {  	v4 =	vperm.xlane v3, v0;
	_ =	sdelay $0x1  }
0x483: {  	v4 =	vadd.s32 v1, v4;
	_ =	sdelay $0x1  }
0x484: {  	v3 =	vperm.xlane v3, v2;
	_ =	sdelay $0x1  }
0x485: {  	s30 =	simm.s32 $0x12C00;
	v3 =	vadd.s32 v1, v3  }
0x486: {  	[tilespmem:s30], [sflag:$0x2] =	stream.indirect_vreg.gather [hbm4b:s2+s3], $0x80, v4, vm0, $0xb8;
	[tilespmem:$0x1EC00] =	vst v63  }
0x487: {  	s30 =	simm.s32 $0x13400  }
0x488: {  	[tilespmem:s30], [sflag:$0x2] =	stream.indirect_vreg.gather [hbm4b:s4+s3], $0x80, v4, vm0, $0xb8;
	[tilespmem:$0x1EC00] =	vst v63  }
0x489: {  	s30 =	simm.s32 $0x13C00  }
0x48a: {  	[tilespmem:s30], [sflag:$0x2] =	stream.indirect_vreg.gather [hbm4b:s2+s3], $0x80, v3, vm0, $0xb8;
	[tilespmem:$0x1EC00] =	vst v63  }
0x48b: {  	s8 =	simm.s32 $0x14400  }
0x48c: {  	[tilespmem:s8], [sflag:$0x2] =	stream.indirect_vreg.gather [hbm4b:s4+s3], $0x80, v3, vm0, $0xb8;
	[tilespmem:$0x1EC00] =	vst v63  }
0x48d: {  	_ =	swait.ge [sflag:s29], $0xA000  }
0x48e: {  	[sflag:s29] =	ssyncset.done $0x0  }
0x48f: {  	s5 =	simm.s32 $0x14C00;
	s30 =	rddreg [dreg:$0x10];
	[sflag:s29] =	ssyncadd.s32 $0xFFFF6000  }
0x490: {  	[hbm4b:s30+s3] =	stream.linear.scatter [tilespmem:s5], [sflag:$0x6], $0xA000, $0x38;
	[tilespmem:$0x1EC00] =	vst v63  }
0x491: {  	_ =	swait.ge [sflag:s1], $0xA000  }
0x492: {  	[sflag:s1] =	ssyncset.done $0x0  }
0x493: {  	[sflag:s1] =	ssyncadd.s32 $0xFFFF6000  }
0x494: {  	v3 =	vld [tilespmem:$0x700];
	_ =	sdelay $0x4  }
0x495: {  	v34 =	vshll.u32 v3, $0x2  }
0x496: {  	v3 =	vand.u32 $0x7, v3;
	v4 =	vand.u32 $0xFFFFFFE0, v34  }
0x497: {  	v3 =	vor.u32 v3, v4  }
0x498: {  	v4 =	vperm.xlane v3, v0;
	_ =	sdelay $0x1  }
0x499: {  	v4 =	vadd.s32 v1, v4;
	_ =	sdelay $0x1  }
0x49a: {  	v3 =	vperm.xlane v3, v2;
	_ =	sdelay $0x1  }
0x49b: {  	v3 =	vadd.s32 v1, v3  }
0x49c: {  	[tilespmem:s5], [sflag:$0x3] =	stream.indirect_vreg.gather [hbm4b:s2+s3], $0x80, v4, vm0, $0xb8;
	[tilespmem:$0x1EC00] =	vst v63  }
0x49d: {  	_ = 	snop  }
0x49e: {  	[tilespmem:s17], [sflag:$0x3] =	stream.indirect_vreg.gather [hbm4b:s4+s3], $0x80, v4, vm0, $0xb8;
	[tilespmem:$0x1EC00] =	vst v63  }
0x49f: {  	_ = 	snop  }
0x4a0: {  	[tilespmem:s11], [sflag:$0x3] =	stream.indirect_vreg.gather [hbm4b:s2+s3], $0x80, v3, vm0, $0xb8;
	[tilespmem:$0x1EC00] =	vst v63  }
0x4a1: {  	s11 =	simm.s32 $0x16400  }
0x4a2: {  	[tilespmem:s11], [sflag:$0x3] =	stream.indirect_vreg.gather [hbm4b:s4+s3], $0x80, v3, vm0, $0xb8;
	[tilespmem:$0x1EC00] =	vst v63  }
0x4a3: {  	v3 =	vld [tilespmem:$0x710];
	_ =	sdelay $0x4  }
0x4a4: {  	v35 =	vshll.u32 v3, $0x2  }
0x4a5: {  	v3 =	vand.u32 $0x7, v3;
	v4 =	vand.u32 $0xFFFFFFE0, v35  }
0x4a6: {  	v3 =	vor.u32 v3, v4  }
0x4a7: {  	v4 =	vperm.xlane v3, v0;
	_ =	sdelay $0x1  }
0x4a8: {  	v4 =	vadd.s32 v1, v4;
	_ =	sdelay $0x1  }
0x4a9: {  	v3 =	vperm.xlane v3, v2;
	_ =	sdelay $0x1  }
0x4aa: {  	v3 =	vadd.s32 v1, v3  }
0x4ab: {  	[tilespmem:s12], [sflag:$0x3] =	stream.indirect_vreg.gather [hbm4b:s2+s3], $0x80, v4, vm0, $0xb8;
	[tilespmem:$0x1EC00] =	vst v63  }
0x4ac: {  	_ = 	snop  }
0x4ad: {  	[tilespmem:s13], [sflag:$0x3] =	stream.indirect_vreg.gather [hbm4b:s4+s3], $0x80, v4, vm0, $0xb8;
	[tilespmem:$0x1EC00] =	vst v63  }
0x4ae: {  	_ = 	snop  }
0x4af: {  	[tilespmem:s14], [sflag:$0x3] =	stream.indirect_vreg.gather [hbm4b:s2+s3], $0x80, v3, vm0, $0xb8;
	[tilespmem:$0x1EC00] =	vst v63  }
0x4b0: {  	s17 =	simm.s32 $0x18400  }
0x4b1: {  	[tilespmem:s17], [sflag:$0x3] =	stream.indirect_vreg.gather [hbm4b:s4+s3], $0x80, v3, vm0, $0xb8;
	[tilespmem:$0x1EC00] =	vst v63  }
0x4b2: {  	v3 =	vld [tilespmem:$0x720];
	_ =	sdelay $0x4  }
0x4b3: {  	v36 =	vshll.u32 v3, $0x2  }
0x4b4: {  	v3 =	vand.u32 $0x7, v3;
	v4 =	vand.u32 $0xFFFFFFE0, v36  }
0x4b5: {  	v3 =	vor.u32 v3, v4  }
0x4b6: {  	v4 =	vperm.xlane v3, v0;
	_ =	sdelay $0x1  }
0x4b7: {  	v4 =	vadd.s32 v1, v4;
	_ =	sdelay $0x1  }
0x4b8: {  	v3 =	vperm.xlane v3, v2;
	_ =	sdelay $0x1  }
0x4b9: {  	v3 =	vadd.s32 v1, v3  }
0x4ba: {  	[tilespmem:s15], [sflag:$0x3] =	stream.indirect_vreg.gather [hbm4b:s2+s3], $0x80, v4, vm0, $0xb8;
	[tilespmem:$0x1EC00] =	vst v63  }
0x4bb: {  	_ = 	snop  }
0x4bc: {  	[tilespmem:s16], [sflag:$0x3] =	stream.indirect_vreg.gather [hbm4b:s4+s3], $0x80, v4, vm0, $0xb8;
	[tilespmem:$0x1EC00] =	vst v63  }
0x4bd: {  	_ = 	snop  }
0x4be: {  	[tilespmem:s18], [sflag:$0x3] =	stream.indirect_vreg.gather [hbm4b:s2+s3], $0x80, v3, vm0, $0xb8;
	[tilespmem:$0x1EC00] =	vst v63  }
0x4bf: {  	s18 =	simm.s32 $0x1A400  }
0x4c0: {  	[tilespmem:s18], [sflag:$0x3] =	stream.indirect_vreg.gather [hbm4b:s4+s3], $0x80, v3, vm0, $0xb8;
	[tilespmem:$0x1EC00] =	vst v63  }
0x4c1: {  	v3 =	vld [tilespmem:$0x730];
	_ =	sdelay $0x4  }
0x4c2: {  	v37 =	vshll.u32 v3, $0x2  }
0x4c3: {  	v3 =	vand.u32 $0x7, v3;
	v4 =	vand.u32 $0xFFFFFFE0, v37  }
0x4c4: {  	v3 =	vor.u32 v3, v4  }
0x4c5: {  	v4 =	vperm.xlane v3, v0;
	_ =	sdelay $0x1  }
0x4c6: {  	v4 =	vadd.s32 v1, v4;
	_ =	sdelay $0x1  }
0x4c7: {  	v3 =	vperm.xlane v3, v2;
	_ =	sdelay $0x1  }
0x4c8: {  	v3 =	vadd.s32 v1, v3  }
0x4c9: {  	[tilespmem:s19], [sflag:$0x3] =	stream.indirect_vreg.gather [hbm4b:s2+s3], $0x80, v4, vm0, $0xb8;
	[tilespmem:$0x1EC00] =	vst v63  }
0x4ca: {  	_ = 	snop  }
0x4cb: {  	[tilespmem:s20], [sflag:$0x3] =	stream.indirect_vreg.gather [hbm4b:s4+s3], $0x80, v4, vm0, $0xb8;
	[tilespmem:$0x1EC00] =	vst v63  }
0x4cc: {  	_ = 	snop  }
0x4cd: {  	[tilespmem:s21], [sflag:$0x3] =	stream.indirect_vreg.gather [hbm4b:s2+s3], $0x80, v3, vm0, $0xb8;
	[tilespmem:$0x1EC00] =	vst v63  }
0x4ce: {  	s30 =	simm.s32 $0x1C400  }
0x4cf: {  	[tilespmem:s30], [sflag:$0x3] =	stream.indirect_vreg.gather [hbm4b:s4+s3], $0x80, v3, vm0, $0xb8;
	[tilespmem:$0x1EC00] =	vst v63  }
0x4d0: {  	v3 =	vld [tilespmem:$0x740];
	_ =	sdelay $0x4  }
0x4d1: {  	v38 =	vshll.u32 v3, $0x2  }
0x4d2: {  	v3 =	vand.u32 $0x7, v3;
	v4 =	vand.u32 $0xFFFFFFE0, v38  }
0x4d3: {  	v3 =	vor.u32 v3, v4  }
0x4d4: {  	v4 =	vperm.xlane v3, v0;
	_ =	sdelay $0x1  }
0x4d5: {  	v4 =	vadd.s32 v1, v4;
	_ =	sdelay $0x1  }
0x4d6: {  	v3 =	vperm.xlane v3, v2;
	_ =	sdelay $0x1  }
0x4d7: {  	v3 =	vadd.s32 v1, v3  }
0x4d8: {  	[tilespmem:s26], [sflag:$0x3] =	stream.indirect_vreg.gather [hbm4b:s2+s3], $0x80, v4, vm0, $0xb8;
	[tilespmem:$0x1EC00] =	vst v63  }
0x4d9: {  	_ = 	snop  }
0x4da: {  	[tilespmem:s28], [sflag:$0x3] =	stream.indirect_vreg.gather [hbm4b:s4+s3], $0x80, v4, vm0, $0xb8;
	[tilespmem:$0x1EC00] =	vst v63  }
0x4db: {  	_ = 	snop  }
0x4dc: {  	[tilespmem:s31], [sflag:$0x3] =	stream.indirect_vreg.gather [hbm4b:s2+s3], $0x80, v3, vm0, $0xb8;
	[tilespmem:$0x1EC00] =	vst v63  }
0x4dd: {  	s5 =	simm.s32 $0x1E400  }
0x4de: {  	[tilespmem:s5], [sflag:$0x3] =	stream.indirect_vreg.gather [hbm4b:s4+s3], $0x80, v3, vm0, $0xb8;
	[tilespmem:$0x1EC00] =	vst v63  }
0x4df: {  	_ =	swait.ge [sflag:s22], $0xA000  }
0x4e0: {  	[sflag:s22] =	ssyncset.done $0x0  }
0x4e1: {  	s28 =	simm.s32 $0xC00;
	s17 =	rddreg [dreg:$0x11];
	[sflag:s22] =	ssyncadd.s32 $0xFFFF6000  }
0x4e2: {  	[hbm4b:s17+s3] =	stream.linear.scatter [tilespmem:s28], [sflag:$0x4], $0xA000, $0x38;
	[tilespmem:$0x1EC00] =	vst v63  }
0x4e3: {  	_ =	swait.ge [sflag:s23], $0xA000  }
0x4e4: {  	[sflag:s23] =	ssyncset.done $0x0  }
0x4e5: {  	[sflag:s23] =	ssyncadd.s32 $0xFFFF6000  }
0x4e6: {  	v3 =	vld [tilespmem:$0x780];
	_ =	sdelay $0x4  }
0x4e7: {  	v39 =	vshll.u32 v3, $0x2  }
0x4e8: {  	v3 =	vand.u32 $0x7, v3;
	v4 =	vand.u32 $0xFFFFFFE0, v39  }
0x4e9: {  	v3 =	vor.u32 v3, v4  }
0x4ea: {  	v4 =	vperm.xlane v3, v0;
	_ =	sdelay $0x1  }
0x4eb: {  	v4 =	vadd.s32 v1, v4;
	_ =	sdelay $0x1  }
0x4ec: {  	v3 =	vperm.xlane v3, v2;
	_ =	sdelay $0x1  }
0x4ed: {  	v3 =	vadd.s32 v1, v3  }
0x4ee: {  	[tilespmem:s28], [sflag:$0x1] =	stream.indirect_vreg.gather [hbm4b:s2+s3], $0x80, v4, vm0, $0xb8;
	[tilespmem:$0x1EC00] =	vst v63  }
0x4ef: {  	s30 =	simm.s32 $0x1400  }
0x4f0: {  	[tilespmem:s30], [sflag:$0x1] =	stream.indirect_vreg.gather [hbm4b:s4+s3], $0x80, v4, vm0, $0xb8;
	[tilespmem:$0x1EC00] =	vst v63  }
0x4f1: {  	s31 =	simm.s32 $0x1C00  }
0x4f2: {  	[tilespmem:s31], [sflag:$0x1] =	stream.indirect_vreg.gather [hbm4b:s2+s3], $0x80, v3, vm0, $0xb8;
	[tilespmem:$0x1EC00] =	vst v63  }
0x4f3: {  	s5 =	simm.s32 $0x2400  }
0x4f4: {  	[tilespmem:s5], [sflag:$0x1] =	stream.indirect_vreg.gather [hbm4b:s4+s3], $0x80, v3, vm0, $0xb8;
	[tilespmem:$0x1EC00] =	vst v63  }
0x4f5: {  	v3 =	vld [tilespmem:$0x790];
	_ =	sdelay $0x4  }
0x4f6: {  	v40 =	vshll.u32 v3, $0x2  }
0x4f7: {  	v3 =	vand.u32 $0x7, v3;
	v4 =	vand.u32 $0xFFFFFFE0, v40  }
0x4f8: {  	v3 =	vor.u32 v3, v4  }
0x4f9: {  	v4 =	vperm.xlane v3, v0;
	_ =	sdelay $0x1  }
0x4fa: {  	v4 =	vadd.s32 v1, v4;
	_ =	sdelay $0x1  }
0x4fb: {  	v3 =	vperm.xlane v3, v2;
	_ =	sdelay $0x1  }
0x4fc: {  	s28 =	simm.s32 $0x2C00;
	v3 =	vadd.s32 v1, v3  }
0x4fd: {  	[tilespmem:s28], [sflag:$0x1] =	stream.indirect_vreg.gather [hbm4b:s2+s3], $0x80, v4, vm0, $0xb8;
	[tilespmem:$0x1EC00] =	vst v63  }
0x4fe: {  	s30 =	simm.s32 $0x3400  }
0x4ff: {  	[tilespmem:s30], [sflag:$0x1] =	stream.indirect_vreg.gather [hbm4b:s4+s3], $0x80, v4, vm0, $0xb8;
	[tilespmem:$0x1EC00] =	vst v63  }
0x500: {  	s31 =	simm.s32 $0x3C00  }
0x501: {  	[tilespmem:s31], [sflag:$0x1] =	stream.indirect_vreg.gather [hbm4b:s2+s3], $0x80, v3, vm0, $0xb8;
	[tilespmem:$0x1EC00] =	vst v63  }
0x502: {  	s5 =	simm.s32 $0x4400  }
0x503: {  	[tilespmem:s5], [sflag:$0x1] =	stream.indirect_vreg.gather [hbm4b:s4+s3], $0x80, v3, vm0, $0xb8;
	[tilespmem:$0x1EC00] =	vst v63  }
0x504: {  	v3 =	vld [tilespmem:$0x7A0];
	_ =	sdelay $0x4  }
0x505: {  	v41 =	vshll.u32 v3, $0x2  }
0x506: {  	v3 =	vand.u32 $0x7, v3;
	v4 =	vand.u32 $0xFFFFFFE0, v41  }
0x507: {  	v3 =	vor.u32 v3, v4  }
0x508: {  	v4 =	vperm.xlane v3, v0;
	_ =	sdelay $0x1  }
0x509: {  	v4 =	vadd.s32 v1, v4;
	_ =	sdelay $0x1  }
0x50a: {  	v3 =	vperm.xlane v3, v2;
	_ =	sdelay $0x1  }
0x50b: {  	s28 =	simm.s32 $0x4C00;
	v3 =	vadd.s32 v1, v3  }
0x50c: {  	[tilespmem:s28], [sflag:$0x1] =	stream.indirect_vreg.gather [hbm4b:s2+s3], $0x80, v4, vm0, $0xb8;
	[tilespmem:$0x1EC00] =	vst v63  }
0x50d: {  	s30 =	simm.s32 $0x5400  }
0x50e: {  	[tilespmem:s30], [sflag:$0x1] =	stream.indirect_vreg.gather [hbm4b:s4+s3], $0x80, v4, vm0, $0xb8;
	[tilespmem:$0x1EC00] =	vst v63  }
0x50f: {  	s31 =	simm.s32 $0x5C00  }
0x510: {  	[tilespmem:s31], [sflag:$0x1] =	stream.indirect_vreg.gather [hbm4b:s2+s3], $0x80, v3, vm0, $0xb8;
	[tilespmem:$0x1EC00] =	vst v63  }
0x511: {  	s5 =	simm.s32 $0x6400  }
0x512: {  	[tilespmem:s5], [sflag:$0x1] =	stream.indirect_vreg.gather [hbm4b:s4+s3], $0x80, v3, vm0, $0xb8;
	[tilespmem:$0x1EC00] =	vst v63  }
0x513: {  	v3 =	vld [tilespmem:$0x7B0];
	_ =	sdelay $0x4  }
0x514: {  	v42 =	vshll.u32 v3, $0x2  }
0x515: {  	v3 =	vand.u32 $0x7, v3;
	v4 =	vand.u32 $0xFFFFFFE0, v42  }
0x516: {  	v3 =	vor.u32 v3, v4  }
0x517: {  	v4 =	vperm.xlane v3, v0;
	_ =	sdelay $0x1  }
0x518: {  	v4 =	vadd.s32 v1, v4;
	_ =	sdelay $0x1  }
0x519: {  	v3 =	vperm.xlane v3, v2;
	_ =	sdelay $0x1  }
0x51a: {  	s28 =	simm.s32 $0x6C00;
	v3 =	vadd.s32 v1, v3  }
0x51b: {  	[tilespmem:s28], [sflag:$0x1] =	stream.indirect_vreg.gather [hbm4b:s2+s3], $0x80, v4, vm0, $0xb8;
	[tilespmem:$0x1EC00] =	vst v63  }
0x51c: {  	s30 =	simm.s32 $0x7400  }
0x51d: {  	[tilespmem:s30], [sflag:$0x1] =	stream.indirect_vreg.gather [hbm4b:s4+s3], $0x80, v4, vm0, $0xb8;
	[tilespmem:$0x1EC00] =	vst v63  }
0x51e: {  	s31 =	simm.s32 $0x7C00  }
0x51f: {  	[tilespmem:s31], [sflag:$0x1] =	stream.indirect_vreg.gather [hbm4b:s2+s3], $0x80, v3, vm0, $0xb8;
	[tilespmem:$0x1EC00] =	vst v63  }
0x520: {  	s5 =	simm.s32 $0x8400  }
0x521: {  	[tilespmem:s5], [sflag:$0x1] =	stream.indirect_vreg.gather [hbm4b:s4+s3], $0x80, v3, vm0, $0xb8;
	[tilespmem:$0x1EC00] =	vst v63  }
0x522: {  	v3 =	vld [tilespmem:$0x7C0];
	_ =	sdelay $0x4  }
0x523: {  	v43 =	vshll.u32 v3, $0x2  }
0x524: {  	v3 =	vand.u32 $0x7, v3;
	v4 =	vand.u32 $0xFFFFFFE0, v43  }
0x525: {  	v3 =	vor.u32 v3, v4  }
0x526: {  	v4 =	vperm.xlane v3, v0;
	_ =	sdelay $0x1  }
0x527: {  	v4 =	vadd.s32 v1, v4;
	_ =	sdelay $0x1  }
0x528: {  	v3 =	vperm.xlane v3, v2;
	_ =	sdelay $0x1  }
0x529: {  	s28 =	simm.s32 $0x8C00;
	v3 =	vadd.s32 v1, v3  }
0x52a: {  	[tilespmem:s28], [sflag:$0x1] =	stream.indirect_vreg.gather [hbm4b:s2+s3], $0x80, v4, vm0, $0xb8;
	[tilespmem:$0x1EC00] =	vst v63  }
0x52b: {  	s30 =	simm.s32 $0x9400  }
0x52c: {  	[tilespmem:s30], [sflag:$0x1] =	stream.indirect_vreg.gather [hbm4b:s4+s3], $0x80, v4, vm0, $0xb8;
	[tilespmem:$0x1EC00] =	vst v63  }
0x52d: {  	s31 =	simm.s32 $0x9C00  }
0x52e: {  	[tilespmem:s31], [sflag:$0x1] =	stream.indirect_vreg.gather [hbm4b:s2+s3], $0x80, v3, vm0, $0xb8;
	[tilespmem:$0x1EC00] =	vst v63  }
0x52f: {  	s5 =	simm.s32 $0xA400  }
0x530: {  	[tilespmem:s5], [sflag:$0x1] =	stream.indirect_vreg.gather [hbm4b:s4+s3], $0x80, v3, vm0, $0xb8;
	[tilespmem:$0x1EC00] =	vst v63  }
0x531: {  	_ =	swait.ge [sflag:s24], $0xA000  }
0x532: {  	[sflag:s24] =	ssyncset.done $0x0  }
0x533: {  	s0 =	simm.s32 $0xAC00;
	s28 =	rddreg [dreg:$0x12];
	[sflag:s24] =	ssyncadd.s32 $0xFFFF6000  }
0x534: {  	[hbm4b:s28+s3] =	stream.linear.scatter [tilespmem:s0], [sflag:$0x5], $0xA000, $0x38;
	[tilespmem:$0x1EC00] =	vst v63  }
0x535: {  	_ =	swait.ge [sflag:s25], $0xA000  }
0x536: {  	[sflag:s25] =	ssyncset.done $0x0  }
0x537: {  	[sflag:s25] =	ssyncadd.s32 $0xFFFF6000  }
0x538: {  	v3 =	vld [tilespmem:$0x800];
	_ =	sdelay $0x4  }
0x539: {  	v44 =	vshll.u32 v3, $0x2  }
0x53a: {  	v3 =	vand.u32 $0x7, v3;
	v4 =	vand.u32 $0xFFFFFFE0, v44  }
0x53b: {  	v3 =	vor.u32 v3, v4  }
0x53c: {  	v4 =	vperm.xlane v3, v0;
	_ =	sdelay $0x1  }
0x53d: {  	v4 =	vadd.s32 v1, v4;
	_ =	sdelay $0x1  }
0x53e: {  	v3 =	vperm.xlane v3, v2;
	_ =	sdelay $0x1  }
0x53f: {  	v3 =	vadd.s32 v1, v3  }
0x540: {  	[tilespmem:s0], [sflag:$0x2] =	stream.indirect_vreg.gather [hbm4b:s2+s3], $0x80, v4, vm0, $0xb8;
	[tilespmem:$0x1EC00] =	vst v63  }
0x541: {  	_ = 	snop  }
0x542: {  	[tilespmem:s9], [sflag:$0x2] =	stream.indirect_vreg.gather [hbm4b:s4+s3], $0x80, v4, vm0, $0xb8;
	[tilespmem:$0x1EC00] =	vst v63  }
0x543: {  	s31 =	simm.s32 $0xBC00  }
0x544: {  	[tilespmem:s31], [sflag:$0x2] =	stream.indirect_vreg.gather [hbm4b:s2+s3], $0x80, v3, vm0, $0xb8;
	[tilespmem:$0x1EC00] =	vst v63  }
0x545: {  	s9 =	simm.s32 $0xC400  }
0x546: {  	[tilespmem:s9], [sflag:$0x2] =	stream.indirect_vreg.gather [hbm4b:s4+s3], $0x80, v3, vm0, $0xb8;
	[tilespmem:$0x1EC00] =	vst v63  }
0x547: {  	v3 =	vld [tilespmem:$0x810];
	_ =	sdelay $0x4  }
0x548: {  	v45 =	vshll.u32 v3, $0x2  }
0x549: {  	v3 =	vand.u32 $0x7, v3;
	v4 =	vand.u32 $0xFFFFFFE0, v45  }
0x54a: {  	v3 =	vor.u32 v3, v4  }
0x54b: {  	v4 =	vperm.xlane v3, v0;
	_ =	sdelay $0x1  }
0x54c: {  	v4 =	vadd.s32 v1, v4;
	_ =	sdelay $0x1  }
0x54d: {  	v3 =	vperm.xlane v3, v2;
	_ =	sdelay $0x1  }
0x54e: {  	s17 =	simm.s32 $0xCC00;
	v3 =	vadd.s32 v1, v3  }
0x54f: {  	[tilespmem:s17], [sflag:$0x2] =	stream.indirect_vreg.gather [hbm4b:s2+s3], $0x80, v4, vm0, $0xb8;
	[tilespmem:$0x1EC00] =	vst v63  }
0x550: {  	s30 =	simm.s32 $0xD400  }
0x551: {  	[tilespmem:s30], [sflag:$0x2] =	stream.indirect_vreg.gather [hbm4b:s4+s3], $0x80, v4, vm0, $0xb8;
	[tilespmem:$0x1EC00] =	vst v63  }
0x552: {  	s31 =	simm.s32 $0xDC00  }
0x553: {  	[tilespmem:s31], [sflag:$0x2] =	stream.indirect_vreg.gather [hbm4b:s2+s3], $0x80, v3, vm0, $0xb8;
	[tilespmem:$0x1EC00] =	vst v63  }
0x554: {  	_ = 	snop  }
0x555: {  	[tilespmem:s10], [sflag:$0x2] =	stream.indirect_vreg.gather [hbm4b:s4+s3], $0x80, v3, vm0, $0xb8;
	[tilespmem:$0x1EC00] =	vst v63  }
0x556: {  	v3 =	vld [tilespmem:$0x820];
	_ =	sdelay $0x4  }
0x557: {  	v46 =	vshll.u32 v3, $0x2  }
0x558: {  	v3 =	vand.u32 $0x7, v3;
	v4 =	vand.u32 $0xFFFFFFE0, v46  }
0x559: {  	v3 =	vor.u32 v3, v4  }
0x55a: {  	v4 =	vperm.xlane v3, v0;
	_ =	sdelay $0x1  }
0x55b: {  	v4 =	vadd.s32 v1, v4;
	_ =	sdelay $0x1  }
0x55c: {  	v3 =	vperm.xlane v3, v2;
	_ =	sdelay $0x1  }
0x55d: {  	s10 =	simm.s32 $0xEC00;
	v3 =	vadd.s32 v1, v3  }
0x55e: {  	[tilespmem:s10], [sflag:$0x2] =	stream.indirect_vreg.gather [hbm4b:s2+s3], $0x80, v4, vm0, $0xb8;
	[tilespmem:$0x1EC00] =	vst v63  }
0x55f: {  	s17 =	simm.s32 $0xF400  }
0x560: {  	[tilespmem:s17], [sflag:$0x2] =	stream.indirect_vreg.gather [hbm4b:s4+s3], $0x80, v4, vm0, $0xb8;
	[tilespmem:$0x1EC00] =	vst v63  }
0x561: {  	s30 =	simm.s32 $0xFC00  }
0x562: {  	[tilespmem:s30], [sflag:$0x2] =	stream.indirect_vreg.gather [hbm4b:s2+s3], $0x80, v3, vm0, $0xb8;
	[tilespmem:$0x1EC00] =	vst v63  }
0x563: {  	_ = 	snop  }
0x564: {  	[tilespmem:s6], [sflag:$0x2] =	stream.indirect_vreg.gather [hbm4b:s4+s3], $0x80, v3, vm0, $0xb8;
	[tilespmem:$0x1EC00] =	vst v63  }
0x565: {  	v3 =	vld [tilespmem:$0x830];
	_ =	sdelay $0x4  }
0x566: {  	v47 =	vshll.u32 v3, $0x2  }
0x567: {  	v3 =	vand.u32 $0x7, v3;
	v4 =	vand.u32 $0xFFFFFFE0, v47  }
0x568: {  	v3 =	vor.u32 v3, v4  }
0x569: {  	v4 =	vperm.xlane v3, v0;
	_ =	sdelay $0x1  }
0x56a: {  	v4 =	vadd.s32 v1, v4;
	_ =	sdelay $0x1  }
0x56b: {  	v3 =	vperm.xlane v3, v2;
	_ =	sdelay $0x1  }
0x56c: {  	s17 =	simm.s32 $0x10C00;
	v3 =	vadd.s32 v1, v3  }
0x56d: {  	[tilespmem:s17], [sflag:$0x2] =	stream.indirect_vreg.gather [hbm4b:s2+s3], $0x80, v4, vm0, $0xb8;
	[tilespmem:$0x1EC00] =	vst v63  }
0x56e: {  	s30 =	simm.s32 $0x11400  }
0x56f: {  	[tilespmem:s30], [sflag:$0x2] =	stream.indirect_vreg.gather [hbm4b:s4+s3], $0x80, v4, vm0, $0xb8;
	[tilespmem:$0x1EC00] =	vst v63  }
0x570: {  	s17 =	simm.s32 $0x11C00  }
0x571: {  	[tilespmem:s17], [sflag:$0x2] =	stream.indirect_vreg.gather [hbm4b:s2+s3], $0x80, v3, vm0, $0xb8;
	[tilespmem:$0x1EC00] =	vst v63  }
0x572: {  	_ = 	snop  }
0x573: {  	[tilespmem:s7], [sflag:$0x2] =	stream.indirect_vreg.gather [hbm4b:s4+s3], $0x80, v3, vm0, $0xb8;
	[tilespmem:$0x1EC00] =	vst v63  }
0x574: {  	v3 =	vld [tilespmem:$0x840];
	_ =	sdelay $0x4  }
0x575: {  	v48 =	vshll.u32 v3, $0x2  }
0x576: {  	v3 =	vand.u32 $0x7, v3;
	v4 =	vand.u32 $0xFFFFFFE0, v48  }
0x577: {  	v3 =	vor.u32 v3, v4  }
0x578: {  	v4 =	vperm.xlane v3, v0;
	_ =	sdelay $0x1  }
0x579: {  	v4 =	vadd.s32 v1, v4;
	_ =	sdelay $0x1  }
0x57a: {  	v3 =	vperm.xlane v3, v2;
	_ =	sdelay $0x1  }
0x57b: {  	s30 =	simm.s32 $0x12C00;
	v3 =	vadd.s32 v1, v3  }
0x57c: {  	[tilespmem:s30], [sflag:$0x2] =	stream.indirect_vreg.gather [hbm4b:s2+s3], $0x80, v4, vm0, $0xb8;
	[tilespmem:$0x1EC00] =	vst v63  }
0x57d: {  	s17 =	simm.s32 $0x13400  }
0x57e: {  	[tilespmem:s17], [sflag:$0x2] =	stream.indirect_vreg.gather [hbm4b:s4+s3], $0x80, v4, vm0, $0xb8;
	[tilespmem:$0x1EC00] =	vst v63  }
0x57f: {  	s30 =	simm.s32 $0x13C00  }
0x580: {  	[tilespmem:s30], [sflag:$0x2] =	stream.indirect_vreg.gather [hbm4b:s2+s3], $0x80, v3, vm0, $0xb8;
	[tilespmem:$0x1EC00] =	vst v63  }
0x581: {  	_ = 	snop  }
0x582: {  	[tilespmem:s8], [sflag:$0x2] =	stream.indirect_vreg.gather [hbm4b:s4+s3], $0x80, v3, vm0, $0xb8;
	[tilespmem:$0x1EC00] =	vst v63  }
0x583: {  	_ =	swait.ge [sflag:s29], $0xA000  }
0x584: {  	[sflag:s29] =	ssyncset.done $0x0  }
0x585: {  	s5 =	simm.s32 $0x14C00;
	s17 =	rddreg [dreg:$0x13];
	[sflag:s29] =	ssyncadd.s32 $0xFFFF6000  }
0x586: {  	[hbm4b:s17+s3] =	stream.linear.scatter [tilespmem:s5], [sflag:$0x6], $0xA000, $0x38;
	[tilespmem:$0x1EC00] =	vst v63  }
0x587: {  	_ =	swait.ge [sflag:s1], $0xA000  }
0x588: {  	[sflag:s1] =	ssyncset.done $0x0  }
0x589: {  	[sflag:s1] =	ssyncadd.s32 $0xFFFF6000  }
0x58a: {  	v3 =	vld [tilespmem:$0x880];
	_ =	sdelay $0x4  }
0x58b: {  	v49 =	vshll.u32 v3, $0x2  }
0x58c: {  	v3 =	vand.u32 $0x7, v3;
	v4 =	vand.u32 $0xFFFFFFE0, v49  }
0x58d: {  	v3 =	vor.u32 v3, v4  }
0x58e: {  	v4 =	vperm.xlane v3, v0;
	_ =	sdelay $0x1  }
0x58f: {  	v4 =	vadd.s32 v1, v4;
	_ =	sdelay $0x1  }
0x590: {  	v3 =	vperm.xlane v3, v2;
	_ =	sdelay $0x1  }
0x591: {  	v3 =	vadd.s32 v1, v3  }
0x592: {  	[tilespmem:s5], [sflag:$0x3] =	stream.indirect_vreg.gather [hbm4b:s2+s3], $0x80, v4, vm0, $0xb8;
	[tilespmem:$0x1EC00] =	vst v63  }
0x593: {  	s30 =	simm.s32 $0x15400  }
0x594: {  	[tilespmem:s30], [sflag:$0x3] =	stream.indirect_vreg.gather [hbm4b:s4+s3], $0x80, v4, vm0, $0xb8;
	[tilespmem:$0x1EC00] =	vst v63  }
0x595: {  	s30 =	simm.s32 $0x15C00  }
0x596: {  	[tilespmem:s30], [sflag:$0x3] =	stream.indirect_vreg.gather [hbm4b:s2+s3], $0x80, v3, vm0, $0xb8;
	[tilespmem:$0x1EC00] =	vst v63  }
0x597: {  	s30 =	simm.s32 $0x16400  }
0x598: {  	[tilespmem:s30], [sflag:$0x3] =	stream.indirect_vreg.gather [hbm4b:s4+s3], $0x80, v3, vm0, $0xb8;
	[tilespmem:$0x1EC00] =	vst v63  }
0x599: {  	v3 =	vld [tilespmem:$0x890];
	_ =	sdelay $0x4  }
0x59a: {  	v50 =	vshll.u32 v3, $0x2  }
0x59b: {  	v3 =	vand.u32 $0x7, v3;
	v4 =	vand.u32 $0xFFFFFFE0, v50  }
0x59c: {  	v3 =	vor.u32 v3, v4  }
0x59d: {  	v4 =	vperm.xlane v3, v0;
	_ =	sdelay $0x1  }
0x59e: {  	v4 =	vadd.s32 v1, v4;
	_ =	sdelay $0x1  }
0x59f: {  	v3 =	vperm.xlane v3, v2;
	_ =	sdelay $0x1  }
0x5a0: {  	s30 =	simm.s32 $0x16C00;
	v3 =	vadd.s32 v1, v3  }
0x5a1: {  	[tilespmem:s30], [sflag:$0x3] =	stream.indirect_vreg.gather [hbm4b:s2+s3], $0x80, v4, vm0, $0xb8;
	[tilespmem:$0x1EC00] =	vst v63  }
0x5a2: {  	s11 =	simm.s32 $0x17400  }
0x5a3: {  	[tilespmem:s11], [sflag:$0x3] =	stream.indirect_vreg.gather [hbm4b:s4+s3], $0x80, v4, vm0, $0xb8;
	[tilespmem:$0x1EC00] =	vst v63  }
0x5a4: {  	s12 =	simm.s32 $0x17C00  }
0x5a5: {  	[tilespmem:s12], [sflag:$0x3] =	stream.indirect_vreg.gather [hbm4b:s2+s3], $0x80, v3, vm0, $0xb8;
	[tilespmem:$0x1EC00] =	vst v63  }
0x5a6: {  	s12 =	simm.s32 $0x18400  }
0x5a7: {  	[tilespmem:s12], [sflag:$0x3] =	stream.indirect_vreg.gather [hbm4b:s4+s3], $0x80, v3, vm0, $0xb8;
	[tilespmem:$0x1EC00] =	vst v63  }
0x5a8: {  	v3 =	vld [tilespmem:$0x8A0];
	_ =	sdelay $0x4  }
0x5a9: {  	v51 =	vshll.u32 v3, $0x2  }
0x5aa: {  	v3 =	vand.u32 $0x7, v3;
	v4 =	vand.u32 $0xFFFFFFE0, v51  }
0x5ab: {  	v3 =	vor.u32 v3, v4  }
0x5ac: {  	v4 =	vperm.xlane v3, v0;
	_ =	sdelay $0x1  }
0x5ad: {  	v4 =	vadd.s32 v1, v4;
	_ =	sdelay $0x1  }
0x5ae: {  	v3 =	vperm.xlane v3, v2;
	_ =	sdelay $0x1  }
0x5af: {  	s13 =	simm.s32 $0x18C00;
	v3 =	vadd.s32 v1, v3  }
0x5b0: {  	[tilespmem:s13], [sflag:$0x3] =	stream.indirect_vreg.gather [hbm4b:s2+s3], $0x80, v4, vm0, $0xb8;
	[tilespmem:$0x1EC00] =	vst v63  }
0x5b1: {  	s14 =	simm.s32 $0x19400  }
0x5b2: {  	[tilespmem:s14], [sflag:$0x3] =	stream.indirect_vreg.gather [hbm4b:s4+s3], $0x80, v4, vm0, $0xb8;
	[tilespmem:$0x1EC00] =	vst v63  }
0x5b3: {  	s15 =	simm.s32 $0x19C00  }
0x5b4: {  	[tilespmem:s15], [sflag:$0x3] =	stream.indirect_vreg.gather [hbm4b:s2+s3], $0x80, v3, vm0, $0xb8;
	[tilespmem:$0x1EC00] =	vst v63  }
0x5b5: {  	s15 =	simm.s32 $0x1A400  }
0x5b6: {  	[tilespmem:s15], [sflag:$0x3] =	stream.indirect_vreg.gather [hbm4b:s4+s3], $0x80, v3, vm0, $0xb8;
	[tilespmem:$0x1EC00] =	vst v63  }
0x5b7: {  	v3 =	vld [tilespmem:$0x8B0];
	_ =	sdelay $0x4  }
0x5b8: {  	v52 =	vshll.u32 v3, $0x2  }
0x5b9: {  	v3 =	vand.u32 $0x7, v3;
	v4 =	vand.u32 $0xFFFFFFE0, v52  }
0x5ba: {  	v3 =	vor.u32 v3, v4  }
0x5bb: {  	v4 =	vperm.xlane v3, v0;
	_ =	sdelay $0x1  }
0x5bc: {  	v4 =	vadd.s32 v1, v4;
	_ =	sdelay $0x1  }
0x5bd: {  	v3 =	vperm.xlane v3, v2;
	_ =	sdelay $0x1  }
0x5be: {  	s16 =	simm.s32 $0x1AC00;
	v3 =	vadd.s32 v1, v3  }
0x5bf: {  	[tilespmem:s16], [sflag:$0x3] =	stream.indirect_vreg.gather [hbm4b:s2+s3], $0x80, v4, vm0, $0xb8;
	[tilespmem:$0x1EC00] =	vst v63  }
0x5c0: {  	s18 =	simm.s32 $0x1B400  }
0x5c1: {  	[tilespmem:s18], [sflag:$0x3] =	stream.indirect_vreg.gather [hbm4b:s4+s3], $0x80, v4, vm0, $0xb8;
	[tilespmem:$0x1EC00] =	vst v63  }
0x5c2: {  	s19 =	simm.s32 $0x1BC00  }
0x5c3: {  	[tilespmem:s19], [sflag:$0x3] =	stream.indirect_vreg.gather [hbm4b:s2+s3], $0x80, v3, vm0, $0xb8;
	[tilespmem:$0x1EC00] =	vst v63  }
0x5c4: {  	s19 =	simm.s32 $0x1C400  }
0x5c5: {  	[tilespmem:s19], [sflag:$0x3] =	stream.indirect_vreg.gather [hbm4b:s4+s3], $0x80, v3, vm0, $0xb8;
	[tilespmem:$0x1EC00] =	vst v63  }
0x5c6: {  	v3 =	vld [tilespmem:$0x8C0];
	_ =	sdelay $0x4  }
0x5c7: {  	v53 =	vshll.u32 v3, $0x2  }
0x5c8: {  	v3 =	vand.u32 $0x7, v3;
	v4 =	vand.u32 $0xFFFFFFE0, v53  }
0x5c9: {  	v3 =	vor.u32 v3, v4  }
0x5ca: {  	v4 =	vperm.xlane v3, v0;
	_ =	sdelay $0x1  }
0x5cb: {  	v4 =	vadd.s32 v1, v4;
	_ =	sdelay $0x1  }
0x5cc: {  	v3 =	vperm.xlane v3, v2;
	_ =	sdelay $0x1  }
0x5cd: {  	s20 =	simm.s32 $0x1CC00;
	v3 =	vadd.s32 v1, v3  }
0x5ce: {  	[tilespmem:s20], [sflag:$0x3] =	stream.indirect_vreg.gather [hbm4b:s2+s3], $0x80, v4, vm0, $0xb8;
	[tilespmem:$0x1EC00] =	vst v63  }
0x5cf: {  	s21 =	simm.s32 $0x1D400  }
0x5d0: {  	[tilespmem:s21], [sflag:$0x3] =	stream.indirect_vreg.gather [hbm4b:s4+s3], $0x80, v4, vm0, $0xb8;
	[tilespmem:$0x1EC00] =	vst v63  }
0x5d1: {  	s26 =	simm.s32 $0x1DC00  }
0x5d2: {  	[tilespmem:s26], [sflag:$0x3] =	stream.indirect_vreg.gather [hbm4b:s2+s3], $0x80, v3, vm0, $0xb8;
	[tilespmem:$0x1EC00] =	vst v63  }
0x5d3: {  	s20 =	simm.s32 $0x1E400  }
0x5d4: {  	[tilespmem:s20], [sflag:$0x3] =	stream.indirect_vreg.gather [hbm4b:s4+s3], $0x80, v3, vm0, $0xb8;
	[tilespmem:$0x1EC00] =	vst v63  }
0x5d5: {  	_ =	swait.ge [sflag:s22], $0xA000  }
0x5d6: {  	[sflag:s22] =	ssyncset.done $0x0  }
0x5d7: {  	s26 =	simm.s32 $0xC00;
	s21 =	rddreg [dreg:$0x14];
	[sflag:s22] =	ssyncadd.s32 $0xFFFF6000  }
0x5d8: {  	[hbm4b:s21+s3] =	stream.linear.scatter [tilespmem:s26], [sflag:$0x4], $0xA000, $0x38;
	[tilespmem:$0x1EC00] =	vst v63  }
0x5d9: {  	_ =	swait.ge [sflag:s23], $0xA000  }
0x5da: {  	[sflag:s23] =	ssyncset.done $0x0  }
0x5db: {  	[sflag:s23] =	ssyncadd.s32 $0xFFFF6000  }
0x5dc: {  	v3 =	vld [tilespmem:$0x900];
	_ =	sdelay $0x4  }
0x5dd: {  	v54 =	vshll.u32 v3, $0x2  }
0x5de: {  	v3 =	vand.u32 $0x7, v3;
	v4 =	vand.u32 $0xFFFFFFE0, v54  }
0x5df: {  	v3 =	vor.u32 v3, v4  }
0x5e0: {  	v4 =	vperm.xlane v3, v0;
	_ =	sdelay $0x1  }
0x5e1: {  	v4 =	vadd.s32 v1, v4;
	_ =	sdelay $0x1  }
0x5e2: {  	v3 =	vperm.xlane v3, v2;
	_ =	sdelay $0x1  }
0x5e3: {  	v3 =	vadd.s32 v1, v3  }
0x5e4: {  	[tilespmem:s26], [sflag:$0x1] =	stream.indirect_vreg.gather [hbm4b:s2+s3], $0x80, v4, vm0, $0xb8;
	[tilespmem:$0x1EC00] =	vst v63  }
0x5e5: {  	s30 =	simm.s32 $0x1400  }
0x5e6: {  	[tilespmem:s30], [sflag:$0x1] =	stream.indirect_vreg.gather [hbm4b:s4+s3], $0x80, v4, vm0, $0xb8;
	[tilespmem:$0x1EC00] =	vst v63  }
0x5e7: {  	s12 =	simm.s32 $0x1C00  }
0x5e8: {  	[tilespmem:s12], [sflag:$0x1] =	stream.indirect_vreg.gather [hbm4b:s2+s3], $0x80, v3, vm0, $0xb8;
	[tilespmem:$0x1EC00] =	vst v63  }
0x5e9: {  	s13 =	simm.s32 $0x2400  }
0x5ea: {  	[tilespmem:s13], [sflag:$0x1] =	stream.indirect_vreg.gather [hbm4b:s4+s3], $0x80, v3, vm0, $0xb8;
	[tilespmem:$0x1EC00] =	vst v63  }
0x5eb: {  	v3 =	vld [tilespmem:$0x910];
	_ =	sdelay $0x4  }
0x5ec: {  	v55 =	vshll.u32 v3, $0x2  }
0x5ed: {  	v3 =	vand.u32 $0x7, v3;
	v4 =	vand.u32 $0xFFFFFFE0, v55  }
0x5ee: {  	v3 =	vor.u32 v3, v4  }
0x5ef: {  	v4 =	vperm.xlane v3, v0;
	_ =	sdelay $0x1  }
0x5f0: {  	v4 =	vadd.s32 v1, v4;
	_ =	sdelay $0x1  }
0x5f1: {  	v3 =	vperm.xlane v3, v2;
	_ =	sdelay $0x1  }
0x5f2: {  	s14 =	simm.s32 $0x2C00;
	v3 =	vadd.s32 v1, v3  }
0x5f3: {  	[tilespmem:s14], [sflag:$0x1] =	stream.indirect_vreg.gather [hbm4b:s2+s3], $0x80, v4, vm0, $0xb8;
	[tilespmem:$0x1EC00] =	vst v63  }
0x5f4: {  	s15 =	simm.s32 $0x3400  }
0x5f5: {  	[tilespmem:s15], [sflag:$0x1] =	stream.indirect_vreg.gather [hbm4b:s4+s3], $0x80, v4, vm0, $0xb8;
	[tilespmem:$0x1EC00] =	vst v63  }
0x5f6: {  	s16 =	simm.s32 $0x3C00  }
0x5f7: {  	[tilespmem:s16], [sflag:$0x1] =	stream.indirect_vreg.gather [hbm4b:s2+s3], $0x80, v3, vm0, $0xb8;
	[tilespmem:$0x1EC00] =	vst v63  }
0x5f8: {  	s18 =	simm.s32 $0x4400  }
0x5f9: {  	[tilespmem:s18], [sflag:$0x1] =	stream.indirect_vreg.gather [hbm4b:s4+s3], $0x80, v3, vm0, $0xb8;
	[tilespmem:$0x1EC00] =	vst v63  }
0x5fa: {  	v3 =	vld [tilespmem:$0x920];
	_ =	sdelay $0x4  }
0x5fb: {  	v56 =	vshll.u32 v3, $0x2  }
0x5fc: {  	v3 =	vand.u32 $0x7, v3;
	v4 =	vand.u32 $0xFFFFFFE0, v56  }
0x5fd: {  	v3 =	vor.u32 v3, v4  }
0x5fe: {  	v4 =	vperm.xlane v3, v0;
	_ =	sdelay $0x1  }
0x5ff: {  	v4 =	vadd.s32 v1, v4;
	_ =	sdelay $0x1  }
0x600: {  	v3 =	vperm.xlane v3, v2;
	_ =	sdelay $0x1  }
0x601: {  	s19 =	simm.s32 $0x4C00;
	v3 =	vadd.s32 v1, v3  }
0x602: {  	[tilespmem:s19], [sflag:$0x1] =	stream.indirect_vreg.gather [hbm4b:s2+s3], $0x80, v4, vm0, $0xb8;
	[tilespmem:$0x1EC00] =	vst v63  }
0x603: {  	s20 =	simm.s32 $0x5400  }
0x604: {  	[tilespmem:s20], [sflag:$0x1] =	stream.indirect_vreg.gather [hbm4b:s4+s3], $0x80, v4, vm0, $0xb8;
	[tilespmem:$0x1EC00] =	vst v63  }
0x605: {  	s21 =	simm.s32 $0x5C00  }
0x606: {  	[tilespmem:s21], [sflag:$0x1] =	stream.indirect_vreg.gather [hbm4b:s2+s3], $0x80, v3, vm0, $0xb8;
	[tilespmem:$0x1EC00] =	vst v63  }
0x607: {  	s26 =	simm.s32 $0x6400  }
0x608: {  	[tilespmem:s26], [sflag:$0x1] =	stream.indirect_vreg.gather [hbm4b:s4+s3], $0x80, v3, vm0, $0xb8;
	[tilespmem:$0x1EC00] =	vst v63  }
0x609: {  	v3 =	vld [tilespmem:$0x930];
	_ =	sdelay $0x4  }
0x60a: {  	v57 =	vshll.u32 v3, $0x2  }
0x60b: {  	v3 =	vand.u32 $0x7, v3;
	v4 =	vand.u32 $0xFFFFFFE0, v57  }
0x60c: {  	v3 =	vor.u32 v3, v4  }
0x60d: {  	v4 =	vperm.xlane v3, v0;
	_ =	sdelay $0x1  }
0x60e: {  	v4 =	vadd.s32 v1, v4;
	_ =	sdelay $0x1  }
0x60f: {  	v3 =	vperm.xlane v3, v2;
	_ =	sdelay $0x1  }
0x610: {  	s30 =	simm.s32 $0x6C00;
	v3 =	vadd.s32 v1, v3  }
0x611: {  	[tilespmem:s30], [sflag:$0x1] =	stream.indirect_vreg.gather [hbm4b:s2+s3], $0x80, v4, vm0, $0xb8;
	[tilespmem:$0x1EC00] =	vst v63  }
0x612: {  	s12 =	simm.s32 $0x7400  }
0x613: {  	[tilespmem:s12], [sflag:$0x1] =	stream.indirect_vreg.gather [hbm4b:s4+s3], $0x80, v4, vm0, $0xb8;
	[tilespmem:$0x1EC00] =	vst v63  }
0x614: {  	s13 =	simm.s32 $0x7C00  }
0x615: {  	[tilespmem:s13], [sflag:$0x1] =	stream.indirect_vreg.gather [hbm4b:s2+s3], $0x80, v3, vm0, $0xb8;
	[tilespmem:$0x1EC00] =	vst v63  }
0x616: {  	s14 =	simm.s32 $0x8400  }
0x617: {  	[tilespmem:s14], [sflag:$0x1] =	stream.indirect_vreg.gather [hbm4b:s4+s3], $0x80, v3, vm0, $0xb8;
	[tilespmem:$0x1EC00] =	vst v63  }
0x618: {  	v3 =	vld [tilespmem:$0x940];
	_ =	sdelay $0x4  }
0x619: {  	v58 =	vshll.u32 v3, $0x2  }
0x61a: {  	v3 =	vand.u32 $0x7, v3;
	v4 =	vand.u32 $0xFFFFFFE0, v58  }
0x61b: {  	v3 =	vor.u32 v3, v4  }
0x61c: {  	v4 =	vperm.xlane v3, v0;
	_ =	sdelay $0x1  }
0x61d: {  	v4 =	vadd.s32 v1, v4;
	_ =	sdelay $0x1  }
0x61e: {  	v3 =	vperm.xlane v3, v2;
	_ =	sdelay $0x1  }
0x61f: {  	s15 =	simm.s32 $0x8C00;
	v3 =	vadd.s32 v1, v3  }
0x620: {  	[tilespmem:s15], [sflag:$0x1] =	stream.indirect_vreg.gather [hbm4b:s2+s3], $0x80, v4, vm0, $0xb8;
	[tilespmem:$0x1EC00] =	vst v63  }
0x621: {  	s16 =	simm.s32 $0x9400  }
0x622: {  	[tilespmem:s16], [sflag:$0x1] =	stream.indirect_vreg.gather [hbm4b:s4+s3], $0x80, v4, vm0, $0xb8;
	[tilespmem:$0x1EC00] =	vst v63  }
0x623: {  	s18 =	simm.s32 $0x9C00  }
0x624: {  	[tilespmem:s18], [sflag:$0x1] =	stream.indirect_vreg.gather [hbm4b:s2+s3], $0x80, v3, vm0, $0xb8;
	[tilespmem:$0x1EC00] =	vst v63  }
0x625: {  	s19 =	simm.s32 $0xA400  }
0x626: {  	[tilespmem:s19], [sflag:$0x1] =	stream.indirect_vreg.gather [hbm4b:s4+s3], $0x80, v3, vm0, $0xb8;
	[tilespmem:$0x1EC00] =	vst v63  }
0x627: {  	_ =	swait.ge [sflag:s24], $0xA000  }
0x628: {  	[sflag:s24] =	ssyncset.done $0x0  }
0x629: {  	s21 =	simm.s32 $0xAC00;
	s20 =	rddreg [dreg:$0x15];
	[sflag:s24] =	ssyncadd.s32 $0xFFFF6000  }
0x62a: {  	[hbm4b:s20+s3] =	stream.linear.scatter [tilespmem:s21], [sflag:$0x5], $0xA000, $0x38;
	[tilespmem:$0x1EC00] =	vst v63  }
0x62b: {  	_ =	swait.ge [sflag:s25], $0xA000  }
0x62c: {  	[sflag:s25] =	ssyncset.done $0x0  }
0x62d: {  	[sflag:s25] =	ssyncadd.s32 $0xFFFF6000  }
0x62e: {  	v3 =	vld [tilespmem:$0x980];
	_ =	sdelay $0x4  }
0x62f: {  	v59 =	vshll.u32 v3, $0x2  }
0x630: {  	v3 =	vand.u32 $0x7, v3;
	v4 =	vand.u32 $0xFFFFFFE0, v59  }
0x631: {  	v3 =	vor.u32 v3, v4  }
0x632: {  	v4 =	vperm.xlane v3, v0;
	_ =	sdelay $0x1  }
0x633: {  	v4 =	vadd.s32 v1, v4;
	_ =	sdelay $0x1  }
0x634: {  	v3 =	vperm.xlane v3, v2;
	_ =	sdelay $0x1  }
0x635: {  	v3 =	vadd.s32 v1, v3  }
0x636: {  	[tilespmem:s21], [sflag:$0x2] =	stream.indirect_vreg.gather [hbm4b:s2+s3], $0x80, v4, vm0, $0xb8;
	[tilespmem:$0x1EC00] =	vst v63  }
0x637: {  	s0 =	simm.s32 $0xB400  }
0x638: {  	[tilespmem:s0], [sflag:$0x2] =	stream.indirect_vreg.gather [hbm4b:s4+s3], $0x80, v4, vm0, $0xb8;
	[tilespmem:$0x1EC00] =	vst v63  }
0x639: {  	s26 =	simm.s32 $0xBC00  }
0x63a: {  	[tilespmem:s26], [sflag:$0x2] =	stream.indirect_vreg.gather [hbm4b:s2+s3], $0x80, v3, vm0, $0xb8;
	[tilespmem:$0x1EC00] =	vst v63  }
0x63b: {  	s28 =	simm.s32 $0xC400  }
0x63c: {  	[tilespmem:s28], [sflag:$0x2] =	stream.indirect_vreg.gather [hbm4b:s4+s3], $0x80, v3, vm0, $0xb8;
	[tilespmem:$0x1EC00] =	vst v63  }
0x63d: {  	v3 =	vld [tilespmem:$0x990];
	_ =	sdelay $0x4  }
0x63e: {  	v60 =	vshll.u32 v3, $0x2  }
0x63f: {  	v3 =	vand.u32 $0x7, v3;
	v4 =	vand.u32 $0xFFFFFFE0, v60  }
0x640: {  	v3 =	vor.u32 v3, v4  }
0x641: {  	v4 =	vperm.xlane v3, v0;
	_ =	sdelay $0x1  }
0x642: {  	v4 =	vadd.s32 v1, v4;
	_ =	sdelay $0x1  }
0x643: {  	v3 =	vperm.xlane v3, v2;
	_ =	sdelay $0x1  }
0x644: {  	s9 =	simm.s32 $0xCC00;
	v3 =	vadd.s32 v1, v3  }
0x645: {  	[tilespmem:s9], [sflag:$0x2] =	stream.indirect_vreg.gather [hbm4b:s2+s3], $0x80, v4, vm0, $0xb8;
	[tilespmem:$0x1EC00] =	vst v63  }
0x646: {  	s30 =	simm.s32 $0xD400  }
0x647: {  	[tilespmem:s30], [sflag:$0x2] =	stream.indirect_vreg.gather [hbm4b:s4+s3], $0x80, v4, vm0, $0xb8;
	[tilespmem:$0x1EC00] =	vst v63  }
0x648: {  	s11 =	simm.s32 $0xDC00  }
0x649: {  	[tilespmem:s11], [sflag:$0x2] =	stream.indirect_vreg.gather [hbm4b:s2+s3], $0x80, v3, vm0, $0xb8;
	[tilespmem:$0x1EC00] =	vst v63  }
0x64a: {  	s31 =	simm.s32 $0xE400  }
0x64b: {  	[tilespmem:s31], [sflag:$0x2] =	stream.indirect_vreg.gather [hbm4b:s4+s3], $0x80, v3, vm0, $0xb8;
	[tilespmem:$0x1EC00] =	vst v63  }
0x64c: {  	v3 =	vld [tilespmem:$0x9A0];
	_ =	sdelay $0x4  }
0x64d: {  	v61 =	vshll.u32 v3, $0x2  }
0x64e: {  	v3 =	vand.u32 $0x7, v3;
	v4 =	vand.u32 $0xFFFFFFE0, v61  }
0x64f: {  	v3 =	vor.u32 v3, v4  }
0x650: {  	v4 =	vperm.xlane v3, v0;
	_ =	sdelay $0x1  }
0x651: {  	v4 =	vadd.s32 v1, v4;
	_ =	sdelay $0x1  }
0x652: {  	v3 =	vperm.xlane v3, v2;
	_ =	sdelay $0x1  }
0x653: {  	s10 =	simm.s32 $0xEC00;
	v3 =	vadd.s32 v1, v3  }
0x654: {  	[tilespmem:s10], [sflag:$0x2] =	stream.indirect_vreg.gather [hbm4b:s2+s3], $0x80, v4, vm0, $0xb8;
	[tilespmem:$0x1EC00] =	vst v63  }
0x655: {  	s12 =	simm.s32 $0xF400  }
0x656: {  	[tilespmem:s12], [sflag:$0x2] =	stream.indirect_vreg.gather [hbm4b:s4+s3], $0x80, v4, vm0, $0xb8;
	[tilespmem:$0x1EC00] =	vst v63  }
0x657: {  	s13 =	simm.s32 $0xFC00  }
0x658: {  	[tilespmem:s13], [sflag:$0x2] =	stream.indirect_vreg.gather [hbm4b:s2+s3], $0x80, v3, vm0, $0xb8;
	[tilespmem:$0x1EC00] =	vst v63  }
0x659: {  	s6 =	simm.s32 $0x10400  }
0x65a: {  	[tilespmem:s6], [sflag:$0x2] =	stream.indirect_vreg.gather [hbm4b:s4+s3], $0x80, v3, vm0, $0xb8;
	[tilespmem:$0x1EC00] =	vst v63  }
0x65b: {  	v3 =	vld [tilespmem:$0x9B0];
	_ =	sdelay $0x4  }
0x65c: {  	v62 =	vshll.u32 v3, $0x2  }
0x65d: {  	v3 =	vand.u32 $0x7, v3;
	v4 =	vand.u32 $0xFFFFFFE0, v62  }
0x65e: {  	v3 =	vor.u32 v3, v4  }
0x65f: {  	v4 =	vperm.xlane v3, v0;
	_ =	sdelay $0x1  }
0x660: {  	v4 =	vadd.s32 v1, v4;
	_ =	sdelay $0x1  }
0x661: {  	v3 =	vperm.xlane v3, v2;
	_ =	sdelay $0x1  }
0x662: {  	s14 =	simm.s32 $0x10C00;
	v3 =	vadd.s32 v1, v3  }
0x663: {  	[tilespmem:s14], [sflag:$0x2] =	stream.indirect_vreg.gather [hbm4b:s2+s3], $0x80, v4, vm0, $0xb8;
	[tilespmem:$0x1EC00] =	vst v63  }
0x664: {  	s15 =	simm.s32 $0x11400  }
0x665: {  	[tilespmem:s15], [sflag:$0x2] =	stream.indirect_vreg.gather [hbm4b:s4+s3], $0x80, v4, vm0, $0xb8;
	[tilespmem:$0x1EC00] =	vst v63  }
0x666: {  	s16 =	simm.s32 $0x11C00  }
0x667: {  	[tilespmem:s16], [sflag:$0x2] =	stream.indirect_vreg.gather [hbm4b:s2+s3], $0x80, v3, vm0, $0xb8;
	[tilespmem:$0x1EC00] =	vst v63  }
0x668: {  	s7 =	simm.s32 $0x12400  }
0x669: {  	[tilespmem:s7], [sflag:$0x2] =	stream.indirect_vreg.gather [hbm4b:s4+s3], $0x80, v3, vm0, $0xb8;
	[tilespmem:$0x1EC00] =	vst v63  }
0x66a: {  	v3 =	vld [tilespmem:$0x9C0];
	_ =	sdelay $0x4  }
0x66b: {  	v63 =	vshll.u32 v3, $0x2  }
0x66c: {  	v3 =	vand.u32 $0x7, v3;
	v4 =	vand.u32 $0xFFFFFFE0, v63  }
0x66d: {  	v3 =	vor.u32 v3, v4  }
0x66e: {  	v4 =	vperm.xlane v3, v0;
	_ =	sdelay $0x1  }
0x66f: {  	v4 =	vadd.s32 v1, v4;
	_ =	sdelay $0x1  }
0x670: {  	v3 =	vperm.xlane v3, v2;
	_ =	sdelay $0x1  }
0x671: {  	s19 =	simm.s32 $0x12C00;
	v3 =	vadd.s32 v1, v3  }
0x672: {  	[tilespmem:s19], [sflag:$0x2] =	stream.indirect_vreg.gather [hbm4b:s2+s3], $0x80, v4, vm0, $0xb8;
	[tilespmem:$0x1EC00] =	vst v63  }
0x673: {  	s20 =	simm.s32 $0x13400  }
0x674: {  	[tilespmem:s20], [sflag:$0x2] =	stream.indirect_vreg.gather [hbm4b:s4+s3], $0x80, v4, vm0, $0xb8;
	[tilespmem:$0x1EC00] =	vst v63  }
0x675: {  	s21 =	simm.s32 $0x13C00  }
0x676: {  	[tilespmem:s21], [sflag:$0x2] =	stream.indirect_vreg.gather [hbm4b:s2+s3], $0x80, v3, vm0, $0xb8;
	[tilespmem:$0x1EC00] =	vst v63  }
0x677: {  	s8 =	simm.s32 $0x14400  }
0x678: {  	[tilespmem:s8], [sflag:$0x2] =	stream.indirect_vreg.gather [hbm4b:s4+s3], $0x80, v3, vm0, $0xb8;
	[tilespmem:$0x1EC00] =	vst v63  }
0x679: {  	s0 =	rddreg [dreg:$0x19];
	_ =	swait.ge [sflag:s29], $0xA000  }
0x67a: {  	[sflag:s29] =	ssyncset.done $0x0  }
0x67b: {  	s17 =	simm.s32 $0x14C00;
	s26 =	rddreg [dreg:$0x16];
	[sflag:s29] =	ssyncadd.s32 $0xFFFF6000  }
0x67c: {  	[hbm4b:s26+s3] =	stream.linear.scatter [tilespmem:s17], [sflag:$0x6], $0xA000, $0x38;
	[tilespmem:$0x1EC00] =	vst v63  }
0x67d: {  	_ =	swait.ge [sflag:s22], $0xA000  }
0x67e: {  	[sflag:s22] =	ssyncset.done $0x0  }
0x67f: {  	s5 =	simm.s32 $0xC00;
	s28 =	rddreg [dreg:$0x17];
	[sflag:s22] =	ssyncadd.s32 $0xFFFF6000  }
0x680: {  	[hbm4b:s28+s3] =	stream.linear.scatter [tilespmem:s5], [sflag:$0x4], $0xA000, $0x38;
	[tilespmem:$0x1EC00] =	vst v63  }
0x681: {  	_ =	swait.ge [sflag:s24], $0xA000  }
0x682: {  	[sflag:s24] =	ssyncset.done $0x0  }
0x683: {  	s18 =	simm.s32 $0xAC00;
	s31 =	rddreg [dreg:$0x18];
	[sflag:s24] =	ssyncadd.s32 $0xFFFF6000  }
0x684: {  	[hbm4b:s31+s3] =	stream.linear.scatter [tilespmem:s18], [sflag:$0x5], $0xA000, $0x38;
	[tilespmem:$0x1EC00] =	vst v63  }
0x685: {  	_ =	swait.ge [sflag:s1], $0xA000  }
0x686: {  	[sflag:s1] =	ssyncset.done $0x0  }
0x687: {  	[sflag:s1] =	ssyncadd.s32 $0xFFFF6000  }
0x688: {  	p0 =	sne.s32 s0, $0x1;
	_ =	swait.ge [sflag:s23], $0xA000  }
.Ltmp0:
0x689: {  	[sflag:s23] =	ssyncset.done $0x0;
	(pc) =	sbr.rel @p0 .LBB2_1-.Ltmp0, $4  }
0x68a: {  	[sflag:s23] =	ssyncadd.s32 $0xFFFF6000  }
0x68b: {  	_ =	swait.ge [sflag:s25], $0xA000  }
0x68c: {  	[sflag:s25] =	ssyncset.done $0x0  }
0x68d: {  	s0 =	sadd.s32 $0xFFFFFFFF, s0;
	[sflag:s25] =	ssyncadd.s32 $0xFFFF6000  }
0x68e: {  	_ =	sfence.sel $0x180000  }
0x68f: {  	[bflag:$0x0] =	sbarrier.arrive $0xFFFF  }
0x690: {  	_ =	strace $0x90000047  }
0x691: {  	s0 =	stileid.u32;
	[bflag:$0x2] =	sbarrier.arrive $0xFFFF  }
0x692: {  	p0 =	sne.s32 s0, $0x0;
	s0 =	rddreg [dreg:$0x3]  }
0x693: {  	s0 =	sadd.s32 @!p0 $0x100000, s0  }
0x694: {  	[sflag:s0] =	ssyncadd.tile.s32 @!p0 $0x1;
	_ =	shalt  }
.Lfunc_end2:
_tile_overlayer_lowered:
.L_overlay_start_2:
0x695: {  	(tag) =	ssettag $0x2  }
0x696: {  	s0 =	rddreg [dreg:$0x0];
	s2 =	stileid.u32  }
0x697: {  	s1 =	rddreg [dreg:$0x1];
	p0 =	sne.s32 s2, $0x0  }
0x698: {  	s3 =	rddreg [dreg:$0x2];
	[bflag:$0x3] =	sbarrier.arrive $0xFFFF;
	s2 =	simm.s32 @!p0 $0x1C07  }
0x699: {  	[timem:s3], [sflag:s2] =	dma.local @!p0 [hbm:s0], s1  }
0x69a: {  	s0 =	simm.s32 @!p0 $0x7  }
0x69b: {  	_ =	swait.ge @!p0 [sflag:s0], s1  }
0x69c: {  	s1 =	ssub.s32 @!p0 $0x0, s1;
	[sflag:s0] =	ssyncset.done @!p0 $0x0  }
0x69d: {  	[sflag:s0] =	ssyncadd.s32 @!p0 s1  }
0x69e: {  	[bflag:$0x3] =	sbarrier.arrive $0xFFFF  }
0x69f: {  	_ =	shalt  }

</sc_bundles>
